<compile_context>
chip_gen: v7x
topology: tpu7x:2x2x1
jax: 0.10.2.dev20260603
libtpu: 0.0.44.dev20260713+nightly
codegen_flags: <defaults>
</compile_context>

<pallas_src>
import functools

import jax
import jax.numpy as jnp
from jax import lax
from jax.experimental import pallas as pl
from jax.experimental.pallas import tpu as pltpu
from jax.experimental.pallas import tpu_sc as plsc

_N = 10000
_E = 160000
_D = 128
_H = 3
_O = 1024
_NPAD = 10112
_NC = 2
_NS = 16
_NT = _NC * _NS
_EPT = _E // _NT
_RW = 128
_ROWS = 40
_EPTP = _ROWS * _RW


def _prep_body(ft_ref, wg_ref, al_ref, ar_ref, w1_ref, woutt_ref,
               bg_ref, b1r_ref, boutc_ref,
               tabs_ref, const_ref):
    dn = (((1,), (1,)), ((), ()))
    mmt = functools.partial(lax.dot_general, dimension_numbers=dn,
                            precision=lax.Precision.HIGHEST)
    v_all = mmt(woutt_ref[...], w1_ref[...])
    cb = jnp.sum(woutt_ref[...] * b1r_ref[...]) + boutc_ref[0, 0]
    rows = []
    for h in range(_H):
        wg_h = wg_ref[:, pl.ds(h * _O, _O)]
        vht = v_all[:, h * _O:(h + 1) * _O]
        lhs = jnp.concatenate(
            [al_ref[pl.ds(h, 1), :], ar_ref[pl.ds(h, 1), :], vht], axis=0)
        rows.append(mmt(lhs, wg_h))
        cb = cb + jnp.sum(vht * bg_ref[pl.ds(h, 1), :])
    tabs_ref[...] = mmt(jnp.concatenate(rows, axis=0), ft_ref[...])
    const_ref[...] = cb * jnp.ones((1, 1), jnp.float32)


def _edge_a_body(tabs_hbm, src_hbm, dst_hbm, zeros_hbm,
                 ee_hbm, pden_hbm,
                 src_v, dst_v, tab_el, tab_er, ee_v, dsh0, dsh1, dsh2):
    cid = lax.axis_index("c")
    sid = lax.axis_index("s")
    lin = cid * _NS + sid
    pltpu.sync_copy(src_hbm.at[lin], src_v)
    pltpu.sync_copy(dst_hbm.at[lin], dst_v)
    dshs = [dsh0, dsh1, dsh2]

    @pl.when(sid == 0)
    def _():
        for h in range(_H):
            pltpu.sync_copy(zeros_hbm, dshs[h])

    plsc.subcore_barrier()
    for h in range(_H):
        pltpu.sync_copy(tabs_hbm.at[pl.ds((3 * h) * _NPAD, _NPAD)], tab_el)
        pltpu.sync_copy(tabs_hbm.at[pl.ds((3 * h + 1) * _NPAD, _NPAD)], tab_er)

        @pl.loop(0, _ROWS)
        def _row(j):
            for k in range(_RW // 16):
                sl = pl.ds(k * 16, 16)
                s16 = src_v[j, sl]
                d16 = dst_v[j, sl]
                e = (plsc.load_gather(tab_el, [s16])
                     + plsc.load_gather(tab_er, [d16]))
                e = jnp.where(e >= 0, e, 0.2 * e)
                ee_v[j, sl] = jnp.exp(e)

        @pl.loop(0, _ROWS)
        def _scat(j):
            pltpu.sync_copy(ee_v.at[j], dshs[h].at[dst_v.at[j]], add=True)

        pltpu.sync_copy(ee_v, ee_hbm.at[h, lin])

    plsc.subcore_barrier()

    @pl.when(sid == 0)
    def _():
        base = pl.multiple_of(cid * (_H * _NPAD), 128)
        for h in range(_H):
            pltpu.sync_copy(dshs[h], pden_hbm.at[pl.ds(base + h * _NPAD, _NPAD)])


def _edge_b_body(src_hbm, dst_hbm, pden_hbm, tabs_hbm, ee_hbm,
                 out_hbm,
                 src_v, dst_v, den_v, den2_v, p_v, ee_v, acc_v):
    cid = lax.axis_index("c")
    sid = lax.axis_index("s")
    lin = cid * _NS + sid
    pltpu.sync_copy(src_hbm.at[lin], src_v)
    pltpu.sync_copy(dst_hbm.at[lin], dst_v)
    for h in range(_H):
        pltpu.sync_copy(pden_hbm.at[pl.ds(h * _NPAD, _NPAD)], den_v)
        pltpu.sync_copy(pden_hbm.at[pl.ds((_H + h) * _NPAD, _NPAD)], den2_v)
        pltpu.sync_copy(tabs_hbm.at[pl.ds((3 * h + 2) * _NPAD, _NPAD)], p_v)
        pltpu.sync_copy(ee_hbm.at[h, lin], ee_v)

        def _row(j, acc):
            for k in range(_RW // 16):
                sl = pl.ds(k * 16, 16)
                d16 = dst_v[j, sl]
                s16 = src_v[j, sl]
                den = (plsc.load_gather(den_v, [d16])
                       + plsc.load_gather(den2_v, [d16]))
                alpha = ee_v[j, sl] / jnp.maximum(den, 1e-9)
                acc = acc + alpha * plsc.load_gather(p_v, [s16])
            return acc

        acc = pl.loop(0, _ROWS, init_carry=jnp.zeros((16,), jnp.float32))(_row)
        acc_v[h, :] = acc
    pltpu.sync_copy(acc_v, out_hbm.at[cid, sid])


def _finish_body(part_ref, const_ref, out_ref):
    tot = jnp.sum(part_ref[...]) * (1.0 / _N) + const_ref[0, 0]
    out_ref[...] = tot * jnp.ones((1, 1), jnp.float32)


def kernel(feats, edge_index, W_gat, attn_l, attn_r, b_gat, W1, b1, Wout, bout):
    f32 = jnp.float32
    featsP = jnp.pad(feats, ((0, _NPAD - _N), (0, 0)))
    WoutT = Wout.T
    b1r = b1.reshape(1, _O)
    boutc = bout.reshape(1, 1)
    src = edge_index[0].reshape(_NT, _EPT)
    dst = edge_index[1].reshape(_NT, _EPT)
    src = jnp.pad(src, ((0, 0), (0, _EPTP - _EPT)),
                  constant_values=_N).reshape(_NT, _ROWS, _RW)
    dst = jnp.pad(dst, ((0, 0), (0, _EPTP - _EPT)),
                  constant_values=_N).reshape(_NT, _ROWS, _RW)
    zeros_n = jnp.zeros((_NPAD,), f32)

    tabs, const = pl.pallas_call(
        _prep_body,
        out_shape=(
            jax.ShapeDtypeStruct((3 * _H, _NPAD), f32),
            jax.ShapeDtypeStruct((1, 1), f32),
        ),
        name="gat_prep",
    )(featsP, W_gat, attn_l, attn_r, W1, WoutT, b_gat, b1r, boutc)
    tabs = tabs.reshape(3 * _H * _NPAD)

    mesh = plsc.VectorSubcoreMesh(core_axis_name="c", subcore_axis_name="s",
                                  num_cores=_NC, num_subcores=_NS)

    edge_a = functools.partial(
        pl.kernel,
        out_type=(
            jax.ShapeDtypeStruct((_H, _NT, _ROWS, _RW), f32),
            jax.ShapeDtypeStruct((_NC * _H * _NPAD,), f32),
        ),
        mesh=mesh,
        scratch_types=[
            pltpu.VMEM((_ROWS, _RW), jnp.int32),
            pltpu.VMEM((_ROWS, _RW), jnp.int32),
            pltpu.VMEM((_NPAD,), f32),
            pltpu.VMEM((_NPAD,), f32),
            pltpu.VMEM((_ROWS, _RW), f32),
            pltpu.VMEM_SHARED((_NPAD,), f32),
            pltpu.VMEM_SHARED((_NPAD,), f32),
            pltpu.VMEM_SHARED((_NPAD,), f32),
        ],
        compiler_params=pltpu.CompilerParams(needs_layout_passes=False),
        name="gat_edge_a",
    )(_edge_a_body)
    ee, pden = edge_a(tabs, src, dst, zeros_n)

    edge_b = functools.partial(
        pl.kernel,
        out_type=jax.ShapeDtypeStruct((_NC, _NS, _H, 16), f32),
        mesh=mesh,
        scratch_types=[
            pltpu.VMEM((_ROWS, _RW), jnp.int32),
            pltpu.VMEM((_ROWS, _RW), jnp.int32),
            pltpu.VMEM((_NPAD,), f32),
            pltpu.VMEM((_NPAD,), f32),
            pltpu.VMEM((_NPAD,), f32),
            pltpu.VMEM((_ROWS, _RW), f32),
            pltpu.VMEM((_H, 16), f32),
        ],
        compiler_params=pltpu.CompilerParams(needs_layout_passes=False),
        name="gat_edge_b",
    )(_edge_b_body)
    partials = edge_b(src, dst, pden, tabs, ee)

    out = pl.pallas_call(
        _finish_body,
        out_shape=jax.ShapeDtypeStruct((1, 1), f32),
        name="gat_finish",
    )(partials.reshape(_NT, _H * 16), const)
    return out.astype(jnp.float64)

# --- scband reference (transcript-rebuilt; emitter-appended) ---
"""Pipeline reference for scband-gatnet-1-9732395892847 (READ-ONLY COPY).

The authoritative reference and input builder live on the scoring server;
editing this copy changes nothing except your own understanding.
"""

import jax, jax.numpy as jnp
import numpy as np

N = 10000
E = 160000
D = 128
H = 3
O = 1024


def setup_inputs(seed: int = 0) -> dict:
    key = jax.random.key(seed)
    ks = jax.random.split(key, 12)
    feats = jax.random.normal(ks[0], (N, D), dtype=jnp.float32)
    edge_index = jax.random.randint(ks[1], (2, E), 0, N, dtype=jnp.int32)
    W_gat = jax.random.normal(ks[2], (D, H * O), dtype=jnp.float32) * 0.05
    attn_l = jax.random.normal(ks[3], (H, O), dtype=jnp.float32) * 0.05
    attn_r = jax.random.normal(ks[4], (H, O), dtype=jnp.float32) * 0.05
    b_gat = jnp.zeros((H, O), dtype=jnp.float32)
    W1 = jax.random.normal(ks[5], (H * O, O), dtype=jnp.float32) * 0.02
    b1 = jnp.zeros((O,), dtype=jnp.float32)
    Wout = jax.random.normal(ks[6], (O, 1), dtype=jnp.float32) * 0.02
    bout = jnp.zeros((1,), dtype=jnp.float32)
    return {"feats": feats, "edge_index": edge_index, "W_gat": W_gat,
            "attn_l": attn_l, "attn_r": attn_r, "b_gat": b_gat,
            "W1": W1, "b1": b1, "Wout": Wout, "bout": bout}


def reference(feats, edge_index, W_gat, attn_l, attn_r, b_gat, W1, b1, Wout, bout):
    n = feats.shape[0]
    src = edge_index[0]
    dst = edge_index[1]
    # GATConv (DGL semantics): fc -> per-head attention logits -> edge softmax -> weighted sum
    h = (feats @ W_gat).reshape(n, H, O)                      # (N, H, O)
    el = jnp.sum(h * attn_l[None, :, :], axis=-1)             # (N, H)
    er = jnp.sum(h * attn_r[None, :, :], axis=-1)             # (N, H)
    e = el[src] + er[dst]                                     # (E, H)
    e = jnp.where(e >= 0, e, 0.2 * e)                         # LeakyReLU(0.2), DGL default
    emax = jax.ops.segment_max(e, dst, num_segments=n)        # (N, H)
    emax = jnp.where(jnp.isfinite(emax), emax, 0.0)
    ee = jnp.exp(e - emax[dst])                               # (E, H)
    denom = jax.ops.segment_sum(ee, dst, num_segments=n)      # (N, H)
    alpha = ee / jnp.maximum(denom[dst], 1e-9)                # (E, H) edge softmax
    msg = h[src] * alpha[:, :, None]                          # (E, H, O) gather + weight
    rst = jax.ops.segment_sum(msg, dst, num_segments=n)       # (N, H, O) scatter-add
    rst = rst + b_gat[None, :, :]
    x = rst.reshape(n, H * O)                                 # flatten(1)
    x = x @ W1 + b1                                           # linear1A
    # nn.LeakyReLU(True) => negative_slope=1.0 => identity (faithful to the module)
    g = jnp.mean(x, axis=0, keepdims=True)                    # AvgPooling over single graph
    out = g @ Wout + bout                                     # (1, 1)
    return out.astype(jnp.float64)

if __name__ == "__main__":
    import jax
    _d = setup_inputs()
    print(jax.jit(kernel)(*tuple(_d.values())))

</pallas_src>

<mosaic_0001>
#map = affine_map<(d0, d1) -> (0)>
#map1 = affine_map<(d0, d1) -> (0, 0, 0)>
#map2 = affine_map<(d0, d1) -> (0, 0, 0, 0)>
module attributes {stable_mosaic.version = 14 : i64} {
  func.func @gat_edge_a(%arg0: i32, %arg1: i32, %arg2: memref<91008xf32, #tpu.memory_space<hbm>>, %arg3: memref<32x40x128xi32, #tpu.memory_space<hbm>>, %arg4: memref<32x40x128xi32, #tpu.memory_space<hbm>>, %arg5: memref<10112xf32, #tpu.memory_space<hbm>>, %arg6: memref<3x32x40x128xf32, #tpu.memory_space<hbm>>, %arg7: memref<60672xf32, #tpu.memory_space<hbm>>, %arg8: memref<40x128xi32, #tpu.memory_space<vmem>>, %arg9: memref<40x128xi32, #tpu.memory_space<vmem>>, %arg10: memref<10112xf32, #tpu.memory_space<vmem>>, %arg11: memref<10112xf32, #tpu.memory_space<vmem>>, %arg12: memref<40x128xf32, #tpu.memory_space<vmem>>, %arg13: memref<10112xf32, #tpu.memory_space<vmem_shared>>, %arg14: memref<10112xf32, #tpu.memory_space<vmem_shared>>, %arg15: memref<10112xf32, #tpu.memory_space<vmem_shared>>) attributes {dimension_semantics = [#tpu.dimension_semantics<core_parallel>, #tpu.dimension_semantics<subcore_parallel>], iteration_bounds = array<i64: 2, 16>, scalar_prefetch = 0 : i64, scratch_operands = 8 : i64, tpu.core_type = #tpu.core_type<sc_vector_subcore>, window_params = [{transform_indices = #map}, {transform_indices = #map1}, {transform_indices = #map1}, {transform_indices = #map}, {transform_indices = #map2}, {transform_indices = #map}]} {
    %mul3A = arith.constant 16 : i32
    %mul3A_0 = arith.muli %arg0, %mul3A : i32
    %add3A = arith.addi %mul3A_0, %arg1 : i32
    "tpu.region"() ({
      %run_scoped3A_40 = tpu.sem_alloc : memref<!tpu.dma_semaphore, #tpu.memory_space<semaphore_mem>>
      %dma_start3A = arith.constant 0 : i32
      %dma_start3A_41 = arith.constant 0 : i32
      %dma_start3A_42 = tpu.memref_slice %arg3[%add3A, %dma_start3A, %dma_start3A_41] : memref<32x40x128xi32, #tpu.memory_space<hbm>> -> memref<1x40x128xi32, #tpu.memory_space<hbm>>
      %dma_start3A_43 = tpu.memref_squeeze %dma_start3A_42 : memref<1x40x128xi32, #tpu.memory_space<hbm>> -> memref<40x128xi32, #tpu.memory_space<hbm>>
      %dma_start3A_44 = arith.constant 0 : i32
      %dma_start3A_45 = arith.constant 0 : i32
      %dma_start3A_46 = tpu.memref_slice %arg3[%add3A, %dma_start3A_44, %dma_start3A_45] : memref<32x40x128xi32, #tpu.memory_space<hbm>> -> memref<1x40x128xi32, #tpu.memory_space<hbm>>
      %dma_start3A_47 = tpu.memref_squeeze %dma_start3A_46 : memref<1x40x128xi32, #tpu.memory_space<hbm>> -> memref<40x128xi32, #tpu.memory_space<hbm>>
      tpu.enqueue_dma source(%dma_start3A_47 : memref<40x128xi32, #tpu.memory_space<hbm>>) target(%arg8 : memref<40x128xi32, #tpu.memory_space<vmem>>) target_semaphore(%run_scoped3A_40 : memref<!tpu.dma_semaphore, #tpu.memory_space<semaphore_mem>>)
      %dma_wait3A = arith.constant 0 : i32
      %dma_wait3A_48 = arith.constant 0 : i32
      %dma_wait3A_49 = tpu.memref_slice %arg3[%add3A, %dma_wait3A, %dma_wait3A_48] : memref<32x40x128xi32, #tpu.memory_space<hbm>> -> memref<1x40x128xi32, #tpu.memory_space<hbm>>
      %dma_wait3A_50 = tpu.memref_squeeze %dma_wait3A_49 : memref<1x40x128xi32, #tpu.memory_space<hbm>> -> memref<40x128xi32, #tpu.memory_space<hbm>>
      %dma_wait3A_51 = arith.constant 0 : i32
      %dma_wait3A_52 = arith.constant 0 : i32
      %dma_wait3A_53 = tpu.memref_slice %arg3[%add3A, %dma_wait3A_51, %dma_wait3A_52] : memref<32x40x128xi32, #tpu.memory_space<hbm>> -> memref<1x40x128xi32, #tpu.memory_space<hbm>>
      %dma_wait3A_54 = tpu.memref_squeeze %dma_wait3A_53 : memref<1x40x128xi32, #tpu.memory_space<hbm>> -> memref<40x128xi32, #tpu.memory_space<hbm>>
      tpu.wait_dma2 semaphore(%run_scoped3A_40 : memref<!tpu.dma_semaphore, #tpu.memory_space<semaphore_mem>>) src(%dma_wait3A_54 : memref<40x128xi32, #tpu.memory_space<hbm>>) dst(%arg8 : memref<40x128xi32, #tpu.memory_space<vmem>>)
      tpu.yield
    }) : () -> ()
    "tpu.region"() ({
      %run_scoped3A_40 = tpu.sem_alloc : memref<!tpu.dma_semaphore, #tpu.memory_space<semaphore_mem>>
      %dma_start3A = arith.constant 0 : i32
      %dma_start3A_41 = arith.constant 0 : i32
      %dma_start3A_42 = tpu.memref_slice %arg4[%add3A, %dma_start3A, %dma_start3A_41] : memref<32x40x128xi32, #tpu.memory_space<hbm>> -> memref<1x40x128xi32, #tpu.memory_space<hbm>>
      %dma_start3A_43 = tpu.memref_squeeze %dma_start3A_42 : memref<1x40x128xi32, #tpu.memory_space<hbm>> -> memref<40x128xi32, #tpu.memory_space<hbm>>
      %dma_start3A_44 = arith.constant 0 : i32
      %dma_start3A_45 = arith.constant 0 : i32
      %dma_start3A_46 = tpu.memref_slice %arg4[%add3A, %dma_start3A_44, %dma_start3A_45] : memref<32x40x128xi32, #tpu.memory_space<hbm>> -> memref<1x40x128xi32, #tpu.memory_space<hbm>>
      %dma_start3A_47 = tpu.memref_squeeze %dma_start3A_46 : memref<1x40x128xi32, #tpu.memory_space<hbm>> -> memref<40x128xi32, #tpu.memory_space<hbm>>
      tpu.enqueue_dma source(%dma_start3A_47 : memref<40x128xi32, #tpu.memory_space<hbm>>) target(%arg9 : memref<40x128xi32, #tpu.memory_space<vmem>>) target_semaphore(%run_scoped3A_40 : memref<!tpu.dma_semaphore, #tpu.memory_space<semaphore_mem>>)
      %dma_wait3A = arith.constant 0 : i32
      %dma_wait3A_48 = arith.constant 0 : i32
      %dma_wait3A_49 = tpu.memref_slice %arg4[%add3A, %dma_wait3A, %dma_wait3A_48] : memref<32x40x128xi32, #tpu.memory_space<hbm>> -> memref<1x40x128xi32, #tpu.memory_space<hbm>>
      %dma_wait3A_50 = tpu.memref_squeeze %dma_wait3A_49 : memref<1x40x128xi32, #tpu.memory_space<hbm>> -> memref<40x128xi32, #tpu.memory_space<hbm>>
      %dma_wait3A_51 = arith.constant 0 : i32
      %dma_wait3A_52 = arith.constant 0 : i32
      %dma_wait3A_53 = tpu.memref_slice %arg4[%add3A, %dma_wait3A_51, %dma_wait3A_52] : memref<32x40x128xi32, #tpu.memory_space<hbm>> -> memref<1x40x128xi32, #tpu.memory_space<hbm>>
      %dma_wait3A_54 = tpu.memref_squeeze %dma_wait3A_53 : memref<1x40x128xi32, #tpu.memory_space<hbm>> -> memref<40x128xi32, #tpu.memory_space<hbm>>
      tpu.wait_dma2 semaphore(%run_scoped3A_40 : memref<!tpu.dma_semaphore, #tpu.memory_space<semaphore_mem>>) src(%dma_wait3A_54 : memref<40x128xi32, #tpu.memory_space<hbm>>) dst(%arg9 : memref<40x128xi32, #tpu.memory_space<vmem>>)
      tpu.yield
    }) : () -> ()
    %eq3A = arith.constant 0 : i32
    %eq3A_1 = arith.cmpi eq, %arg1, %eq3A : i32
    %convert_element_type3A = arith.extui %eq3A_1 : i1 to i32
    %cond3A = arith.constant 0 : i32
    %cond3A_2 = arith.cmpi ne, %convert_element_type3A, %cond3A : i32
    scf.if %cond3A_2 {
      "tpu.region"() ({
        %run_scoped3A_40 = tpu.sem_alloc : memref<!tpu.dma_semaphore, #tpu.memory_space<semaphore_mem>>
        tpu.enqueue_dma source(%arg5 : memref<10112xf32, #tpu.memory_space<hbm>>) target(%arg13 : memref<10112xf32, #tpu.memory_space<vmem_shared>>) target_semaphore(%run_scoped3A_40 : memref<!tpu.dma_semaphore, #tpu.memory_space<semaphore_mem>>)
        tpu.wait_dma2 semaphore(%run_scoped3A_40 : memref<!tpu.dma_semaphore, #tpu.memory_space<semaphore_mem>>) src(%arg5 : memref<10112xf32, #tpu.memory_space<hbm>>) dst(%arg13 : memref<10112xf32, #tpu.memory_space<vmem_shared>>)
        tpu.yield
      }) : () -> ()
      "tpu.region"() ({
        %run_scoped3A_40 = tpu.sem_alloc : memref<!tpu.dma_semaphore, #tpu.memory_space<semaphore_mem>>
        tpu.enqueue_dma source(%arg5 : memref<10112xf32, #tpu.memory_space<hbm>>) target(%arg14 : memref<10112xf32, #tpu.memory_space<vmem_shared>>) target_semaphore(%run_scoped3A_40 : memref<!tpu.dma_semaphore, #tpu.memory_space<semaphore_mem>>)
        tpu.wait_dma2 semaphore(%run_scoped3A_40 : memref<!tpu.dma_semaphore, #tpu.memory_space<semaphore_mem>>) src(%arg5 : memref<10112xf32, #tpu.memory_space<hbm>>) dst(%arg14 : memref<10112xf32, #tpu.memory_space<vmem_shared>>)
        tpu.yield
      }) : () -> ()
      "tpu.region"() ({
        %run_scoped3A_40 = tpu.sem_alloc : memref<!tpu.dma_semaphore, #tpu.memory_space<semaphore_mem>>
        tpu.enqueue_dma source(%arg5 : memref<10112xf32, #tpu.memory_space<hbm>>) target(%arg15 : memref<10112xf32, #tpu.memory_space<vmem_shared>>) target_semaphore(%run_scoped3A_40 : memref<!tpu.dma_semaphore, #tpu.memory_space<semaphore_mem>>)
        tpu.wait_dma2 semaphore(%run_scoped3A_40 : memref<!tpu.dma_semaphore, #tpu.memory_space<semaphore_mem>>) src(%arg5 : memref<10112xf32, #tpu.memory_space<hbm>>) dst(%arg15 : memref<10112xf32, #tpu.memory_space<vmem_shared>>)
        tpu.yield
      }) : () -> ()
    } else {
    }
    %barrier3A = arith.constant 0 : index
    tpu.barrier barrier_id(%barrier3A)
    "tpu.region"() ({
      %run_scoped3A_40 = tpu.sem_alloc : memref<!tpu.dma_semaphore, #tpu.memory_space<semaphore_mem>>
      %dma_start3A = arith.constant 0 : i32
      %dma_start3A_41 = tpu.memref_slice %arg2[%dma_start3A] : memref<91008xf32, #tpu.memory_space<hbm>> -> memref<10112xf32, #tpu.memory_space<hbm>>
      %dma_start3A_42 = arith.constant 0 : i32
      %dma_start3A_43 = tpu.memref_slice %arg2[%dma_start3A_42] : memref<91008xf32, #tpu.memory_space<hbm>> -> memref<10112xf32, #tpu.memory_space<hbm>>
      tpu.enqueue_dma source(%dma_start3A_43 : memref<10112xf32, #tpu.memory_space<hbm>>) target(%arg10 : memref<10112xf32, #tpu.memory_space<vmem>>) target_semaphore(%run_scoped3A_40 : memref<!tpu.dma_semaphore, #tpu.memory_space<semaphore_mem>>)
      %dma_wait3A = arith.constant 0 : i32
      %dma_wait3A_44 = tpu.memref_slice %arg2[%dma_wait3A] : memref<91008xf32, #tpu.memory_space<hbm>> -> memref<10112xf32, #tpu.memory_space<hbm>>
      %dma_wait3A_45 = arith.constant 0 : i32
      %dma_wait3A_46 = tpu.memref_slice %arg2[%dma_wait3A_45] : memref<91008xf32, #tpu.memory_space<hbm>> -> memref<10112xf32, #tpu.memory_space<hbm>>
      tpu.wait_dma2 semaphore(%run_scoped3A_40 : memref<!tpu.dma_semaphore, #tpu.memory_space<semaphore_mem>>) src(%dma_wait3A_46 : memref<10112xf32, #tpu.memory_space<hbm>>) dst(%arg10 : memref<10112xf32, #tpu.memory_space<vmem>>)
      tpu.yield
    }) : () -> ()
    "tpu.region"() ({
      %run_scoped3A_40 = tpu.sem_alloc : memref<!tpu.dma_semaphore, #tpu.memory_space<semaphore_mem>>
      %dma_start3A = arith.constant 10112 : i32
      %dma_start3A_41 = tpu.memref_slice %arg2[%dma_start3A] : memref<91008xf32, #tpu.memory_space<hbm>> -> memref<10112xf32, #tpu.memory_space<hbm>>
      %dma_start3A_42 = arith.constant 10112 : i32
      %dma_start3A_43 = tpu.memref_slice %arg2[%dma_start3A_42] : memref<91008xf32, #tpu.memory_space<hbm>> -> memref<10112xf32, #tpu.memory_space<hbm>>
      tpu.enqueue_dma source(%dma_start3A_43 : memref<10112xf32, #tpu.memory_space<hbm>>) target(%arg11 : memref<10112xf32, #tpu.memory_space<vmem>>) target_semaphore(%run_scoped3A_40 : memref<!tpu.dma_semaphore, #tpu.memory_space<semaphore_mem>>)
      %dma_wait3A = arith.constant 10112 : i32
      %dma_wait3A_44 = tpu.memref_slice %arg2[%dma_wait3A] : memref<91008xf32, #tpu.memory_space<hbm>> -> memref<10112xf32, #tpu.memory_space<hbm>>
      %dma_wait3A_45 = arith.constant 10112 : i32
      %dma_wait3A_46 = tpu.memref_slice %arg2[%dma_wait3A_45] : memref<91008xf32, #tpu.memory_space<hbm>> -> memref<10112xf32, #tpu.memory_space<hbm>>
      tpu.wait_dma2 semaphore(%run_scoped3A_40 : memref<!tpu.dma_semaphore, #tpu.memory_space<semaphore_mem>>) src(%dma_wait3A_46 : memref<10112xf32, #tpu.memory_space<hbm>>) dst(%arg11 : memref<10112xf32, #tpu.memory_space<vmem>>)
      tpu.yield
    }) : () -> ()
    %scan3A = arith.constant 0 : i32
    %scan3A_3 = arith.constant 40 : i32
    %scan3A_4 = arith.addi %scan3A, %scan3A_3 : i32
    %scan3A_5 = arith.constant 1 : i32
    scf.for %scan3A_40 = %scan3A to %scan3A_4 step %scan3A_5  : i32 {
      %mul3A_41 = arith.constant 1 : i32
      %mul3A_42 = arith.muli %scan3A_40, %mul3A_41 : i32
      %add3A_43 = arith.constant 0 : i32
      %add3A_44 = arith.addi %add3A_43, %mul3A_42 : i32
      %get3A = arith.index_cast %add3A_44 : i32 to index
      %get3A_45 = arith.constant 0 : index
      %get3A_46 = tpu.vector_load %arg8[%get3A, %get3A_45] {strides = array<i32>} : memref<40x128xi32, #tpu.memory_space<vmem>>, vector<16xi32>,
      %get3A_47 = arith.index_cast %add3A_44 : i32 to index
      %get3A_48 = arith.constant 0 : index
      %get3A_49 = tpu.vector_load %arg9[%get3A_47, %get3A_48] {strides = array<i32>} : memref<40x128xi32, #tpu.memory_space<vmem>>, vector<16xi32>,
      %gather3A = tpu.vector_load_idx %arg10[%get3A_46] : memref<10112xf32, #tpu.memory_space<vmem>>[vector<16xi32>], vector<16xf32>,
      %gather3A_50 = tpu.vector_load_idx %arg11[%get3A_49] : memref<10112xf32, #tpu.memory_space<vmem>>[vector<16xi32>], vector<16xf32>,
      %add3A_51 = arith.addf %gather3A, %gather3A_50 : vector<16xf32>
      %ge3A = arith.constant 0.000000e+00 : f32
      %ge3A_52 = vector.broadcast %ge3A : f32 to vector<16xf32>
      %ge3A_53 = arith.cmpf oge, %add3A_51, %ge3A_52 : vector<16xf32>
      %mul3A_54 = arith.constant 2.000000e-01 : f32
      %mul3A_55 = vector.broadcast %mul3A_54 : f32 to vector<16xf32>
      %mul3A_56 = arith.mulf %mul3A_55, %add3A_51 : vector<16xf32>
      %select_n3A = arith.select %ge3A_53, %add3A_51, %mul3A_56 : vector<16xi1>, vector<16xf32>
      %exp3A = math.exp %select_n3A : vector<16xf32>
      %swap3A = arith.index_cast %add3A_44 : i32 to index
      %swap3A_57 = arith.constant 0 : index
      %swap3A_58 = tpu.vector_load %arg12[%swap3A, %swap3A_57] {strides = array<i32>} : memref<40x128xf32, #tpu.memory_space<vmem>>, vector<16xf32>,
      tpu.vector_store %arg12[%swap3A, %swap3A_57], %exp3A {strides = array<i32>} : memref<40x128xf32, #tpu.memory_space<vmem>>, vector<16xf32>,
      %get3A_59 = arith.index_cast %add3A_44 : i32 to index
      %get3A_60 = arith.constant 16 : index
      %get3A_61 = tpu.vector_load %arg8[%get3A_59, %get3A_60] {strides = array<i32>} : memref<40x128xi32, #tpu.memory_space<vmem>>, vector<16xi32>,
      %get3A_62 = arith.index_cast %add3A_44 : i32 to index
      %get3A_63 = arith.constant 16 : index
      %get3A_64 = tpu.vector_load %arg9[%get3A_62, %get3A_63] {strides = array<i32>} : memref<40x128xi32, #tpu.memory_space<vmem>>, vector<16xi32>,
      %gather3A_65 = tpu.vector_load_idx %arg10[%get3A_61] : memref<10112xf32, #tpu.memory_space<vmem>>[vector<16xi32>], vector<16xf32>,
      %gather3A_66 = tpu.vector_load_idx %arg11[%get3A_64] : memref<10112xf32, #tpu.memory_space<vmem>>[vector<16xi32>], vector<16xf32>,
      %add3A_67 = arith.addf %gather3A_65, %gather3A_66 : vector<16xf32>
      %ge3A_68 = arith.constant 0.000000e+00 : f32
      %ge3A_69 = vector.broadcast %ge3A_68 : f32 to vector<16xf32>
      %ge3A_70 = arith.cmpf oge, %add3A_67, %ge3A_69 : vector<16xf32>
      %mul3A_71 = arith.constant 2.000000e-01 : f32
      %mul3A_72 = vector.broadcast %mul3A_71 : f32 to vector<16xf32>
      %mul3A_73 = arith.mulf %mul3A_72, %add3A_67 : vector<16xf32>
      %select_n3A_74 = arith.select %ge3A_70, %add3A_67, %mul3A_73 : vector<16xi1>, vector<16xf32>
      %exp3A_75 = math.exp %select_n3A_74 : vector<16xf32>
      %swap3A_76 = arith.index_cast %add3A_44 : i32 to index
      %swap3A_77 = arith.constant 16 : index
      %swap3A_78 = tpu.vector_load %arg12[%swap3A_76, %swap3A_77] {strides = array<i32>} : memref<40x128xf32, #tpu.memory_space<vmem>>, vector<16xf32>,
      tpu.vector_store %arg12[%swap3A_76, %swap3A_77], %exp3A_75 {strides = array<i32>} : memref<40x128xf32, #tpu.memory_space<vmem>>, vector<16xf32>,
      %get3A_79 = arith.index_cast %add3A_44 : i32 to index
      %get3A_80 = arith.constant 32 : index
      %get3A_81 = tpu.vector_load %arg8[%get3A_79, %get3A_80] {strides = array<i32>} : memref<40x128xi32, #tpu.memory_space<vmem>>, vector<16xi32>,
      %get3A_82 = arith.index_cast %add3A_44 : i32 to index
      %get3A_83 = arith.constant 32 : index
      %get3A_84 = tpu.vector_load %arg9[%get3A_82, %get3A_83] {strides = array<i32>} : memref<40x128xi32, #tpu.memory_space<vmem>>, vector<16xi32>,
      %gather3A_85 = tpu.vector_load_idx %arg10[%get3A_81] : memref<10112xf32, #tpu.memory_space<vmem>>[vector<16xi32>], vector<16xf32>,
      %gather3A_86 = tpu.vector_load_idx %arg11[%get3A_84] : memref<10112xf32, #tpu.memory_space<vmem>>[vector<16xi32>], vector<16xf32>,
      %add3A_87 = arith.addf %gather3A_85, %gather3A_86 : vector<16xf32>
      %ge3A_88 = arith.constant 0.000000e+00 : f32
      %ge3A_89 = vector.broadcast %ge3A_88 : f32 to vector<16xf32>
      %ge3A_90 = arith.cmpf oge, %add3A_87, %ge3A_89 : vector<16xf32>
      %mul3A_91 = arith.constant 2.000000e-01 : f32
      %mul3A_92 = vector.broadcast %mul3A_91 : f32 to vector<16xf32>
      %mul3A_93 = arith.mulf %mul3A_92, %add3A_87 : vector<16xf32>
      %select_n3A_94 = arith.select %ge3A_90, %add3A_87, %mul3A_93 : vector<16xi1>, vector<16xf32>
      %exp3A_95 = math.exp %select_n3A_94 : vector<16xf32>
      %swap3A_96 = arith.index_cast %add3A_44 : i32 to index
      %swap3A_97 = arith.constant 32 : index
      %swap3A_98 = tpu.vector_load %arg12[%swap3A_96, %swap3A_97] {strides = array<i32>} : memref<40x128xf32, #tpu.memory_space<vmem>>, vector<16xf32>,
      tpu.vector_store %arg12[%swap3A_96, %swap3A_97], %exp3A_95 {strides = array<i32>} : memref<40x128xf32, #tpu.memory_space<vmem>>, vector<16xf32>,
      %get3A_99 = arith.index_cast %add3A_44 : i32 to index
      %get3A_100 = arith.constant 48 : index
      %get3A_101 = tpu.vector_load %arg8[%get3A_99, %get3A_100] {strides = array<i32>} : memref<40x128xi32, #tpu.memory_space<vmem>>, vector<16xi32>,
      %get3A_102 = arith.index_cast %add3A_44 : i32 to index
      %get3A_103 = arith.constant 48 : index
      %get3A_104 = tpu.vector_load %arg9[%get3A_102, %get3A_103] {strides = array<i32>} : memref<40x128xi32, #tpu.memory_space<vmem>>, vector<16xi32>,
      %gather3A_105 = tpu.vector_load_idx %arg10[%get3A_101] : memref<10112xf32, #tpu.memory_space<vmem>>[vector<16xi32>], vector<16xf32>,
      %gather3A_106 = tpu.vector_load_idx %arg11[%get3A_104] : memref<10112xf32, #tpu.memory_space<vmem>>[vector<16xi32>], vector<16xf32>,
      %add3A_107 = arith.addf %gather3A_105, %gather3A_106 : vector<16xf32>
      %ge3A_108 = arith.constant 0.000000e+00 : f32
      %ge3A_109 = vector.broadcast %ge3A_108 : f32 to vector<16xf32>
      %ge3A_110 = arith.cmpf oge, %add3A_107, %ge3A_109 : vector<16xf32>
      %mul3A_111 = arith.constant 2.000000e-01 : f32
      %mul3A_112 = vector.broadcast %mul3A_111 : f32 to vector<16xf32>
      %mul3A_113 = arith.mulf %mul3A_112, %add3A_107 : vector<16xf32>
      %select_n3A_114 = arith.select %ge3A_110, %add3A_107, %mul3A_113 : vector<16xi1>, vector<16xf32>
      %exp3A_115 = math.exp %select_n3A_114 : vector<16xf32>
      %swap3A_116 = arith.index_cast %add3A_44 : i32 to index
      %swap3A_117 = arith.constant 48 : index
      %swap3A_118 = tpu.vector_load %arg12[%swap3A_116, %swap3A_117] {strides = array<i32>} : memref<40x128xf32, #tpu.memory_space<vmem>>, vector<16xf32>,
      tpu.vector_store %arg12[%swap3A_116, %swap3A_117], %exp3A_115 {strides = array<i32>} : memref<40x128xf32, #tpu.memory_space<vmem>>, vector<16xf32>,
      %get3A_119 = arith.index_cast %add3A_44 : i32 to index
      %get3A_120 = arith.constant 64 : index
      %get3A_121 = tpu.vector_load %arg8[%get3A_119, %get3A_120] {strides = array<i32>} : memref<40x128xi32, #tpu.memory_space<vmem>>, vector<16xi32>,
      %get3A_122 = arith.index_cast %add3A_44 : i32 to index
      %get3A_123 = arith.constant 64 : index
      %get3A_124 = tpu.vector_load %arg9[%get3A_122, %get3A_123] {strides = array<i32>} : memref<40x128xi32, #tpu.memory_space<vmem>>, vector<16xi32>,
      %gather3A_125 = tpu.vector_load_idx %arg10[%get3A_121] : memref<10112xf32, #tpu.memory_space<vmem>>[vector<16xi32>], vector<16xf32>,
      %gather3A_126 = tpu.vector_load_idx %arg11[%get3A_124] : memref<10112xf32, #tpu.memory_space<vmem>>[vector<16xi32>], vector<16xf32>,
      %add3A_127 = arith.addf %gather3A_125, %gather3A_126 : vector<16xf32>
      %ge3A_128 = arith.constant 0.000000e+00 : f32
      %ge3A_129 = vector.broadcast %ge3A_128 : f32 to vector<16xf32>
      %ge3A_130 = arith.cmpf oge, %add3A_127, %ge3A_129 : vector<16xf32>
      %mul3A_131 = arith.constant 2.000000e-01 : f32
      %mul3A_132 = vector.broadcast %mul3A_131 : f32 to vector<16xf32>
      %mul3A_133 = arith.mulf %mul3A_132, %add3A_127 : vector<16xf32>
      %select_n3A_134 = arith.select %ge3A_130, %add3A_127, %mul3A_133 : vector<16xi1>, vector<16xf32>
      %exp3A_135 = math.exp %select_n3A_134 : vector<16xf32>
      %swap3A_136 = arith.index_cast %add3A_44 : i32 to index
      %swap3A_137 = arith.constant 64 : index
      %swap3A_138 = tpu.vector_load %arg12[%swap3A_136, %swap3A_137] {strides = array<i32>} : memref<40x128xf32, #tpu.memory_space<vmem>>, vector<16xf32>,
      tpu.vector_store %arg12[%swap3A_136, %swap3A_137], %exp3A_135 {strides = array<i32>} : memref<40x128xf32, #tpu.memory_space<vmem>>, vector<16xf32>,
      %get3A_139 = arith.index_cast %add3A_44 : i32 to index
      %get3A_140 = arith.constant 80 : index
      %get3A_141 = tpu.vector_load %arg8[%get3A_139, %get3A_140] {strides = array<i32>} : memref<40x128xi32, #tpu.memory_space<vmem>>, vector<16xi32>,
      %get3A_142 = arith.index_cast %add3A_44 : i32 to index
      %get3A_143 = arith.constant 80 : index
      %get3A_144 = tpu.vector_load %arg9[%get3A_142, %get3A_143] {strides = array<i32>} : memref<40x128xi32, #tpu.memory_space<vmem>>, vector<16xi32>,
      %gather3A_145 = tpu.vector_load_idx %arg10[%get3A_141] : memref<10112xf32, #tpu.memory_space<vmem>>[vector<16xi32>], vector<16xf32>,
      %gather3A_146 = tpu.vector_load_idx %arg11[%get3A_144] : memref<10112xf32, #tpu.memory_space<vmem>>[vector<16xi32>], vector<16xf32>,
      %add3A_147 = arith.addf %gather3A_145, %gather3A_146 : vector<16xf32>
      %ge3A_148 = arith.constant 0.000000e+00 : f32
      %ge3A_149 = vector.broadcast %ge3A_148 : f32 to vector<16xf32>
      %ge3A_150 = arith.cmpf oge, %add3A_147, %ge3A_149 : vector<16xf32>
      %mul3A_151 = arith.constant 2.000000e-01 : f32
      %mul3A_152 = vector.broadcast %mul3A_151 : f32 to vector<16xf32>
      %mul3A_153 = arith.mulf %mul3A_152, %add3A_147 : vector<16xf32>
      %select_n3A_154 = arith.select %ge3A_150, %add3A_147, %mul3A_153 : vector<16xi1>, vector<16xf32>
      %exp3A_155 = math.exp %select_n3A_154 : vector<16xf32>
      %swap3A_156 = arith.index_cast %add3A_44 : i32 to index
      %swap3A_157 = arith.constant 80 : index
      %swap3A_158 = tpu.vector_load %arg12[%swap3A_156, %swap3A_157] {strides = array<i32>} : memref<40x128xf32, #tpu.memory_space<vmem>>, vector<16xf32>,
      tpu.vector_store %arg12[%swap3A_156, %swap3A_157], %exp3A_155 {strides = array<i32>} : memref<40x128xf32, #tpu.memory_space<vmem>>, vector<16xf32>,
      %get3A_159 = arith.index_cast %add3A_44 : i32 to index
      %get3A_160 = arith.constant 96 : index
      %get3A_161 = tpu.vector_load %arg8[%get3A_159, %get3A_160] {strides = array<i32>} : memref<40x128xi32, #tpu.memory_space<vmem>>, vector<16xi32>,
      %get3A_162 = arith.index_cast %add3A_44 : i32 to index
      %get3A_163 = arith.constant 96 : index
      %get3A_164 = tpu.vector_load %arg9[%get3A_162, %get3A_163] {strides = array<i32>} : memref<40x128xi32, #tpu.memory_space<vmem>>, vector<16xi32>,
      %gather3A_165 = tpu.vector_load_idx %arg10[%get3A_161] : memref<10112xf32, #tpu.memory_space<vmem>>[vector<16xi32>], vector<16xf32>,
      %gather3A_166 = tpu.vector_load_idx %arg11[%get3A_164] : memref<10112xf32, #tpu.memory_space<vmem>>[vector<16xi32>], vector<16xf32>,
      %add3A_167 = arith.addf %gather3A_165, %gather3A_166 : vector<16xf32>
      %ge3A_168 = arith.constant 0.000000e+00 : f32
      %ge3A_169 = vector.broadcast %ge3A_168 : f32 to vector<16xf32>
      %ge3A_170 = arith.cmpf oge, %add3A_167, %ge3A_169 : vector<16xf32>
      %mul3A_171 = arith.constant 2.000000e-01 : f32
      %mul3A_172 = vector.broadcast %mul3A_171 : f32 to vector<16xf32>
      %mul3A_173 = arith.mulf %mul3A_172, %add3A_167 : vector<16xf32>
      %select_n3A_174 = arith.select %ge3A_170, %add3A_167, %mul3A_173 : vector<16xi1>, vector<16xf32>
      %exp3A_175 = math.exp %select_n3A_174 : vector<16xf32>
      %swap3A_176 = arith.index_cast %add3A_44 : i32 to index
      %swap3A_177 = arith.constant 96 : index
      %swap3A_178 = tpu.vector_load %arg12[%swap3A_176, %swap3A_177] {strides = array<i32>} : memref<40x128xf32, #tpu.memory_space<vmem>>, vector<16xf32>,
      tpu.vector_store %arg12[%swap3A_176, %swap3A_177], %exp3A_175 {strides = array<i32>} : memref<40x128xf32, #tpu.memory_space<vmem>>, vector<16xf32>,
      %get3A_179 = arith.index_cast %add3A_44 : i32 to index
      %get3A_180 = arith.constant 112 : index
      %get3A_181 = tpu.vector_load %arg8[%get3A_179, %get3A_180] {strides = array<i32>} : memref<40x128xi32, #tpu.memory_space<vmem>>, vector<16xi32>,
      %get3A_182 = arith.index_cast %add3A_44 : i32 to index
      %get3A_183 = arith.constant 112 : index
      %get3A_184 = tpu.vector_load %arg9[%get3A_182, %get3A_183] {strides = array<i32>} : memref<40x128xi32, #tpu.memory_space<vmem>>, vector<16xi32>,
      %gather3A_185 = tpu.vector_load_idx %arg10[%get3A_181] : memref<10112xf32, #tpu.memory_space<vmem>>[vector<16xi32>], vector<16xf32>,
      %gather3A_186 = tpu.vector_load_idx %arg11[%get3A_184] : memref<10112xf32, #tpu.memory_space<vmem>>[vector<16xi32>], vector<16xf32>,
      %add3A_187 = arith.addf %gather3A_185, %gather3A_186 : vector<16xf32>
      %ge3A_188 = arith.constant 0.000000e+00 : f32
      %ge3A_189 = vector.broadcast %ge3A_188 : f32 to vector<16xf32>
      %ge3A_190 = arith.cmpf oge, %add3A_187, %ge3A_189 : vector<16xf32>
      %mul3A_191 = arith.constant 2.000000e-01 : f32
      %mul3A_192 = vector.broadcast %mul3A_191 : f32 to vector<16xf32>
      %mul3A_193 = arith.mulf %mul3A_192, %add3A_187 : vector<16xf32>
      %select_n3A_194 = arith.select %ge3A_190, %add3A_187, %mul3A_193 : vector<16xi1>, vector<16xf32>
      %exp3A_195 = math.exp %select_n3A_194 : vector<16xf32>
      %swap3A_196 = arith.index_cast %add3A_44 : i32 to index
      %swap3A_197 = arith.constant 112 : index
      %swap3A_198 = tpu.vector_load %arg12[%swap3A_196, %swap3A_197] {strides = array<i32>} : memref<40x128xf32, #tpu.memory_space<vmem>>, vector<16xf32>,
      tpu.vector_store %arg12[%swap3A_196, %swap3A_197], %exp3A_195 {strides = array<i32>} : memref<40x128xf32, #tpu.memory_space<vmem>>, vector<16xf32>,
    }
    %scan3A_6 = arith.constant 40 : i32
    %scan3A_7 = arith.constant 0 : i32
    %scan3A_8 = arith.constant 40 : i32
    %scan3A_9 = arith.addi %scan3A_7, %scan3A_8 : i32
    %scan3A_10 = arith.constant 1 : i32
    scf.for %scan3A_40 = %scan3A_7 to %scan3A_9 step %scan3A_10  : i32 {
      %mul3A_41 = arith.constant 1 : i32
      %mul3A_42 = arith.muli %scan3A_40, %mul3A_41 : i32
      %add3A_43 = arith.constant 0 : i32
      %add3A_44 = arith.addi %add3A_43, %mul3A_42 : i32
      "tpu.region"() ({
        %run_scoped3A_45 = tpu.sem_alloc : memref<!tpu.dma_semaphore, #tpu.memory_space<semaphore_mem>>
        %dma_start3A = arith.constant 0 : i32
        %dma_start3A_46 = tpu.memref_slice %arg12[%add3A_44, %dma_start3A] : memref<40x128xf32, #tpu.memory_space<vmem>> -> memref<1x128xf32, #tpu.memory_space<vmem>>
        %dma_start3A_47 = tpu.memref_squeeze %dma_start3A_46 : memref<1x128xf32, #tpu.memory_space<vmem>> -> memref<128xf32, #tpu.memory_space<vmem>>
        %dma_start3A_48 = arith.constant 0 : i32
        %dma_start3A_49 = tpu.memref_slice %arg9[%add3A_44, %dma_start3A_48] : memref<40x128xi32, #tpu.memory_space<vmem>> -> memref<1x128xi32, #tpu.memory_space<vmem>>
        %dma_start3A_50 = tpu.memref_squeeze %dma_start3A_49 : memref<1x128xi32, #tpu.memory_space<vmem>> -> memref<128xi32, #tpu.memory_space<vmem>>
        %dma_start3A_51 = arith.constant 0 : i32
        %dma_start3A_52 = tpu.memref_slice %arg13[%dma_start3A_51] : memref<10112xf32, #tpu.memory_space<vmem_shared>> -> memref<10112xf32, #tpu.memory_space<vmem_shared>>
        tpu.enqueue_indirect_dma source(%dma_start3A_47 : memref<128xf32, #tpu.memory_space<vmem>>) target(%dma_start3A_52 : memref<10112xf32, #tpu.memory_space<vmem_shared>>) offsets(%dma_start3A_50 : memref<128xi32, #tpu.memory_space<vmem>>) semaphore(%run_scoped3A_45 : memref<!tpu.dma_semaphore, #tpu.memory_space<semaphore_mem>>) {add = true}
        %dma_wait3A = arith.constant 0 : i32
        %dma_wait3A_53 = tpu.memref_slice %arg12[%add3A_44, %dma_wait3A] : memref<40x128xf32, #tpu.memory_space<vmem>> -> memref<1x128xf32, #tpu.memory_space<vmem>>
        %dma_wait3A_54 = tpu.memref_squeeze %dma_wait3A_53 : memref<1x128xf32, #tpu.memory_space<vmem>> -> memref<128xf32, #tpu.memory_space<vmem>>
        %dma_wait3A_55 = arith.constant 0 : i32
        %dma_wait3A_56 = tpu.memref_slice %arg9[%add3A_44, %dma_wait3A_55] : memref<40x128xi32, #tpu.memory_space<vmem>> -> memref<1x128xi32, #tpu.memory_space<vmem>>
        %dma_wait3A_57 = tpu.memref_squeeze %dma_wait3A_56 : memref<1x128xi32, #tpu.memory_space<vmem>> -> memref<128xi32, #tpu.memory_space<vmem>>
        %dma_wait3A_58 = arith.constant 0 : i32
        %dma_wait3A_59 = tpu.memref_slice %arg13[%dma_wait3A_58] : memref<10112xf32, #tpu.memory_space<vmem_shared>> -> memref<10112xf32, #tpu.memory_space<vmem_shared>>
        tpu.wait_indirect_dma semaphore(%run_scoped3A_45 : memref<!tpu.dma_semaphore, #tpu.memory_space<semaphore_mem>>) src(%dma_wait3A_54 : memref<128xf32, #tpu.memory_space<vmem>>) dst(%dma_wait3A_59 : memref<10112xf32, #tpu.memory_space<vmem_shared>>)
        tpu.yield
      }) : () -> ()
    }
    %scan3A_11 = arith.constant 40 : i32
    %run_scoped3A = arith.constant 0 : i32
    "tpu.region"() ({
      %run_scoped3A_40 = tpu.sem_alloc : memref<!tpu.dma_semaphore, #tpu.memory_space<semaphore_mem>>
      %dma_start3A = arith.constant 0 : i32
      %dma_start3A_41 = arith.constant 0 : i32
      %dma_start3A_42 = tpu.memref_slice %arg6[%run_scoped3A, %add3A, %dma_start3A, %dma_start3A_41] : memref<3x32x40x128xf32, #tpu.memory_space<hbm>> -> memref<1x1x40x128xf32, #tpu.memory_space<hbm>>
      %dma_start3A_43 = tpu.memref_squeeze %dma_start3A_42 : memref<1x1x40x128xf32, #tpu.memory_space<hbm>> -> memref<40x128xf32, #tpu.memory_space<hbm>>
      %dma_start3A_44 = arith.constant 0 : i32
      %dma_start3A_45 = arith.constant 0 : i32
      %dma_start3A_46 = tpu.memref_slice %arg6[%run_scoped3A, %add3A, %dma_start3A_44, %dma_start3A_45] : memref<3x32x40x128xf32, #tpu.memory_space<hbm>> -> memref<1x1x40x128xf32, #tpu.memory_space<hbm>>
      %dma_start3A_47 = tpu.memref_squeeze %dma_start3A_46 : memref<1x1x40x128xf32, #tpu.memory_space<hbm>> -> memref<40x128xf32, #tpu.memory_space<hbm>>
      tpu.enqueue_dma source(%arg12 : memref<40x128xf32, #tpu.memory_space<vmem>>) target(%dma_start3A_47 : memref<40x128xf32, #tpu.memory_space<hbm>>) target_semaphore(%run_scoped3A_40 : memref<!tpu.dma_semaphore, #tpu.memory_space<semaphore_mem>>)
      %dma_wait3A = arith.constant 0 : i32
      %dma_wait3A_48 = arith.constant 0 : i32
      %dma_wait3A_49 = tpu.memref_slice %arg6[%run_scoped3A, %add3A, %dma_wait3A, %dma_wait3A_48] : memref<3x32x40x128xf32, #tpu.memory_space<hbm>> -> memref<1x1x40x128xf32, #tpu.memory_space<hbm>>
      %dma_wait3A_50 = tpu.memref_squeeze %dma_wait3A_49 : memref<1x1x40x128xf32, #tpu.memory_space<hbm>> -> memref<40x128xf32, #tpu.memory_space<hbm>>
      %dma_wait3A_51 = arith.constant 0 : i32
      %dma_wait3A_52 = arith.constant 0 : i32
      %dma_wait3A_53 = tpu.memref_slice %arg6[%run_scoped3A, %add3A, %dma_wait3A_51, %dma_wait3A_52] : memref<3x32x40x128xf32, #tpu.memory_space<hbm>> -> memref<1x1x40x128xf32, #tpu.memory_space<hbm>>
      %dma_wait3A_54 = tpu.memref_squeeze %dma_wait3A_53 : memref<1x1x40x128xf32, #tpu.memory_space<hbm>> -> memref<40x128xf32, #tpu.memory_space<hbm>>
      tpu.wait_dma2 semaphore(%run_scoped3A_40 : memref<!tpu.dma_semaphore, #tpu.memory_space<semaphore_mem>>) src(%arg12 : memref<40x128xf32, #tpu.memory_space<vmem>>) dst(%dma_wait3A_54 : memref<40x128xf32, #tpu.memory_space<hbm>>)
      tpu.yield
    }) : () -> ()
    "tpu.region"() ({
      %run_scoped3A_40 = tpu.sem_alloc : memref<!tpu.dma_semaphore, #tpu.memory_space<semaphore_mem>>
      %dma_start3A = arith.constant 30336 : i32
      %dma_start3A_41 = tpu.memref_slice %arg2[%dma_start3A] : memref<91008xf32, #tpu.memory_space<hbm>> -> memref<10112xf32, #tpu.memory_space<hbm>>
      %dma_start3A_42 = arith.constant 30336 : i32
      %dma_start3A_43 = tpu.memref_slice %arg2[%dma_start3A_42] : memref<91008xf32, #tpu.memory_space<hbm>> -> memref<10112xf32, #tpu.memory_space<hbm>>
      tpu.enqueue_dma source(%dma_start3A_43 : memref<10112xf32, #tpu.memory_space<hbm>>) target(%arg10 : memref<10112xf32, #tpu.memory_space<vmem>>) target_semaphore(%run_scoped3A_40 : memref<!tpu.dma_semaphore, #tpu.memory_space<semaphore_mem>>)
      %dma_wait3A = arith.constant 30336 : i32
      %dma_wait3A_44 = tpu.memref_slice %arg2[%dma_wait3A] : memref<91008xf32, #tpu.memory_space<hbm>> -> memref<10112xf32, #tpu.memory_space<hbm>>
      %dma_wait3A_45 = arith.constant 30336 : i32
      %dma_wait3A_46 = tpu.memref_slice %arg2[%dma_wait3A_45] : memref<91008xf32, #tpu.memory_space<hbm>> -> memref<10112xf32, #tpu.memory_space<hbm>>
      tpu.wait_dma2 semaphore(%run_scoped3A_40 : memref<!tpu.dma_semaphore, #tpu.memory_space<semaphore_mem>>) src(%dma_wait3A_46 : memref<10112xf32, #tpu.memory_space<hbm>>) dst(%arg10 : memref<10112xf32, #tpu.memory_space<vmem>>)
      tpu.yield
    }) : () -> ()
    "tpu.region"() ({
      %run_scoped3A_40 = tpu.sem_alloc : memref<!tpu.dma_semaphore, #tpu.memory_space<semaphore_mem>>
      %dma_start3A = arith.constant 40448 : i32
      %dma_start3A_41 = tpu.memref_slice %arg2[%dma_start3A] : memref<91008xf32, #tpu.memory_space<hbm>> -> memref<10112xf32, #tpu.memory_space<hbm>>
      %dma_start3A_42 = arith.constant 40448 : i32
      %dma_start3A_43 = tpu.memref_slice %arg2[%dma_start3A_42] : memref<91008xf32, #tpu.memory_space<hbm>> -> memref<10112xf32, #tpu.memory_space<hbm>>
      tpu.enqueue_dma source(%dma_start3A_43 : memref<10112xf32, #tpu.memory_space<hbm>>) target(%arg11 : memref<10112xf32, #tpu.memory_space<vmem>>) target_semaphore(%run_scoped3A_40 : memref<!tpu.dma_semaphore, #tpu.memory_space<semaphore_mem>>)
      %dma_wait3A = arith.constant 40448 : i32
      %dma_wait3A_44 = tpu.memref_slice %arg2[%dma_wait3A] : memref<91008xf32, #tpu.memory_space<hbm>> -> memref<10112xf32, #tpu.memory_space<hbm>>
      %dma_wait3A_45 = arith.constant 40448 : i32
      %dma_wait3A_46 = tpu.memref_slice %arg2[%dma_wait3A_45] : memref<91008xf32, #tpu.memory_space<hbm>> -> memref<10112xf32, #tpu.memory_space<hbm>>
      tpu.wait_dma2 semaphore(%run_scoped3A_40 : memref<!tpu.dma_semaphore, #tpu.memory_space<semaphore_mem>>) src(%dma_wait3A_46 : memref<10112xf32, #tpu.memory_space<hbm>>) dst(%arg11 : memref<10112xf32, #tpu.memory_space<vmem>>)
      tpu.yield
    }) : () -> ()
    %scan3A_12 = arith.constant 0 : i32
    %scan3A_13 = arith.constant 40 : i32
    %scan3A_14 = arith.addi %scan3A_12, %scan3A_13 : i32
    %scan3A_15 = arith.constant 1 : i32
    scf.for %scan3A_40 = %scan3A_12 to %scan3A_14 step %scan3A_15  : i32 {
      %mul3A_41 = arith.constant 1 : i32
      %mul3A_42 = arith.muli %scan3A_40, %mul3A_41 : i32
      %add3A_43 = arith.constant 0 : i32
      %add3A_44 = arith.addi %add3A_43, %mul3A_42 : i32
      %get3A = arith.index_cast %add3A_44 : i32 to index
      %get3A_45 = arith.constant 0 : index
      %get3A_46 = tpu.vector_load %arg8[%get3A, %get3A_45] {strides = array<i32>} : memref<40x128xi32, #tpu.memory_space<vmem>>, vector<16xi32>,
      %get3A_47 = arith.index_cast %add3A_44 : i32 to index
      %get3A_48 = arith.constant 0 : index
      %get3A_49 = tpu.vector_load %arg9[%get3A_47, %get3A_48] {strides = array<i32>} : memref<40x128xi32, #tpu.memory_space<vmem>>, vector<16xi32>,
      %gather3A = tpu.vector_load_idx %arg10[%get3A_46] : memref<10112xf32, #tpu.memory_space<vmem>>[vector<16xi32>], vector<16xf32>,
      %gather3A_50 = tpu.vector_load_idx %arg11[%get3A_49] : memref<10112xf32, #tpu.memory_space<vmem>>[vector<16xi32>], vector<16xf32>,
      %add3A_51 = arith.addf %gather3A, %gather3A_50 : vector<16xf32>
      %ge3A = arith.constant 0.000000e+00 : f32
      %ge3A_52 = vector.broadcast %ge3A : f32 to vector<16xf32>
      %ge3A_53 = arith.cmpf oge, %add3A_51, %ge3A_52 : vector<16xf32>
      %mul3A_54 = arith.constant 2.000000e-01 : f32
      %mul3A_55 = vector.broadcast %mul3A_54 : f32 to vector<16xf32>
      %mul3A_56 = arith.mulf %mul3A_55, %add3A_51 : vector<16xf32>
      %select_n3A = arith.select %ge3A_53, %add3A_51, %mul3A_56 : vector<16xi1>, vector<16xf32>
      %exp3A = math.exp %select_n3A : vector<16xf32>
      %swap3A = arith.index_cast %add3A_44 : i32 to index
      %swap3A_57 = arith.constant 0 : index
      %swap3A_58 = tpu.vector_load %arg12[%swap3A, %swap3A_57] {strides = array<i32>} : memref<40x128xf32, #tpu.memory_space<vmem>>, vector<16xf32>,
      tpu.vector_store %arg12[%swap3A, %swap3A_57], %exp3A {strides = array<i32>} : memref<40x128xf32, #tpu.memory_space<vmem>>, vector<16xf32>,
      %get3A_59 = arith.index_cast %add3A_44 : i32 to index
      %get3A_60 = arith.constant 16 : index
      %get3A_61 = tpu.vector_load %arg8[%get3A_59, %get3A_60] {strides = array<i32>} : memref<40x128xi32, #tpu.memory_space<vmem>>, vector<16xi32>,
      %get3A_62 = arith.index_cast %add3A_44 : i32 to index
      %get3A_63 = arith.constant 16 : index
      %get3A_64 = tpu.vector_load %arg9[%get3A_62, %get3A_63] {strides = array<i32>} : memref<40x128xi32, #tpu.memory_space<vmem>>, vector<16xi32>,
      %gather3A_65 = tpu.vector_load_idx %arg10[%get3A_61] : memref<10112xf32, #tpu.memory_space<vmem>>[vector<16xi32>], vector<16xf32>,
      %gather3A_66 = tpu.vector_load_idx %arg11[%get3A_64] : memref<10112xf32, #tpu.memory_space<vmem>>[vector<16xi32>], vector<16xf32>,
      %add3A_67 = arith.addf %gather3A_65, %gather3A_66 : vector<16xf32>
      %ge3A_68 = arith.constant 0.000000e+00 : f32
      %ge3A_69 = vector.broadcast %ge3A_68 : f32 to vector<16xf32>
      %ge3A_70 = arith.cmpf oge, %add3A_67, %ge3A_69 : vector<16xf32>
      %mul3A_71 = arith.constant 2.000000e-01 : f32
      %mul3A_72 = vector.broadcast %mul3A_71 : f32 to vector<16xf32>
      %mul3A_73 = arith.mulf %mul3A_72, %add3A_67 : vector<16xf32>
      %select_n3A_74 = arith.select %ge3A_70, %add3A_67, %mul3A_73 : vector<16xi1>, vector<16xf32>
      %exp3A_75 = math.exp %select_n3A_74 : vector<16xf32>
      %swap3A_76 = arith.index_cast %add3A_44 : i32 to index
      %swap3A_77 = arith.constant 16 : index
      %swap3A_78 = tpu.vector_load %arg12[%swap3A_76, %swap3A_77] {strides = array<i32>} : memref<40x128xf32, #tpu.memory_space<vmem>>, vector<16xf32>,
      tpu.vector_store %arg12[%swap3A_76, %swap3A_77], %exp3A_75 {strides = array<i32>} : memref<40x128xf32, #tpu.memory_space<vmem>>, vector<16xf32>,
      %get3A_79 = arith.index_cast %add3A_44 : i32 to index
      %get3A_80 = arith.constant 32 : index
      %get3A_81 = tpu.vector_load %arg8[%get3A_79, %get3A_80] {strides = array<i32>} : memref<40x128xi32, #tpu.memory_space<vmem>>, vector<16xi32>,
      %get3A_82 = arith.index_cast %add3A_44 : i32 to index
      %get3A_83 = arith.constant 32 : index
      %get3A_84 = tpu.vector_load %arg9[%get3A_82, %get3A_83] {strides = array<i32>} : memref<40x128xi32, #tpu.memory_space<vmem>>, vector<16xi32>,
      %gather3A_85 = tpu.vector_load_idx %arg10[%get3A_81] : memref<10112xf32, #tpu.memory_space<vmem>>[vector<16xi32>], vector<16xf32>,
      %gather3A_86 = tpu.vector_load_idx %arg11[%get3A_84] : memref<10112xf32, #tpu.memory_space<vmem>>[vector<16xi32>], vector<16xf32>,
      %add3A_87 = arith.addf %gather3A_85, %gather3A_86 : vector<16xf32>
      %ge3A_88 = arith.constant 0.000000e+00 : f32
      %ge3A_89 = vector.broadcast %ge3A_88 : f32 to vector<16xf32>
      %ge3A_90 = arith.cmpf oge, %add3A_87, %ge3A_89 : vector<16xf32>
      %mul3A_91 = arith.constant 2.000000e-01 : f32
      %mul3A_92 = vector.broadcast %mul3A_91 : f32 to vector<16xf32>
      %mul3A_93 = arith.mulf %mul3A_92, %add3A_87 : vector<16xf32>
      %select_n3A_94 = arith.select %ge3A_90, %add3A_87, %mul3A_93 : vector<16xi1>, vector<16xf32>
      %exp3A_95 = math.exp %select_n3A_94 : vector<16xf32>
      %swap3A_96 = arith.index_cast %add3A_44 : i32 to index
      %swap3A_97 = arith.constant 32 : index
      %swap3A_98 = tpu.vector_load %arg12[%swap3A_96, %swap3A_97] {strides = array<i32>} : memref<40x128xf32, #tpu.memory_space<vmem>>, vector<16xf32>,
      tpu.vector_store %arg12[%swap3A_96, %swap3A_97], %exp3A_95 {strides = array<i32>} : memref<40x128xf32, #tpu.memory_space<vmem>>, vector<16xf32>,
      %get3A_99 = arith.index_cast %add3A_44 : i32 to index
      %get3A_100 = arith.constant 48 : index
      %get3A_101 = tpu.vector_load %arg8[%get3A_99, %get3A_100] {strides = array<i32>} : memref<40x128xi32, #tpu.memory_space<vmem>>, vector<16xi32>,
      %get3A_102 = arith.index_cast %add3A_44 : i32 to index
      %get3A_103 = arith.constant 48 : index
      %get3A_104 = tpu.vector_load %arg9[%get3A_102, %get3A_103] {strides = array<i32>} : memref<40x128xi32, #tpu.memory_space<vmem>>, vector<16xi32>,
      %gather3A_105 = tpu.vector_load_idx %arg10[%get3A_101] : memref<10112xf32, #tpu.memory_space<vmem>>[vector<16xi32>], vector<16xf32>,
      %gather3A_106 = tpu.vector_load_idx %arg11[%get3A_104] : memref<10112xf32, #tpu.memory_space<vmem>>[vector<16xi32>], vector<16xf32>,
      %add3A_107 = arith.addf %gather3A_105, %gather3A_106 : vector<16xf32>
      %ge3A_108 = arith.constant 0.000000e+00 : f32
      %ge3A_109 = vector.broadcast %ge3A_108 : f32 to vector<16xf32>
      %ge3A_110 = arith.cmpf oge, %add3A_107, %ge3A_109 : vector<16xf32>
      %mul3A_111 = arith.constant 2.000000e-01 : f32
      %mul3A_112 = vector.broadcast %mul3A_111 : f32 to vector<16xf32>
      %mul3A_113 = arith.mulf %mul3A_112, %add3A_107 : vector<16xf32>
      %select_n3A_114 = arith.select %ge3A_110, %add3A_107, %mul3A_113 : vector<16xi1>, vector<16xf32>
      %exp3A_115 = math.exp %select_n3A_114 : vector<16xf32>
      %swap3A_116 = arith.index_cast %add3A_44 : i32 to index
      %swap3A_117 = arith.constant 48 : index
      %swap3A_118 = tpu.vector_load %arg12[%swap3A_116, %swap3A_117] {strides = array<i32>} : memref<40x128xf32, #tpu.memory_space<vmem>>, vector<16xf32>,
      tpu.vector_store %arg12[%swap3A_116, %swap3A_117], %exp3A_115 {strides = array<i32>} : memref<40x128xf32, #tpu.memory_space<vmem>>, vector<16xf32>,
      %get3A_119 = arith.index_cast %add3A_44 : i32 to index
      %get3A_120 = arith.constant 64 : index
      %get3A_121 = tpu.vector_load %arg8[%get3A_119, %get3A_120] {strides = array<i32>} : memref<40x128xi32, #tpu.memory_space<vmem>>, vector<16xi32>,
      %get3A_122 = arith.index_cast %add3A_44 : i32 to index
      %get3A_123 = arith.constant 64 : index
      %get3A_124 = tpu.vector_load %arg9[%get3A_122, %get3A_123] {strides = array<i32>} : memref<40x128xi32, #tpu.memory_space<vmem>>, vector<16xi32>,
      %gather3A_125 = tpu.vector_load_idx %arg10[%get3A_121] : memref<10112xf32, #tpu.memory_space<vmem>>[vector<16xi32>], vector<16xf32>,
      %gather3A_126 = tpu.vector_load_idx %arg11[%get3A_124] : memref<10112xf32, #tpu.memory_space<vmem>>[vector<16xi32>], vector<16xf32>,
      %add3A_127 = arith.addf %gather3A_125, %gather3A_126 : vector<16xf32>
      %ge3A_128 = arith.constant 0.000000e+00 : f32
      %ge3A_129 = vector.broadcast %ge3A_128 : f32 to vector<16xf32>
      %ge3A_130 = arith.cmpf oge, %add3A_127, %ge3A_129 : vector<16xf32>
      %mul3A_131 = arith.constant 2.000000e-01 : f32
      %mul3A_132 = vector.broadcast %mul3A_131 : f32 to vector<16xf32>
      %mul3A_133 = arith.mulf %mul3A_132, %add3A_127 : vector<16xf32>
      %select_n3A_134 = arith.select %ge3A_130, %add3A_127, %mul3A_133 : vector<16xi1>, vector<16xf32>
      %exp3A_135 = math.exp %select_n3A_134 : vector<16xf32>
      %swap3A_136 = arith.index_cast %add3A_44 : i32 to index
      %swap3A_137 = arith.constant 64 : index
      %swap3A_138 = tpu.vector_load %arg12[%swap3A_136, %swap3A_137] {strides = array<i32>} : memref<40x128xf32, #tpu.memory_space<vmem>>, vector<16xf32>,
      tpu.vector_store %arg12[%swap3A_136, %swap3A_137], %exp3A_135 {strides = array<i32>} : memref<40x128xf32, #tpu.memory_space<vmem>>, vector<16xf32>,
      %get3A_139 = arith.index_cast %add3A_44 : i32 to index
      %get3A_140 = arith.constant 80 : index
      %get3A_141 = tpu.vector_load %arg8[%get3A_139, %get3A_140] {strides = array<i32>} : memref<40x128xi32, #tpu.memory_space<vmem>>, vector<16xi32>,
      %get3A_142 = arith.index_cast %add3A_44 : i32 to index
      %get3A_143 = arith.constant 80 : index
      %get3A_144 = tpu.vector_load %arg9[%get3A_142, %get3A_143] {strides = array<i32>} : memref<40x128xi32, #tpu.memory_space<vmem>>, vector<16xi32>,
      %gather3A_145 = tpu.vector_load_idx %arg10[%get3A_141] : memref<10112xf32, #tpu.memory_space<vmem>>[vector<16xi32>], vector<16xf32>,
      %gather3A_146 = tpu.vector_load_idx %arg11[%get3A_144] : memref<10112xf32, #tpu.memory_space<vmem>>[vector<16xi32>], vector<16xf32>,
      %add3A_147 = arith.addf %gather3A_145, %gather3A_146 : vector<16xf32>
      %ge3A_148 = arith.constant 0.000000e+00 : f32
      %ge3A_149 = vector.broadcast %ge3A_148 : f32 to vector<16xf32>
      %ge3A_150 = arith.cmpf oge, %add3A_147, %ge3A_149 : vector<16xf32>
      %mul3A_151 = arith.constant 2.000000e-01 : f32
      %mul3A_152 = vector.broadcast %mul3A_151 : f32 to vector<16xf32>
      %mul3A_153 = arith.mulf %mul3A_152, %add3A_147 : vector<16xf32>
      %select_n3A_154 = arith.select %ge3A_150, %add3A_147, %mul3A_153 : vector<16xi1>, vector<16xf32>
      %exp3A_155 = math.exp %select_n3A_154 : vector<16xf32>
      %swap3A_156 = arith.index_cast %add3A_44 : i32 to index
      %swap3A_157 = arith.constant 80 : index
      %swap3A_158 = tpu.vector_load %arg12[%swap3A_156, %swap3A_157] {strides = array<i32>} : memref<40x128xf32, #tpu.memory_space<vmem>>, vector<16xf32>,
      tpu.vector_store %arg12[%swap3A_156, %swap3A_157], %exp3A_155 {strides = array<i32>} : memref<40x128xf32, #tpu.memory_space<vmem>>, vector<16xf32>,
      %get3A_159 = arith.index_cast %add3A_44 : i32 to index
      %get3A_160 = arith.constant 96 : index
      %get3A_161 = tpu.vector_load %arg8[%get3A_159, %get3A_160] {strides = array<i32>} : memref<40x128xi32, #tpu.memory_space<vmem>>, vector<16xi32>,
      %get3A_162 = arith.index_cast %add3A_44 : i32 to index
      %get3A_163 = arith.constant 96 : index
      %get3A_164 = tpu.vector_load %arg9[%get3A_162, %get3A_163] {strides = array<i32>} : memref<40x128xi32, #tpu.memory_space<vmem>>, vector<16xi32>,
      %gather3A_165 = tpu.vector_load_idx %arg10[%get3A_161] : memref<10112xf32, #tpu.memory_space<vmem>>[vector<16xi32>], vector<16xf32>,
      %gather3A_166 = tpu.vector_load_idx %arg11[%get3A_164] : memref<10112xf32, #tpu.memory_space<vmem>>[vector<16xi32>], vector<16xf32>,
      %add3A_167 = arith.addf %gather3A_165, %gather3A_166 : vector<16xf32>
      %ge3A_168 = arith.constant 0.000000e+00 : f32
      %ge3A_169 = vector.broadcast %ge3A_168 : f32 to vector<16xf32>
      %ge3A_170 = arith.cmpf oge, %add3A_167, %ge3A_169 : vector<16xf32>
      %mul3A_171 = arith.constant 2.000000e-01 : f32
      %mul3A_172 = vector.broadcast %mul3A_171 : f32 to vector<16xf32>
      %mul3A_173 = arith.mulf %mul3A_172, %add3A_167 : vector<16xf32>
      %select_n3A_174 = arith.select %ge3A_170, %add3A_167, %mul3A_173 : vector<16xi1>, vector<16xf32>
      %exp3A_175 = math.exp %select_n3A_174 : vector<16xf32>
      %swap3A_176 = arith.index_cast %add3A_44 : i32 to index
      %swap3A_177 = arith.constant 96 : index
      %swap3A_178 = tpu.vector_load %arg12[%swap3A_176, %swap3A_177] {strides = array<i32>} : memref<40x128xf32, #tpu.memory_space<vmem>>, vector<16xf32>,
      tpu.vector_store %arg12[%swap3A_176, %swap3A_177], %exp3A_175 {strides = array<i32>} : memref<40x128xf32, #tpu.memory_space<vmem>>, vector<16xf32>,
      %get3A_179 = arith.index_cast %add3A_44 : i32 to index
      %get3A_180 = arith.constant 112 : index
      %get3A_181 = tpu.vector_load %arg8[%get3A_179, %get3A_180] {strides = array<i32>} : memref<40x128xi32, #tpu.memory_space<vmem>>, vector<16xi32>,
      %get3A_182 = arith.index_cast %add3A_44 : i32 to index
      %get3A_183 = arith.constant 112 : index
      %get3A_184 = tpu.vector_load %arg9[%get3A_182, %get3A_183] {strides = array<i32>} : memref<40x128xi32, #tpu.memory_space<vmem>>, vector<16xi32>,
      %gather3A_185 = tpu.vector_load_idx %arg10[%get3A_181] : memref<10112xf32, #tpu.memory_space<vmem>>[vector<16xi32>], vector<16xf32>,
      %gather3A_186 = tpu.vector_load_idx %arg11[%get3A_184] : memref<10112xf32, #tpu.memory_space<vmem>>[vector<16xi32>], vector<16xf32>,
      %add3A_187 = arith.addf %gather3A_185, %gather3A_186 : vector<16xf32>
      %ge3A_188 = arith.constant 0.000000e+00 : f32
      %ge3A_189 = vector.broadcast %ge3A_188 : f32 to vector<16xf32>
      %ge3A_190 = arith.cmpf oge, %add3A_187, %ge3A_189 : vector<16xf32>
      %mul3A_191 = arith.constant 2.000000e-01 : f32
      %mul3A_192 = vector.broadcast %mul3A_191 : f32 to vector<16xf32>
      %mul3A_193 = arith.mulf %mul3A_192, %add3A_187 : vector<16xf32>
      %select_n3A_194 = arith.select %ge3A_190, %add3A_187, %mul3A_193 : vector<16xi1>, vector<16xf32>
      %exp3A_195 = math.exp %select_n3A_194 : vector<16xf32>
      %swap3A_196 = arith.index_cast %add3A_44 : i32 to index
      %swap3A_197 = arith.constant 112 : index
      %swap3A_198 = tpu.vector_load %arg12[%swap3A_196, %swap3A_197] {strides = array<i32>} : memref<40x128xf32, #tpu.memory_space<vmem>>, vector<16xf32>,
      tpu.vector_store %arg12[%swap3A_196, %swap3A_197], %exp3A_195 {strides = array<i32>} : memref<40x128xf32, #tpu.memory_space<vmem>>, vector<16xf32>,
    }
    %scan3A_16 = arith.constant 40 : i32
    %scan3A_17 = arith.constant 0 : i32
    %scan3A_18 = arith.constant 40 : i32
    %scan3A_19 = arith.addi %scan3A_17, %scan3A_18 : i32
    %scan3A_20 = arith.constant 1 : i32
    scf.for %scan3A_40 = %scan3A_17 to %scan3A_19 step %scan3A_20  : i32 {
      %mul3A_41 = arith.constant 1 : i32
      %mul3A_42 = arith.muli %scan3A_40, %mul3A_41 : i32
      %add3A_43 = arith.constant 0 : i32
      %add3A_44 = arith.addi %add3A_43, %mul3A_42 : i32
      "tpu.region"() ({
        %run_scoped3A_45 = tpu.sem_alloc : memref<!tpu.dma_semaphore, #tpu.memory_space<semaphore_mem>>
        %dma_start3A = arith.constant 0 : i32
        %dma_start3A_46 = tpu.memref_slice %arg12[%add3A_44, %dma_start3A] : memref<40x128xf32, #tpu.memory_space<vmem>> -> memref<1x128xf32, #tpu.memory_space<vmem>>
        %dma_start3A_47 = tpu.memref_squeeze %dma_start3A_46 : memref<1x128xf32, #tpu.memory_space<vmem>> -> memref<128xf32, #tpu.memory_space<vmem>>
        %dma_start3A_48 = arith.constant 0 : i32
        %dma_start3A_49 = tpu.memref_slice %arg9[%add3A_44, %dma_start3A_48] : memref<40x128xi32, #tpu.memory_space<vmem>> -> memref<1x128xi32, #tpu.memory_space<vmem>>
        %dma_start3A_50 = tpu.memref_squeeze %dma_start3A_49 : memref<1x128xi32, #tpu.memory_space<vmem>> -> memref<128xi32, #tpu.memory_space<vmem>>
        %dma_start3A_51 = arith.constant 0 : i32
        %dma_start3A_52 = tpu.memref_slice %arg14[%dma_start3A_51] : memref<10112xf32, #tpu.memory_space<vmem_shared>> -> memref<10112xf32, #tpu.memory_space<vmem_shared>>
        tpu.enqueue_indirect_dma source(%dma_start3A_47 : memref<128xf32, #tpu.memory_space<vmem>>) target(%dma_start3A_52 : memref<10112xf32, #tpu.memory_space<vmem_shared>>) offsets(%dma_start3A_50 : memref<128xi32, #tpu.memory_space<vmem>>) semaphore(%run_scoped3A_45 : memref<!tpu.dma_semaphore, #tpu.memory_space<semaphore_mem>>) {add = true}
        %dma_wait3A = arith.constant 0 : i32
        %dma_wait3A_53 = tpu.memref_slice %arg12[%add3A_44, %dma_wait3A] : memref<40x128xf32, #tpu.memory_space<vmem>> -> memref<1x128xf32, #tpu.memory_space<vmem>>
        %dma_wait3A_54 = tpu.memref_squeeze %dma_wait3A_53 : memref<1x128xf32, #tpu.memory_space<vmem>> -> memref<128xf32, #tpu.memory_space<vmem>>
        %dma_wait3A_55 = arith.constant 0 : i32
        %dma_wait3A_56 = tpu.memref_slice %arg9[%add3A_44, %dma_wait3A_55] : memref<40x128xi32, #tpu.memory_space<vmem>> -> memref<1x128xi32, #tpu.memory_space<vmem>>
        %dma_wait3A_57 = tpu.memref_squeeze %dma_wait3A_56 : memref<1x128xi32, #tpu.memory_space<vmem>> -> memref<128xi32, #tpu.memory_space<vmem>>
        %dma_wait3A_58 = arith.constant 0 : i32
        %dma_wait3A_59 = tpu.memref_slice %arg14[%dma_wait3A_58] : memref<10112xf32, #tpu.memory_space<vmem_shared>> -> memref<10112xf32, #tpu.memory_space<vmem_shared>>
        tpu.wait_indirect_dma semaphore(%run_scoped3A_45 : memref<!tpu.dma_semaphore, #tpu.memory_space<semaphore_mem>>) src(%dma_wait3A_54 : memref<128xf32, #tpu.memory_space<vmem>>) dst(%dma_wait3A_59 : memref<10112xf32, #tpu.memory_space<vmem_shared>>)
        tpu.yield
      }) : () -> ()
    }
    %scan3A_21 = arith.constant 40 : i32
    %run_scoped3A_22 = arith.constant 1 : i32
    "tpu.region"() ({
      %run_scoped3A_40 = tpu.sem_alloc : memref<!tpu.dma_semaphore, #tpu.memory_space<semaphore_mem>>
      %dma_start3A = arith.constant 0 : i32
      %dma_start3A_41 = arith.constant 0 : i32
      %dma_start3A_42 = tpu.memref_slice %arg6[%run_scoped3A_22, %add3A, %dma_start3A, %dma_start3A_41] : memref<3x32x40x128xf32, #tpu.memory_space<hbm>> -> memref<1x1x40x128xf32, #tpu.memory_space<hbm>>
      %dma_start3A_43 = tpu.memref_squeeze %dma_start3A_42 : memref<1x1x40x128xf32, #tpu.memory_space<hbm>> -> memref<40x128xf32, #tpu.memory_space<hbm>>
      %dma_start3A_44 = arith.constant 0 : i32
      %dma_start3A_45 = arith.constant 0 : i32
      %dma_start3A_46 = tpu.memref_slice %arg6[%run_scoped3A_22, %add3A, %dma_start3A_44, %dma_start3A_45] : memref<3x32x40x128xf32, #tpu.memory_space<hbm>> -> memref<1x1x40x128xf32, #tpu.memory_space<hbm>>
      %dma_start3A_47 = tpu.memref_squeeze %dma_start3A_46 : memref<1x1x40x128xf32, #tpu.memory_space<hbm>> -> memref<40x128xf32, #tpu.memory_space<hbm>>
      tpu.enqueue_dma source(%arg12 : memref<40x128xf32, #tpu.memory_space<vmem>>) target(%dma_start3A_47 : memref<40x128xf32, #tpu.memory_space<hbm>>) target_semaphore(%run_scoped3A_40 : memref<!tpu.dma_semaphore, #tpu.memory_space<semaphore_mem>>)
      %dma_wait3A = arith.constant 0 : i32
      %dma_wait3A_48 = arith.constant 0 : i32
      %dma_wait3A_49 = tpu.memref_slice %arg6[%run_scoped3A_22, %add3A, %dma_wait3A, %dma_wait3A_48] : memref<3x32x40x128xf32, #tpu.memory_space<hbm>> -> memref<1x1x40x128xf32, #tpu.memory_space<hbm>>
      %dma_wait3A_50 = tpu.memref_squeeze %dma_wait3A_49 : memref<1x1x40x128xf32, #tpu.memory_space<hbm>> -> memref<40x128xf32, #tpu.memory_space<hbm>>
      %dma_wait3A_51 = arith.constant 0 : i32
      %dma_wait3A_52 = arith.constant 0 : i32
      %dma_wait3A_53 = tpu.memref_slice %arg6[%run_scoped3A_22, %add3A, %dma_wait3A_51, %dma_wait3A_52] : memref<3x32x40x128xf32, #tpu.memory_space<hbm>> -> memref<1x1x40x128xf32, #tpu.memory_space<hbm>>
      %dma_wait3A_54 = tpu.memref_squeeze %dma_wait3A_53 : memref<1x1x40x128xf32, #tpu.memory_space<hbm>> -> memref<40x128xf32, #tpu.memory_space<hbm>>
      tpu.wait_dma2 semaphore(%run_scoped3A_40 : memref<!tpu.dma_semaphore, #tpu.memory_space<semaphore_mem>>) src(%arg12 : memref<40x128xf32, #tpu.memory_space<vmem>>) dst(%dma_wait3A_54 : memref<40x128xf32, #tpu.memory_space<hbm>>)
      tpu.yield
    }) : () -> ()
    "tpu.region"() ({
      %run_scoped3A_40 = tpu.sem_alloc : memref<!tpu.dma_semaphore, #tpu.memory_space<semaphore_mem>>
      %dma_start3A = arith.constant 60672 : i32
      %dma_start3A_41 = tpu.memref_slice %arg2[%dma_start3A] : memref<91008xf32, #tpu.memory_space<hbm>> -> memref<10112xf32, #tpu.memory_space<hbm>>
      %dma_start3A_42 = arith.constant 60672 : i32
      %dma_start3A_43 = tpu.memref_slice %arg2[%dma_start3A_42] : memref<91008xf32, #tpu.memory_space<hbm>> -> memref<10112xf32, #tpu.memory_space<hbm>>
      tpu.enqueue_dma source(%dma_start3A_43 : memref<10112xf32, #tpu.memory_space<hbm>>) target(%arg10 : memref<10112xf32, #tpu.memory_space<vmem>>) target_semaphore(%run_scoped3A_40 : memref<!tpu.dma_semaphore, #tpu.memory_space<semaphore_mem>>)
      %dma_wait3A = arith.constant 60672 : i32
      %dma_wait3A_44 = tpu.memref_slice %arg2[%dma_wait3A] : memref<91008xf32, #tpu.memory_space<hbm>> -> memref<10112xf32, #tpu.memory_space<hbm>>
      %dma_wait3A_45 = arith.constant 60672 : i32
      %dma_wait3A_46 = tpu.memref_slice %arg2[%dma_wait3A_45] : memref<91008xf32, #tpu.memory_space<hbm>> -> memref<10112xf32, #tpu.memory_space<hbm>>
      tpu.wait_dma2 semaphore(%run_scoped3A_40 : memref<!tpu.dma_semaphore, #tpu.memory_space<semaphore_mem>>) src(%dma_wait3A_46 : memref<10112xf32, #tpu.memory_space<hbm>>) dst(%arg10 : memref<10112xf32, #tpu.memory_space<vmem>>)
      tpu.yield
    }) : () -> ()
    "tpu.region"() ({
      %run_scoped3A_40 = tpu.sem_alloc : memref<!tpu.dma_semaphore, #tpu.memory_space<semaphore_mem>>
      %dma_start3A = arith.constant 70784 : i32
      %dma_start3A_41 = tpu.memref_slice %arg2[%dma_start3A] : memref<91008xf32, #tpu.memory_space<hbm>> -> memref<10112xf32, #tpu.memory_space<hbm>>
      %dma_start3A_42 = arith.constant 70784 : i32
      %dma_start3A_43 = tpu.memref_slice %arg2[%dma_start3A_42] : memref<91008xf32, #tpu.memory_space<hbm>> -> memref<10112xf32, #tpu.memory_space<hbm>>
      tpu.enqueue_dma source(%dma_start3A_43 : memref<10112xf32, #tpu.memory_space<hbm>>) target(%arg11 : memref<10112xf32, #tpu.memory_space<vmem>>) target_semaphore(%run_scoped3A_40 : memref<!tpu.dma_semaphore, #tpu.memory_space<semaphore_mem>>)
      %dma_wait3A = arith.constant 70784 : i32
      %dma_wait3A_44 = tpu.memref_slice %arg2[%dma_wait3A] : memref<91008xf32, #tpu.memory_space<hbm>> -> memref<10112xf32, #tpu.memory_space<hbm>>
      %dma_wait3A_45 = arith.constant 70784 : i32
      %dma_wait3A_46 = tpu.memref_slice %arg2[%dma_wait3A_45] : memref<91008xf32, #tpu.memory_space<hbm>> -> memref<10112xf32, #tpu.memory_space<hbm>>
      tpu.wait_dma2 semaphore(%run_scoped3A_40 : memref<!tpu.dma_semaphore, #tpu.memory_space<semaphore_mem>>) src(%dma_wait3A_46 : memref<10112xf32, #tpu.memory_space<hbm>>) dst(%arg11 : memref<10112xf32, #tpu.memory_space<vmem>>)
      tpu.yield
    }) : () -> ()
    %scan3A_23 = arith.constant 0 : i32
    %scan3A_24 = arith.constant 40 : i32
    %scan3A_25 = arith.addi %scan3A_23, %scan3A_24 : i32
    %scan3A_26 = arith.constant 1 : i32
    scf.for %scan3A_40 = %scan3A_23 to %scan3A_25 step %scan3A_26  : i32 {
      %mul3A_41 = arith.constant 1 : i32
      %mul3A_42 = arith.muli %scan3A_40, %mul3A_41 : i32
      %add3A_43 = arith.constant 0 : i32
      %add3A_44 = arith.addi %add3A_43, %mul3A_42 : i32
      %get3A = arith.index_cast %add3A_44 : i32 to index
      %get3A_45 = arith.constant 0 : index
      %get3A_46 = tpu.vector_load %arg8[%get3A, %get3A_45] {strides = array<i32>} : memref<40x128xi32, #tpu.memory_space<vmem>>, vector<16xi32>,
      %get3A_47 = arith.index_cast %add3A_44 : i32 to index
      %get3A_48 = arith.constant 0 : index
      %get3A_49 = tpu.vector_load %arg9[%get3A_47, %get3A_48] {strides = array<i32>} : memref<40x128xi32, #tpu.memory_space<vmem>>, vector<16xi32>,
      %gather3A = tpu.vector_load_idx %arg10[%get3A_46] : memref<10112xf32, #tpu.memory_space<vmem>>[vector<16xi32>], vector<16xf32>,
      %gather3A_50 = tpu.vector_load_idx %arg11[%get3A_49] : memref<10112xf32, #tpu.memory_space<vmem>>[vector<16xi32>], vector<16xf32>,
      %add3A_51 = arith.addf %gather3A, %gather3A_50 : vector<16xf32>
      %ge3A = arith.constant 0.000000e+00 : f32
      %ge3A_52 = vector.broadcast %ge3A : f32 to vector<16xf32>
      %ge3A_53 = arith.cmpf oge, %add3A_51, %ge3A_52 : vector<16xf32>
      %mul3A_54 = arith.constant 2.000000e-01 : f32
      %mul3A_55 = vector.broadcast %mul3A_54 : f32 to vector<16xf32>
      %mul3A_56 = arith.mulf %mul3A_55, %add3A_51 : vector<16xf32>
      %select_n3A = arith.select %ge3A_53, %add3A_51, %mul3A_56 : vector<16xi1>, vector<16xf32>
      %exp3A = math.exp %select_n3A : vector<16xf32>
      %swap3A = arith.index_cast %add3A_44 : i32 to index
      %swap3A_57 = arith.constant 0 : index
      %swap3A_58 = tpu.vector_load %arg12[%swap3A, %swap3A_57] {strides = array<i32>} : memref<40x128xf32, #tpu.memory_space<vmem>>, vector<16xf32>,
      tpu.vector_store %arg12[%swap3A, %swap3A_57], %exp3A {strides = array<i32>} : memref<40x128xf32, #tpu.memory_space<vmem>>, vector<16xf32>,
      %get3A_59 = arith.index_cast %add3A_44 : i32 to index
      %get3A_60 = arith.constant 16 : index
      %get3A_61 = tpu.vector_load %arg8[%get3A_59, %get3A_60] {strides = array<i32>} : memref<40x128xi32, #tpu.memory_space<vmem>>, vector<16xi32>,
      %get3A_62 = arith.index_cast %add3A_44 : i32 to index
      %get3A_63 = arith.constant 16 : index
      %get3A_64 = tpu.vector_load %arg9[%get3A_62, %get3A_63] {strides = array<i32>} : memref<40x128xi32, #tpu.memory_space<vmem>>, vector<16xi32>,
      %gather3A_65 = tpu.vector_load_idx %arg10[%get3A_61] : memref<10112xf32, #tpu.memory_space<vmem>>[vector<16xi32>], vector<16xf32>,
      %gather3A_66 = tpu.vector_load_idx %arg11[%get3A_64] : memref<10112xf32, #tpu.memory_space<vmem>>[vector<16xi32>], vector<16xf32>,
      %add3A_67 = arith.addf %gather3A_65, %gather3A_66 : vector<16xf32>
      %ge3A_68 = arith.constant 0.000000e+00 : f32
      %ge3A_69 = vector.broadcast %ge3A_68 : f32 to vector<16xf32>
      %ge3A_70 = arith.cmpf oge, %add3A_67, %ge3A_69 : vector<16xf32>
      %mul3A_71 = arith.constant 2.000000e-01 : f32
      %mul3A_72 = vector.broadcast %mul3A_71 : f32 to vector<16xf32>
      %mul3A_73 = arith.mulf %mul3A_72, %add3A_67 : vector<16xf32>
      %select_n3A_74 = arith.select %ge3A_70, %add3A_67, %mul3A_73 : vector<16xi1>, vector<16xf32>
      %exp3A_75 = math.exp %select_n3A_74 : vector<16xf32>
      %swap3A_76 = arith.index_cast %add3A_44 : i32 to index
      %swap3A_77 = arith.constant 16 : index
      %swap3A_78 = tpu.vector_load %arg12[%swap3A_76, %swap3A_77] {strides = array<i32>} : memref<40x128xf32, #tpu.memory_space<vmem>>, vector<16xf32>,
      tpu.vector_store %arg12[%swap3A_76, %swap3A_77], %exp3A_75 {strides = array<i32>} : memref<40x128xf32, #tpu.memory_space<vmem>>, vector<16xf32>,
      %get3A_79 = arith.index_cast %add3A_44 : i32 to index
      %get3A_80 = arith.constant 32 : index
      %get3A_81 = tpu.vector_load %arg8[%get3A_79, %get3A_80] {strides = array<i32>} : memref<40x128xi32, #tpu.memory_space<vmem>>, vector<16xi32>,
      %get3A_82 = arith.index_cast %add3A_44 : i32 to index
      %get3A_83 = arith.constant 32 : index
      %get3A_84 = tpu.vector_load %arg9[%get3A_82, %get3A_83] {strides = array<i32>} : memref<40x128xi32, #tpu.memory_space<vmem>>, vector<16xi32>,
      %gather3A_85 = tpu.vector_load_idx %arg10[%get3A_81] : memref<10112xf32, #tpu.memory_space<vmem>>[vector<16xi32>], vector<16xf32>,
      %gather3A_86 = tpu.vector_load_idx %arg11[%get3A_84] : memref<10112xf32, #tpu.memory_space<vmem>>[vector<16xi32>], vector<16xf32>,
      %add3A_87 = arith.addf %gather3A_85, %gather3A_86 : vector<16xf32>
      %ge3A_88 = arith.constant 0.000000e+00 : f32
      %ge3A_89 = vector.broadcast %ge3A_88 : f32 to vector<16xf32>
      %ge3A_90 = arith.cmpf oge, %add3A_87, %ge3A_89 : vector<16xf32>
      %mul3A_91 = arith.constant 2.000000e-01 : f32
      %mul3A_92 = vector.broadcast %mul3A_91 : f32 to vector<16xf32>
      %mul3A_93 = arith.mulf %mul3A_92, %add3A_87 : vector<16xf32>
      %select_n3A_94 = arith.select %ge3A_90, %add3A_87, %mul3A_93 : vector<16xi1>, vector<16xf32>
      %exp3A_95 = math.exp %select_n3A_94 : vector<16xf32>
      %swap3A_96 = arith.index_cast %add3A_44 : i32 to index
      %swap3A_97 = arith.constant 32 : index
      %swap3A_98 = tpu.vector_load %arg12[%swap3A_96, %swap3A_97] {strides = array<i32>} : memref<40x128xf32, #tpu.memory_space<vmem>>, vector<16xf32>,
      tpu.vector_store %arg12[%swap3A_96, %swap3A_97], %exp3A_95 {strides = array<i32>} : memref<40x128xf32, #tpu.memory_space<vmem>>, vector<16xf32>,
      %get3A_99 = arith.index_cast %add3A_44 : i32 to index
      %get3A_100 = arith.constant 48 : index
      %get3A_101 = tpu.vector_load %arg8[%get3A_99, %get3A_100] {strides = array<i32>} : memref<40x128xi32, #tpu.memory_space<vmem>>, vector<16xi32>,
      %get3A_102 = arith.index_cast %add3A_44 : i32 to index
      %get3A_103 = arith.constant 48 : index
      %get3A_104 = tpu.vector_load %arg9[%get3A_102, %get3A_103] {strides = array<i32>} : memref<40x128xi32, #tpu.memory_space<vmem>>, vector<16xi32>,
      %gather3A_105 = tpu.vector_load_idx %arg10[%get3A_101] : memref<10112xf32, #tpu.memory_space<vmem>>[vector<16xi32>], vector<16xf32>,
      %gather3A_106 = tpu.vector_load_idx %arg11[%get3A_104] : memref<10112xf32, #tpu.memory_space<vmem>>[vector<16xi32>], vector<16xf32>,
      %add3A_107 = arith.addf %gather3A_105, %gather3A_106 : vector<16xf32>
      %ge3A_108 = arith.constant 0.000000e+00 : f32
      %ge3A_109 = vector.broadcast %ge3A_108 : f32 to vector<16xf32>
      %ge3A_110 = arith.cmpf oge, %add3A_107, %ge3A_109 : vector<16xf32>
      %mul3A_111 = arith.constant 2.000000e-01 : f32
      %mul3A_112 = vector.broadcast %mul3A_111 : f32 to vector<16xf32>
      %mul3A_113 = arith.mulf %mul3A_112, %add3A_107 : vector<16xf32>
      %select_n3A_114 = arith.select %ge3A_110, %add3A_107, %mul3A_113 : vector<16xi1>, vector<16xf32>
      %exp3A_115 = math.exp %select_n3A_114 : vector<16xf32>
      %swap3A_116 = arith.index_cast %add3A_44 : i32 to index
      %swap3A_117 = arith.constant 48 : index
      %swap3A_118 = tpu.vector_load %arg12[%swap3A_116, %swap3A_117] {strides = array<i32>} : memref<40x128xf32, #tpu.memory_space<vmem>>, vector<16xf32>,
      tpu.vector_store %arg12[%swap3A_116, %swap3A_117], %exp3A_115 {strides = array<i32>} : memref<40x128xf32, #tpu.memory_space<vmem>>, vector<16xf32>,
      %get3A_119 = arith.index_cast %add3A_44 : i32 to index
      %get3A_120 = arith.constant 64 : index
      %get3A_121 = tpu.vector_load %arg8[%get3A_119, %get3A_120] {strides = array<i32>} : memref<40x128xi32, #tpu.memory_space<vmem>>, vector<16xi32>,
      %get3A_122 = arith.index_cast %add3A_44 : i32 to index
      %get3A_123 = arith.constant 64 : index
      %get3A_124 = tpu.vector_load %arg9[%get3A_122, %get3A_123] {strides = array<i32>} : memref<40x128xi32, #tpu.memory_space<vmem>>, vector<16xi32>,
      %gather3A_125 = tpu.vector_load_idx %arg10[%get3A_121] : memref<10112xf32, #tpu.memory_space<vmem>>[vector<16xi32>], vector<16xf32>,
      %gather3A_126 = tpu.vector_load_idx %arg11[%get3A_124] : memref<10112xf32, #tpu.memory_space<vmem>>[vector<16xi32>], vector<16xf32>,
      %add3A_127 = arith.addf %gather3A_125, %gather3A_126 : vector<16xf32>
      %ge3A_128 = arith.constant 0.000000e+00 : f32
      %ge3A_129 = vector.broadcast %ge3A_128 : f32 to vector<16xf32>
      %ge3A_130 = arith.cmpf oge, %add3A_127, %ge3A_129 : vector<16xf32>
      %mul3A_131 = arith.constant 2.000000e-01 : f32
      %mul3A_132 = vector.broadcast %mul3A_131 : f32 to vector<16xf32>
      %mul3A_133 = arith.mulf %mul3A_132, %add3A_127 : vector<16xf32>
      %select_n3A_134 = arith.select %ge3A_130, %add3A_127, %mul3A_133 : vector<16xi1>, vector<16xf32>
      %exp3A_135 = math.exp %select_n3A_134 : vector<16xf32>
      %swap3A_136 = arith.index_cast %add3A_44 : i32 to index
      %swap3A_137 = arith.constant 64 : index
      %swap3A_138 = tpu.vector_load %arg12[%swap3A_136, %swap3A_137] {strides = array<i32>} : memref<40x128xf32, #tpu.memory_space<vmem>>, vector<16xf32>,
      tpu.vector_store %arg12[%swap3A_136, %swap3A_137], %exp3A_135 {strides = array<i32>} : memref<40x128xf32, #tpu.memory_space<vmem>>, vector<16xf32>,
      %get3A_139 = arith.index_cast %add3A_44 : i32 to index
      %get3A_140 = arith.constant 80 : index
      %get3A_141 = tpu.vector_load %arg8[%get3A_139, %get3A_140] {strides = array<i32>} : memref<40x128xi32, #tpu.memory_space<vmem>>, vector<16xi32>,
      %get3A_142 = arith.index_cast %add3A_44 : i32 to index
      %get3A_143 = arith.constant 80 : index
      %get3A_144 = tpu.vector_load %arg9[%get3A_142, %get3A_143] {strides = array<i32>} : memref<40x128xi32, #tpu.memory_space<vmem>>, vector<16xi32>,
      %gather3A_145 = tpu.vector_load_idx %arg10[%get3A_141] : memref<10112xf32, #tpu.memory_space<vmem>>[vector<16xi32>], vector<16xf32>,
      %gather3A_146 = tpu.vector_load_idx %arg11[%get3A_144] : memref<10112xf32, #tpu.memory_space<vmem>>[vector<16xi32>], vector<16xf32>,
      %add3A_147 = arith.addf %gather3A_145, %gather3A_146 : vector<16xf32>
      %ge3A_148 = arith.constant 0.000000e+00 : f32
      %ge3A_149 = vector.broadcast %ge3A_148 : f32 to vector<16xf32>
      %ge3A_150 = arith.cmpf oge, %add3A_147, %ge3A_149 : vector<16xf32>
      %mul3A_151 = arith.constant 2.000000e-01 : f32
      %mul3A_152 = vector.broadcast %mul3A_151 : f32 to vector<16xf32>
      %mul3A_153 = arith.mulf %mul3A_152, %add3A_147 : vector<16xf32>
      %select_n3A_154 = arith.select %ge3A_150, %add3A_147, %mul3A_153 : vector<16xi1>, vector<16xf32>
      %exp3A_155 = math.exp %select_n3A_154 : vector<16xf32>
      %swap3A_156 = arith.index_cast %add3A_44 : i32 to index
      %swap3A_157 = arith.constant 80 : index
      %swap3A_158 = tpu.vector_load %arg12[%swap3A_156, %swap3A_157] {strides = array<i32>} : memref<40x128xf32, #tpu.memory_space<vmem>>, vector<16xf32>,
      tpu.vector_store %arg12[%swap3A_156, %swap3A_157], %exp3A_155 {strides = array<i32>} : memref<40x128xf32, #tpu.memory_space<vmem>>, vector<16xf32>,
      %get3A_159 = arith.index_cast %add3A_44 : i32 to index
      %get3A_160 = arith.constant 96 : index
      %get3A_161 = tpu.vector_load %arg8[%get3A_159, %get3A_160] {strides = array<i32>} : memref<40x128xi32, #tpu.memory_space<vmem>>, vector<16xi32>,
      %get3A_162 = arith.index_cast %add3A_44 : i32 to index
      %get3A_163 = arith.constant 96 : index
      %get3A_164 = tpu.vector_load %arg9[%get3A_162, %get3A_163] {strides = array<i32>} : memref<40x128xi32, #tpu.memory_space<vmem>>, vector<16xi32>,
      %gather3A_165 = tpu.vector_load_idx %arg10[%get3A_161] : memref<10112xf32, #tpu.memory_space<vmem>>[vector<16xi32>], vector<16xf32>,
      %gather3A_166 = tpu.vector_load_idx %arg11[%get3A_164] : memref<10112xf32, #tpu.memory_space<vmem>>[vector<16xi32>], vector<16xf32>,
      %add3A_167 = arith.addf %gather3A_165, %gather3A_166 : vector<16xf32>
      %ge3A_168 = arith.constant 0.000000e+00 : f32
      %ge3A_169 = vector.broadcast %ge3A_168 : f32 to vector<16xf32>
      %ge3A_170 = arith.cmpf oge, %add3A_167, %ge3A_169 : vector<16xf32>
      %mul3A_171 = arith.constant 2.000000e-01 : f32
      %mul3A_172 = vector.broadcast %mul3A_171 : f32 to vector<16xf32>
      %mul3A_173 = arith.mulf %mul3A_172, %add3A_167 : vector<16xf32>
      %select_n3A_174 = arith.select %ge3A_170, %add3A_167, %mul3A_173 : vector<16xi1>, vector<16xf32>
      %exp3A_175 = math.exp %select_n3A_174 : vector<16xf32>
      %swap3A_176 = arith.index_cast %add3A_44 : i32 to index
      %swap3A_177 = arith.constant 96 : index
      %swap3A_178 = tpu.vector_load %arg12[%swap3A_176, %swap3A_177] {strides = array<i32>} : memref<40x128xf32, #tpu.memory_space<vmem>>, vector<16xf32>,
      tpu.vector_store %arg12[%swap3A_176, %swap3A_177], %exp3A_175 {strides = array<i32>} : memref<40x128xf32, #tpu.memory_space<vmem>>, vector<16xf32>,
      %get3A_179 = arith.index_cast %add3A_44 : i32 to index
      %get3A_180 = arith.constant 112 : index
      %get3A_181 = tpu.vector_load %arg8[%get3A_179, %get3A_180] {strides = array<i32>} : memref<40x128xi32, #tpu.memory_space<vmem>>, vector<16xi32>,
      %get3A_182 = arith.index_cast %add3A_44 : i32 to index
      %get3A_183 = arith.constant 112 : index
      %get3A_184 = tpu.vector_load %arg9[%get3A_182, %get3A_183] {strides = array<i32>} : memref<40x128xi32, #tpu.memory_space<vmem>>, vector<16xi32>,
      %gather3A_185 = tpu.vector_load_idx %arg10[%get3A_181] : memref<10112xf32, #tpu.memory_space<vmem>>[vector<16xi32>], vector<16xf32>,
      %gather3A_186 = tpu.vector_load_idx %arg11[%get3A_184] : memref<10112xf32, #tpu.memory_space<vmem>>[vector<16xi32>], vector<16xf32>,
      %add3A_187 = arith.addf %gather3A_185, %gather3A_186 : vector<16xf32>
      %ge3A_188 = arith.constant 0.000000e+00 : f32
      %ge3A_189 = vector.broadcast %ge3A_188 : f32 to vector<16xf32>
      %ge3A_190 = arith.cmpf oge, %add3A_187, %ge3A_189 : vector<16xf32>
      %mul3A_191 = arith.constant 2.000000e-01 : f32
      %mul3A_192 = vector.broadcast %mul3A_191 : f32 to vector<16xf32>
      %mul3A_193 = arith.mulf %mul3A_192, %add3A_187 : vector<16xf32>
      %select_n3A_194 = arith.select %ge3A_190, %add3A_187, %mul3A_193 : vector<16xi1>, vector<16xf32>
      %exp3A_195 = math.exp %select_n3A_194 : vector<16xf32>
      %swap3A_196 = arith.index_cast %add3A_44 : i32 to index
      %swap3A_197 = arith.constant 112 : index
      %swap3A_198 = tpu.vector_load %arg12[%swap3A_196, %swap3A_197] {strides = array<i32>} : memref<40x128xf32, #tpu.memory_space<vmem>>, vector<16xf32>,
      tpu.vector_store %arg12[%swap3A_196, %swap3A_197], %exp3A_195 {strides = array<i32>} : memref<40x128xf32, #tpu.memory_space<vmem>>, vector<16xf32>,
    }
    %scan3A_27 = arith.constant 40 : i32
    %scan3A_28 = arith.constant 0 : i32
    %scan3A_29 = arith.constant 40 : i32
    %scan3A_30 = arith.addi %scan3A_28, %scan3A_29 : i32
    %scan3A_31 = arith.constant 1 : i32
    scf.for %scan3A_40 = %scan3A_28 to %scan3A_30 step %scan3A_31  : i32 {
      %mul3A_41 = arith.constant 1 : i32
      %mul3A_42 = arith.muli %scan3A_40, %mul3A_41 : i32
      %add3A_43 = arith.constant 0 : i32
      %add3A_44 = arith.addi %add3A_43, %mul3A_42 : i32
      "tpu.region"() ({
        %run_scoped3A_45 = tpu.sem_alloc : memref<!tpu.dma_semaphore, #tpu.memory_space<semaphore_mem>>
        %dma_start3A = arith.constant 0 : i32
        %dma_start3A_46 = tpu.memref_slice %arg12[%add3A_44, %dma_start3A] : memref<40x128xf32, #tpu.memory_space<vmem>> -> memref<1x128xf32, #tpu.memory_space<vmem>>
        %dma_start3A_47 = tpu.memref_squeeze %dma_start3A_46 : memref<1x128xf32, #tpu.memory_space<vmem>> -> memref<128xf32, #tpu.memory_space<vmem>>
        %dma_start3A_48 = arith.constant 0 : i32
        %dma_start3A_49 = tpu.memref_slice %arg9[%add3A_44, %dma_start3A_48] : memref<40x128xi32, #tpu.memory_space<vmem>> -> memref<1x128xi32, #tpu.memory_space<vmem>>
        %dma_start3A_50 = tpu.memref_squeeze %dma_start3A_49 : memref<1x128xi32, #tpu.memory_space<vmem>> -> memref<128xi32, #tpu.memory_space<vmem>>
        %dma_start3A_51 = arith.constant 0 : i32
        %dma_start3A_52 = tpu.memref_slice %arg15[%dma_start3A_51] : memref<10112xf32, #tpu.memory_space<vmem_shared>> -> memref<10112xf32, #tpu.memory_space<vmem_shared>>
        tpu.enqueue_indirect_dma source(%dma_start3A_47 : memref<128xf32, #tpu.memory_space<vmem>>) target(%dma_start3A_52 : memref<10112xf32, #tpu.memory_space<vmem_shared>>) offsets(%dma_start3A_50 : memref<128xi32, #tpu.memory_space<vmem>>) semaphore(%run_scoped3A_45 : memref<!tpu.dma_semaphore, #tpu.memory_space<semaphore_mem>>) {add = true}
        %dma_wait3A = arith.constant 0 : i32
        %dma_wait3A_53 = tpu.memref_slice %arg12[%add3A_44, %dma_wait3A] : memref<40x128xf32, #tpu.memory_space<vmem>> -> memref<1x128xf32, #tpu.memory_space<vmem>>
        %dma_wait3A_54 = tpu.memref_squeeze %dma_wait3A_53 : memref<1x128xf32, #tpu.memory_space<vmem>> -> memref<128xf32, #tpu.memory_space<vmem>>
        %dma_wait3A_55 = arith.constant 0 : i32
        %dma_wait3A_56 = tpu.memref_slice %arg9[%add3A_44, %dma_wait3A_55] : memref<40x128xi32, #tpu.memory_space<vmem>> -> memref<1x128xi32, #tpu.memory_space<vmem>>
        %dma_wait3A_57 = tpu.memref_squeeze %dma_wait3A_56 : memref<1x128xi32, #tpu.memory_space<vmem>> -> memref<128xi32, #tpu.memory_space<vmem>>
        %dma_wait3A_58 = arith.constant 0 : i32
        %dma_wait3A_59 = tpu.memref_slice %arg15[%dma_wait3A_58] : memref<10112xf32, #tpu.memory_space<vmem_shared>> -> memref<10112xf32, #tpu.memory_space<vmem_shared>>
        tpu.wait_indirect_dma semaphore(%run_scoped3A_45 : memref<!tpu.dma_semaphore, #tpu.memory_space<semaphore_mem>>) src(%dma_wait3A_54 : memref<128xf32, #tpu.memory_space<vmem>>) dst(%dma_wait3A_59 : memref<10112xf32, #tpu.memory_space<vmem_shared>>)
        tpu.yield
      }) : () -> ()
    }
    %scan3A_32 = arith.constant 40 : i32
    %run_scoped3A_33 = arith.constant 2 : i32
    "tpu.region"() ({
      %run_scoped3A_40 = tpu.sem_alloc : memref<!tpu.dma_semaphore, #tpu.memory_space<semaphore_mem>>
      %dma_start3A = arith.constant 0 : i32
      %dma_start3A_41 = arith.constant 0 : i32
      %dma_start3A_42 = tpu.memref_slice %arg6[%run_scoped3A_33, %add3A, %dma_start3A, %dma_start3A_41] : memref<3x32x40x128xf32, #tpu.memory_space<hbm>> -> memref<1x1x40x128xf32, #tpu.memory_space<hbm>>
      %dma_start3A_43 = tpu.memref_squeeze %dma_start3A_42 : memref<1x1x40x128xf32, #tpu.memory_space<hbm>> -> memref<40x128xf32, #tpu.memory_space<hbm>>
      %dma_start3A_44 = arith.constant 0 : i32
      %dma_start3A_45 = arith.constant 0 : i32
      %dma_start3A_46 = tpu.memref_slice %arg6[%run_scoped3A_33, %add3A, %dma_start3A_44, %dma_start3A_45] : memref<3x32x40x128xf32, #tpu.memory_space<hbm>> -> memref<1x1x40x128xf32, #tpu.memory_space<hbm>>
      %dma_start3A_47 = tpu.memref_squeeze %dma_start3A_46 : memref<1x1x40x128xf32, #tpu.memory_space<hbm>> -> memref<40x128xf32, #tpu.memory_space<hbm>>
      tpu.enqueue_dma source(%arg12 : memref<40x128xf32, #tpu.memory_space<vmem>>) target(%dma_start3A_47 : memref<40x128xf32, #tpu.memory_space<hbm>>) target_semaphore(%run_scoped3A_40 : memref<!tpu.dma_semaphore, #tpu.memory_space<semaphore_mem>>)
      %dma_wait3A = arith.constant 0 : i32
      %dma_wait3A_48 = arith.constant 0 : i32
      %dma_wait3A_49 = tpu.memref_slice %arg6[%run_scoped3A_33, %add3A, %dma_wait3A, %dma_wait3A_48] : memref<3x32x40x128xf32, #tpu.memory_space<hbm>> -> memref<1x1x40x128xf32, #tpu.memory_space<hbm>>
      %dma_wait3A_50 = tpu.memref_squeeze %dma_wait3A_49 : memref<1x1x40x128xf32, #tpu.memory_space<hbm>> -> memref<40x128xf32, #tpu.memory_space<hbm>>
      %dma_wait3A_51 = arith.constant 0 : i32
      %dma_wait3A_52 = arith.constant 0 : i32
      %dma_wait3A_53 = tpu.memref_slice %arg6[%run_scoped3A_33, %add3A, %dma_wait3A_51, %dma_wait3A_52] : memref<3x32x40x128xf32, #tpu.memory_space<hbm>> -> memref<1x1x40x128xf32, #tpu.memory_space<hbm>>
      %dma_wait3A_54 = tpu.memref_squeeze %dma_wait3A_53 : memref<1x1x40x128xf32, #tpu.memory_space<hbm>> -> memref<40x128xf32, #tpu.memory_space<hbm>>
      tpu.wait_dma2 semaphore(%run_scoped3A_40 : memref<!tpu.dma_semaphore, #tpu.memory_space<semaphore_mem>>) src(%arg12 : memref<40x128xf32, #tpu.memory_space<vmem>>) dst(%dma_wait3A_54 : memref<40x128xf32, #tpu.memory_space<hbm>>)
      tpu.yield
    }) : () -> ()
    %barrier3A_34 = arith.constant 0 : index
    tpu.barrier barrier_id(%barrier3A_34)
    %eq3A_35 = arith.constant 0 : i32
    %eq3A_36 = arith.cmpi eq, %arg1, %eq3A_35 : i32
    %convert_element_type3A_37 = arith.extui %eq3A_36 : i1 to i32
    %cond3A_38 = arith.constant 0 : i32
    %cond3A_39 = arith.cmpi ne, %convert_element_type3A_37, %cond3A_38 : i32
    scf.if %cond3A_39 {
      %mul3A_40 = arith.constant 30336 : i32
      %mul3A_41 = arith.muli %arg0, %mul3A_40 : i32
      %multiple_of3A = tpu.assume_multiple %mul3A_41, 128 : i32
      %add3A_42 = arith.constant 0 : i32
      %add3A_43 = arith.addi %multiple_of3A, %add3A_42 : i32
      "tpu.region"() ({
        %run_scoped3A_48 = tpu.sem_alloc : memref<!tpu.dma_semaphore, #tpu.memory_space<semaphore_mem>>
        %dma_start3A = tpu.memref_slice %arg7[%add3A_43] : memref<60672xf32, #tpu.memory_space<hbm>> -> memref<10112xf32, #tpu.memory_space<hbm>>
        tpu.enqueue_dma source(%arg13 : memref<10112xf32, #tpu.memory_space<vmem_shared>>) target(%dma_start3A : memref<10112xf32, #tpu.memory_space<hbm>>) target_semaphore(%run_scoped3A_48 : memref<!tpu.dma_semaphore, #tpu.memory_space<semaphore_mem>>)
        %dma_wait3A = tpu.memref_slice %arg7[%add3A_43] : memref<60672xf32, #tpu.memory_space<hbm>> -> memref<10112xf32, #tpu.memory_space<hbm>>
        tpu.wait_dma2 semaphore(%run_scoped3A_48 : memref<!tpu.dma_semaphore, #tpu.memory_space<semaphore_mem>>) src(%arg13 : memref<10112xf32, #tpu.memory_space<vmem_shared>>) dst(%dma_wait3A : memref<10112xf32, #tpu.memory_space<hbm>>)
        tpu.yield
      }) : () -> ()
      %add3A_44 = arith.constant 10112 : i32
      %add3A_45 = arith.addi %multiple_of3A, %add3A_44 : i32
      "tpu.region"() ({
        %run_scoped3A_48 = tpu.sem_alloc : memref<!tpu.dma_semaphore, #tpu.memory_space<semaphore_mem>>
        %dma_start3A = tpu.memref_slice %arg7[%add3A_45] : memref<60672xf32, #tpu.memory_space<hbm>> -> memref<10112xf32, #tpu.memory_space<hbm>>
        tpu.enqueue_dma source(%arg14 : memref<10112xf32, #tpu.memory_space<vmem_shared>>) target(%dma_start3A : memref<10112xf32, #tpu.memory_space<hbm>>) target_semaphore(%run_scoped3A_48 : memref<!tpu.dma_semaphore, #tpu.memory_space<semaphore_mem>>)
        %dma_wait3A = tpu.memref_slice %arg7[%add3A_45] : memref<60672xf32, #tpu.memory_space<hbm>> -> memref<10112xf32, #tpu.memory_space<hbm>>
        tpu.wait_dma2 semaphore(%run_scoped3A_48 : memref<!tpu.dma_semaphore, #tpu.memory_space<semaphore_mem>>) src(%arg14 : memref<10112xf32, #tpu.memory_space<vmem_shared>>) dst(%dma_wait3A : memref<10112xf32, #tpu.memory_space<hbm>>)
        tpu.yield
      }) : () -> ()
      %add3A_46 = arith.constant 20224 : i32
      %add3A_47 = arith.addi %multiple_of3A, %add3A_46 : i32
      "tpu.region"() ({
        %run_scoped3A_48 = tpu.sem_alloc : memref<!tpu.dma_semaphore, #tpu.memory_space<semaphore_mem>>
        %dma_start3A = tpu.memref_slice %arg7[%add3A_47] : memref<60672xf32, #tpu.memory_space<hbm>> -> memref<10112xf32, #tpu.memory_space<hbm>>
        tpu.enqueue_dma source(%arg15 : memref<10112xf32, #tpu.memory_space<vmem_shared>>) target(%dma_start3A : memref<10112xf32, #tpu.memory_space<hbm>>) target_semaphore(%run_scoped3A_48 : memref<!tpu.dma_semaphore, #tpu.memory_space<semaphore_mem>>)
        %dma_wait3A = tpu.memref_slice %arg7[%add3A_47] : memref<60672xf32, #tpu.memory_space<hbm>> -> memref<10112xf32, #tpu.memory_space<hbm>>
        tpu.wait_dma2 semaphore(%run_scoped3A_48 : memref<!tpu.dma_semaphore, #tpu.memory_space<semaphore_mem>>) src(%arg15 : memref<10112xf32, #tpu.memory_space<vmem_shared>>) dst(%dma_wait3A : memref<10112xf32, #tpu.memory_space<hbm>>)
        tpu.yield
      }) : () -> ()
    } else {
    }
    return
  }
}

#map = affine_map<(d0, d1) -> (0, 0, 0)>
#map1 = affine_map<(d0, d1) -> (0)>
#map2 = affine_map<(d0, d1) -> (0, 0, 0, 0)>
module attributes {stable_mosaic.version = 14 : i64} {
  func.func @gat_edge_b(%arg0: i32, %arg1: i32, %arg2: memref<32x40x128xi32, #tpu.memory_space<hbm>>, %arg3: memref<32x40x128xi32, #tpu.memory_space<hbm>>, %arg4: memref<60672xf32, #tpu.memory_space<hbm>>, %arg5: memref<91008xf32, #tpu.memory_space<hbm>>, %arg6: memref<3x32x40x128xf32, #tpu.memory_space<hbm>>, %arg7: memref<2x16x3x16xf32, #tpu.memory_space<hbm>>, %arg8: memref<40x128xi32, #tpu.memory_space<vmem>>, %arg9: memref<40x128xi32, #tpu.memory_space<vmem>>, %arg10: memref<10112xf32, #tpu.memory_space<vmem>>, %arg11: memref<10112xf32, #tpu.memory_space<vmem>>, %arg12: memref<10112xf32, #tpu.memory_space<vmem>>, %arg13: memref<40x128xf32, #tpu.memory_space<vmem>>, %arg14: memref<3x16xf32, #tpu.memory_space<vmem>>) attributes {dimension_semantics = [#tpu.dimension_semantics<core_parallel>, #tpu.dimension_semantics<subcore_parallel>], iteration_bounds = array<i64: 2, 16>, scalar_prefetch = 0 : i64, scratch_operands = 7 : i64, tpu.core_type = #tpu.core_type<sc_vector_subcore>, window_params = [{transform_indices = #map}, {transform_indices = #map}, {transform_indices = #map1}, {transform_indices = #map1}, {transform_indices = #map2}, {transform_indices = #map2}]} {
    %mul3A = arith.constant 16 : i32
    %mul3A_0 = arith.muli %arg0, %mul3A : i32
    %add3A = arith.addi %mul3A_0, %arg1 : i32
    "tpu.region"() ({
      %run_scoped3A_36 = tpu.sem_alloc : memref<!tpu.dma_semaphore, #tpu.memory_space<semaphore_mem>>
      %dma_start3A = arith.constant 0 : i32
      %dma_start3A_37 = arith.constant 0 : i32
      %dma_start3A_38 = tpu.memref_slice %arg2[%add3A, %dma_start3A, %dma_start3A_37] : memref<32x40x128xi32, #tpu.memory_space<hbm>> -> memref<1x40x128xi32, #tpu.memory_space<hbm>>
      %dma_start3A_39 = tpu.memref_squeeze %dma_start3A_38 : memref<1x40x128xi32, #tpu.memory_space<hbm>> -> memref<40x128xi32, #tpu.memory_space<hbm>>
      %dma_start3A_40 = arith.constant 0 : i32
      %dma_start3A_41 = arith.constant 0 : i32
      %dma_start3A_42 = tpu.memref_slice %arg2[%add3A, %dma_start3A_40, %dma_start3A_41] : memref<32x40x128xi32, #tpu.memory_space<hbm>> -> memref<1x40x128xi32, #tpu.memory_space<hbm>>
      %dma_start3A_43 = tpu.memref_squeeze %dma_start3A_42 : memref<1x40x128xi32, #tpu.memory_space<hbm>> -> memref<40x128xi32, #tpu.memory_space<hbm>>
      tpu.enqueue_dma source(%dma_start3A_43 : memref<40x128xi32, #tpu.memory_space<hbm>>) target(%arg8 : memref<40x128xi32, #tpu.memory_space<vmem>>) target_semaphore(%run_scoped3A_36 : memref<!tpu.dma_semaphore, #tpu.memory_space<semaphore_mem>>)
      %dma_wait3A = arith.constant 0 : i32
      %dma_wait3A_44 = arith.constant 0 : i32
      %dma_wait3A_45 = tpu.memref_slice %arg2[%add3A, %dma_wait3A, %dma_wait3A_44] : memref<32x40x128xi32, #tpu.memory_space<hbm>> -> memref<1x40x128xi32, #tpu.memory_space<hbm>>
      %dma_wait3A_46 = tpu.memref_squeeze %dma_wait3A_45 : memref<1x40x128xi32, #tpu.memory_space<hbm>> -> memref<40x128xi32, #tpu.memory_space<hbm>>
      %dma_wait3A_47 = arith.constant 0 : i32
      %dma_wait3A_48 = arith.constant 0 : i32
      %dma_wait3A_49 = tpu.memref_slice %arg2[%add3A, %dma_wait3A_47, %dma_wait3A_48] : memref<32x40x128xi32, #tpu.memory_space<hbm>> -> memref<1x40x128xi32, #tpu.memory_space<hbm>>
      %dma_wait3A_50 = tpu.memref_squeeze %dma_wait3A_49 : memref<1x40x128xi32, #tpu.memory_space<hbm>> -> memref<40x128xi32, #tpu.memory_space<hbm>>
      tpu.wait_dma2 semaphore(%run_scoped3A_36 : memref<!tpu.dma_semaphore, #tpu.memory_space<semaphore_mem>>) src(%dma_wait3A_50 : memref<40x128xi32, #tpu.memory_space<hbm>>) dst(%arg8 : memref<40x128xi32, #tpu.memory_space<vmem>>)
      tpu.yield
    }) : () -> ()
    "tpu.region"() ({
      %run_scoped3A_36 = tpu.sem_alloc : memref<!tpu.dma_semaphore, #tpu.memory_space<semaphore_mem>>
      %dma_start3A = arith.constant 0 : i32
      %dma_start3A_37 = arith.constant 0 : i32
      %dma_start3A_38 = tpu.memref_slice %arg3[%add3A, %dma_start3A, %dma_start3A_37] : memref<32x40x128xi32, #tpu.memory_space<hbm>> -> memref<1x40x128xi32, #tpu.memory_space<hbm>>
      %dma_start3A_39 = tpu.memref_squeeze %dma_start3A_38 : memref<1x40x128xi32, #tpu.memory_space<hbm>> -> memref<40x128xi32, #tpu.memory_space<hbm>>
      %dma_start3A_40 = arith.constant 0 : i32
      %dma_start3A_41 = arith.constant 0 : i32
      %dma_start3A_42 = tpu.memref_slice %arg3[%add3A, %dma_start3A_40, %dma_start3A_41] : memref<32x40x128xi32, #tpu.memory_space<hbm>> -> memref<1x40x128xi32, #tpu.memory_space<hbm>>
      %dma_start3A_43 = tpu.memref_squeeze %dma_start3A_42 : memref<1x40x128xi32, #tpu.memory_space<hbm>> -> memref<40x128xi32, #tpu.memory_space<hbm>>
      tpu.enqueue_dma source(%dma_start3A_43 : memref<40x128xi32, #tpu.memory_space<hbm>>) target(%arg9 : memref<40x128xi32, #tpu.memory_space<vmem>>) target_semaphore(%run_scoped3A_36 : memref<!tpu.dma_semaphore, #tpu.memory_space<semaphore_mem>>)
      %dma_wait3A = arith.constant 0 : i32
      %dma_wait3A_44 = arith.constant 0 : i32
      %dma_wait3A_45 = tpu.memref_slice %arg3[%add3A, %dma_wait3A, %dma_wait3A_44] : memref<32x40x128xi32, #tpu.memory_space<hbm>> -> memref<1x40x128xi32, #tpu.memory_space<hbm>>
      %dma_wait3A_46 = tpu.memref_squeeze %dma_wait3A_45 : memref<1x40x128xi32, #tpu.memory_space<hbm>> -> memref<40x128xi32, #tpu.memory_space<hbm>>
      %dma_wait3A_47 = arith.constant 0 : i32
      %dma_wait3A_48 = arith.constant 0 : i32
      %dma_wait3A_49 = tpu.memref_slice %arg3[%add3A, %dma_wait3A_47, %dma_wait3A_48] : memref<32x40x128xi32, #tpu.memory_space<hbm>> -> memref<1x40x128xi32, #tpu.memory_space<hbm>>
      %dma_wait3A_50 = tpu.memref_squeeze %dma_wait3A_49 : memref<1x40x128xi32, #tpu.memory_space<hbm>> -> memref<40x128xi32, #tpu.memory_space<hbm>>
      tpu.wait_dma2 semaphore(%run_scoped3A_36 : memref<!tpu.dma_semaphore, #tpu.memory_space<semaphore_mem>>) src(%dma_wait3A_50 : memref<40x128xi32, #tpu.memory_space<hbm>>) dst(%arg9 : memref<40x128xi32, #tpu.memory_space<vmem>>)
      tpu.yield
    }) : () -> ()
    "tpu.region"() ({
      %run_scoped3A_36 = tpu.sem_alloc : memref<!tpu.dma_semaphore, #tpu.memory_space<semaphore_mem>>
      %dma_start3A = arith.constant 0 : i32
      %dma_start3A_37 = tpu.memref_slice %arg4[%dma_start3A] : memref<60672xf32, #tpu.memory_space<hbm>> -> memref<10112xf32, #tpu.memory_space<hbm>>
      %dma_start3A_38 = arith.constant 0 : i32
      %dma_start3A_39 = tpu.memref_slice %arg4[%dma_start3A_38] : memref<60672xf32, #tpu.memory_space<hbm>> -> memref<10112xf32, #tpu.memory_space<hbm>>
      tpu.enqueue_dma source(%dma_start3A_39 : memref<10112xf32, #tpu.memory_space<hbm>>) target(%arg10 : memref<10112xf32, #tpu.memory_space<vmem>>) target_semaphore(%run_scoped3A_36 : memref<!tpu.dma_semaphore, #tpu.memory_space<semaphore_mem>>)
      %dma_wait3A = arith.constant 0 : i32
      %dma_wait3A_40 = tpu.memref_slice %arg4[%dma_wait3A] : memref<60672xf32, #tpu.memory_space<hbm>> -> memref<10112xf32, #tpu.memory_space<hbm>>
      %dma_wait3A_41 = arith.constant 0 : i32
      %dma_wait3A_42 = tpu.memref_slice %arg4[%dma_wait3A_41] : memref<60672xf32, #tpu.memory_space<hbm>> -> memref<10112xf32, #tpu.memory_space<hbm>>
      tpu.wait_dma2 semaphore(%run_scoped3A_36 : memref<!tpu.dma_semaphore, #tpu.memory_space<semaphore_mem>>) src(%dma_wait3A_42 : memref<10112xf32, #tpu.memory_space<hbm>>) dst(%arg10 : memref<10112xf32, #tpu.memory_space<vmem>>)
      tpu.yield
    }) : () -> ()
    "tpu.region"() ({
      %run_scoped3A_36 = tpu.sem_alloc : memref<!tpu.dma_semaphore, #tpu.memory_space<semaphore_mem>>
      %dma_start3A = arith.constant 30336 : i32
      %dma_start3A_37 = tpu.memref_slice %arg4[%dma_start3A] : memref<60672xf32, #tpu.memory_space<hbm>> -> memref<10112xf32, #tpu.memory_space<hbm>>
      %dma_start3A_38 = arith.constant 30336 : i32
      %dma_start3A_39 = tpu.memref_slice %arg4[%dma_start3A_38] : memref<60672xf32, #tpu.memory_space<hbm>> -> memref<10112xf32, #tpu.memory_space<hbm>>
      tpu.enqueue_dma source(%dma_start3A_39 : memref<10112xf32, #tpu.memory_space<hbm>>) target(%arg11 : memref<10112xf32, #tpu.memory_space<vmem>>) target_semaphore(%run_scoped3A_36 : memref<!tpu.dma_semaphore, #tpu.memory_space<semaphore_mem>>)
      %dma_wait3A = arith.constant 30336 : i32
      %dma_wait3A_40 = tpu.memref_slice %arg4[%dma_wait3A] : memref<60672xf32, #tpu.memory_space<hbm>> -> memref<10112xf32, #tpu.memory_space<hbm>>
      %dma_wait3A_41 = arith.constant 30336 : i32
      %dma_wait3A_42 = tpu.memref_slice %arg4[%dma_wait3A_41] : memref<60672xf32, #tpu.memory_space<hbm>> -> memref<10112xf32, #tpu.memory_space<hbm>>
      tpu.wait_dma2 semaphore(%run_scoped3A_36 : memref<!tpu.dma_semaphore, #tpu.memory_space<semaphore_mem>>) src(%dma_wait3A_42 : memref<10112xf32, #tpu.memory_space<hbm>>) dst(%arg11 : memref<10112xf32, #tpu.memory_space<vmem>>)
      tpu.yield
    }) : () -> ()
    "tpu.region"() ({
      %run_scoped3A_36 = tpu.sem_alloc : memref<!tpu.dma_semaphore, #tpu.memory_space<semaphore_mem>>
      %dma_start3A = arith.constant 20224 : i32
      %dma_start3A_37 = tpu.memref_slice %arg5[%dma_start3A] : memref<91008xf32, #tpu.memory_space<hbm>> -> memref<10112xf32, #tpu.memory_space<hbm>>
      %dma_start3A_38 = arith.constant 20224 : i32
      %dma_start3A_39 = tpu.memref_slice %arg5[%dma_start3A_38] : memref<91008xf32, #tpu.memory_space<hbm>> -> memref<10112xf32, #tpu.memory_space<hbm>>
      tpu.enqueue_dma source(%dma_start3A_39 : memref<10112xf32, #tpu.memory_space<hbm>>) target(%arg12 : memref<10112xf32, #tpu.memory_space<vmem>>) target_semaphore(%run_scoped3A_36 : memref<!tpu.dma_semaphore, #tpu.memory_space<semaphore_mem>>)
      %dma_wait3A = arith.constant 20224 : i32
      %dma_wait3A_40 = tpu.memref_slice %arg5[%dma_wait3A] : memref<91008xf32, #tpu.memory_space<hbm>> -> memref<10112xf32, #tpu.memory_space<hbm>>
      %dma_wait3A_41 = arith.constant 20224 : i32
      %dma_wait3A_42 = tpu.memref_slice %arg5[%dma_wait3A_41] : memref<91008xf32, #tpu.memory_space<hbm>> -> memref<10112xf32, #tpu.memory_space<hbm>>
      tpu.wait_dma2 semaphore(%run_scoped3A_36 : memref<!tpu.dma_semaphore, #tpu.memory_space<semaphore_mem>>) src(%dma_wait3A_42 : memref<10112xf32, #tpu.memory_space<hbm>>) dst(%arg12 : memref<10112xf32, #tpu.memory_space<vmem>>)
      tpu.yield
    }) : () -> ()
    %run_scoped3A = arith.constant 0 : i32
    "tpu.region"() ({
      %run_scoped3A_36 = tpu.sem_alloc : memref<!tpu.dma_semaphore, #tpu.memory_space<semaphore_mem>>
      %dma_start3A = arith.constant 0 : i32
      %dma_start3A_37 = arith.constant 0 : i32
      %dma_start3A_38 = tpu.memref_slice %arg6[%run_scoped3A, %add3A, %dma_start3A, %dma_start3A_37] : memref<3x32x40x128xf32, #tpu.memory_space<hbm>> -> memref<1x1x40x128xf32, #tpu.memory_space<hbm>>
      %dma_start3A_39 = tpu.memref_squeeze %dma_start3A_38 : memref<1x1x40x128xf32, #tpu.memory_space<hbm>> -> memref<40x128xf32, #tpu.memory_space<hbm>>
      %dma_start3A_40 = arith.constant 0 : i32
      %dma_start3A_41 = arith.constant 0 : i32
      %dma_start3A_42 = tpu.memref_slice %arg6[%run_scoped3A, %add3A, %dma_start3A_40, %dma_start3A_41] : memref<3x32x40x128xf32, #tpu.memory_space<hbm>> -> memref<1x1x40x128xf32, #tpu.memory_space<hbm>>
      %dma_start3A_43 = tpu.memref_squeeze %dma_start3A_42 : memref<1x1x40x128xf32, #tpu.memory_space<hbm>> -> memref<40x128xf32, #tpu.memory_space<hbm>>
      tpu.enqueue_dma source(%dma_start3A_43 : memref<40x128xf32, #tpu.memory_space<hbm>>) target(%arg13 : memref<40x128xf32, #tpu.memory_space<vmem>>) target_semaphore(%run_scoped3A_36 : memref<!tpu.dma_semaphore, #tpu.memory_space<semaphore_mem>>)
      %dma_wait3A = arith.constant 0 : i32
      %dma_wait3A_44 = arith.constant 0 : i32
      %dma_wait3A_45 = tpu.memref_slice %arg6[%run_scoped3A, %add3A, %dma_wait3A, %dma_wait3A_44] : memref<3x32x40x128xf32, #tpu.memory_space<hbm>> -> memref<1x1x40x128xf32, #tpu.memory_space<hbm>>
      %dma_wait3A_46 = tpu.memref_squeeze %dma_wait3A_45 : memref<1x1x40x128xf32, #tpu.memory_space<hbm>> -> memref<40x128xf32, #tpu.memory_space<hbm>>
      %dma_wait3A_47 = arith.constant 0 : i32
      %dma_wait3A_48 = arith.constant 0 : i32
      %dma_wait3A_49 = tpu.memref_slice %arg6[%run_scoped3A, %add3A, %dma_wait3A_47, %dma_wait3A_48] : memref<3x32x40x128xf32, #tpu.memory_space<hbm>> -> memref<1x1x40x128xf32, #tpu.memory_space<hbm>>
      %dma_wait3A_50 = tpu.memref_squeeze %dma_wait3A_49 : memref<1x1x40x128xf32, #tpu.memory_space<hbm>> -> memref<40x128xf32, #tpu.memory_space<hbm>>
      tpu.wait_dma2 semaphore(%run_scoped3A_36 : memref<!tpu.dma_semaphore, #tpu.memory_space<semaphore_mem>>) src(%dma_wait3A_50 : memref<40x128xf32, #tpu.memory_space<hbm>>) dst(%arg13 : memref<40x128xf32, #tpu.memory_space<vmem>>)
      tpu.yield
    }) : () -> ()
    %broadcast_in_dim3A = arith.constant 0.000000e+00 : f32
    %broadcast_in_dim3A_1 = vector.broadcast %broadcast_in_dim3A : f32 to vector<16xf32>
    %scan3A = arith.constant 0 : i32
    %scan3A_2 = arith.constant 40 : i32
    %scan3A_3 = arith.addi %scan3A, %scan3A_2 : i32
    %scan3A_4 = arith.constant 1 : i32
    %scan3A_5 = scf.for %scan3A_36 = %scan3A to %scan3A_3 step %scan3A_4 iter_args(%scan3A_37 = %broadcast_in_dim3A_1) -> (vector<16xf32>)  : i32 {
      %mul3A_38 = arith.constant 1 : i32
      %mul3A_39 = arith.muli %scan3A_36, %mul3A_38 : i32
      %add3A_40 = arith.constant 0 : i32
      %add3A_41 = arith.addi %add3A_40, %mul3A_39 : i32
      %get3A = arith.index_cast %add3A_41 : i32 to index
      %get3A_42 = arith.constant 0 : index
      %get3A_43 = tpu.vector_load %arg9[%get3A, %get3A_42] {strides = array<i32>} : memref<40x128xi32, #tpu.memory_space<vmem>>, vector<16xi32>,
      %get3A_44 = arith.index_cast %add3A_41 : i32 to index
      %get3A_45 = arith.constant 0 : index
      %get3A_46 = tpu.vector_load %arg8[%get3A_44, %get3A_45] {strides = array<i32>} : memref<40x128xi32, #tpu.memory_space<vmem>>, vector<16xi32>,
      %gather3A = tpu.vector_load_idx %arg10[%get3A_43] : memref<10112xf32, #tpu.memory_space<vmem>>[vector<16xi32>], vector<16xf32>,
      %gather3A_47 = tpu.vector_load_idx %arg11[%get3A_43] : memref<10112xf32, #tpu.memory_space<vmem>>[vector<16xi32>], vector<16xf32>,
      %add3A_48 = arith.addf %gather3A, %gather3A_47 : vector<16xf32>
      %get3A_49 = arith.index_cast %add3A_41 : i32 to index
      %get3A_50 = arith.constant 0 : index
      %get3A_51 = tpu.vector_load %arg13[%get3A_49, %get3A_50] {strides = array<i32>} : memref<40x128xf32, #tpu.memory_space<vmem>>, vector<16xf32>,
      %max3A = arith.constant 9.99999971E-10 : f32
      %max3A_52 = vector.broadcast %max3A : f32 to vector<16xf32>
      %max3A_53 = arith.maximumf %add3A_48, %max3A_52 : vector<16xf32>
      %div3A = arith.divf %get3A_51, %max3A_53 : vector<16xf32>
      %gather3A_54 = tpu.vector_load_idx %arg12[%get3A_46] : memref<10112xf32, #tpu.memory_space<vmem>>[vector<16xi32>], vector<16xf32>,
      %mul3A_55 = arith.mulf %div3A, %gather3A_54 : vector<16xf32>
      %add3A_56 = arith.addf %scan3A_37, %mul3A_55 : vector<16xf32>
      %get3A_57 = arith.index_cast %add3A_41 : i32 to index
      %get3A_58 = arith.constant 16 : index
      %get3A_59 = tpu.vector_load %arg9[%get3A_57, %get3A_58] {strides = array<i32>} : memref<40x128xi32, #tpu.memory_space<vmem>>, vector<16xi32>,
      %get3A_60 = arith.index_cast %add3A_41 : i32 to index
      %get3A_61 = arith.constant 16 : index
      %get3A_62 = tpu.vector_load %arg8[%get3A_60, %get3A_61] {strides = array<i32>} : memref<40x128xi32, #tpu.memory_space<vmem>>, vector<16xi32>,
      %gather3A_63 = tpu.vector_load_idx %arg10[%get3A_59] : memref<10112xf32, #tpu.memory_space<vmem>>[vector<16xi32>], vector<16xf32>,
      %gather3A_64 = tpu.vector_load_idx %arg11[%get3A_59] : memref<10112xf32, #tpu.memory_space<vmem>>[vector<16xi32>], vector<16xf32>,
      %add3A_65 = arith.addf %gather3A_63, %gather3A_64 : vector<16xf32>
      %get3A_66 = arith.index_cast %add3A_41 : i32 to index
      %get3A_67 = arith.constant 16 : index
      %get3A_68 = tpu.vector_load %arg13[%get3A_66, %get3A_67] {strides = array<i32>} : memref<40x128xf32, #tpu.memory_space<vmem>>, vector<16xf32>,
      %max3A_69 = arith.constant 9.99999971E-10 : f32
      %max3A_70 = vector.broadcast %max3A_69 : f32 to vector<16xf32>
      %max3A_71 = arith.maximumf %add3A_65, %max3A_70 : vector<16xf32>
      %div3A_72 = arith.divf %get3A_68, %max3A_71 : vector<16xf32>
      %gather3A_73 = tpu.vector_load_idx %arg12[%get3A_62] : memref<10112xf32, #tpu.memory_space<vmem>>[vector<16xi32>], vector<16xf32>,
      %mul3A_74 = arith.mulf %div3A_72, %gather3A_73 : vector<16xf32>
      %add3A_75 = arith.addf %add3A_56, %mul3A_74 : vector<16xf32>
      %get3A_76 = arith.index_cast %add3A_41 : i32 to index
      %get3A_77 = arith.constant 32 : index
      %get3A_78 = tpu.vector_load %arg9[%get3A_76, %get3A_77] {strides = array<i32>} : memref<40x128xi32, #tpu.memory_space<vmem>>, vector<16xi32>,
      %get3A_79 = arith.index_cast %add3A_41 : i32 to index
      %get3A_80 = arith.constant 32 : index
      %get3A_81 = tpu.vector_load %arg8[%get3A_79, %get3A_80] {strides = array<i32>} : memref<40x128xi32, #tpu.memory_space<vmem>>, vector<16xi32>,
      %gather3A_82 = tpu.vector_load_idx %arg10[%get3A_78] : memref<10112xf32, #tpu.memory_space<vmem>>[vector<16xi32>], vector<16xf32>,
      %gather3A_83 = tpu.vector_load_idx %arg11[%get3A_78] : memref<10112xf32, #tpu.memory_space<vmem>>[vector<16xi32>], vector<16xf32>,
      %add3A_84 = arith.addf %gather3A_82, %gather3A_83 : vector<16xf32>
      %get3A_85 = arith.index_cast %add3A_41 : i32 to index
      %get3A_86 = arith.constant 32 : index
      %get3A_87 = tpu.vector_load %arg13[%get3A_85, %get3A_86] {strides = array<i32>} : memref<40x128xf32, #tpu.memory_space<vmem>>, vector<16xf32>,
      %max3A_88 = arith.constant 9.99999971E-10 : f32
      %max3A_89 = vector.broadcast %max3A_88 : f32 to vector<16xf32>
      %max3A_90 = arith.maximumf %add3A_84, %max3A_89 : vector<16xf32>
      %div3A_91 = arith.divf %get3A_87, %max3A_90 : vector<16xf32>
      %gather3A_92 = tpu.vector_load_idx %arg12[%get3A_81] : memref<10112xf32, #tpu.memory_space<vmem>>[vector<16xi32>], vector<16xf32>,
      %mul3A_93 = arith.mulf %div3A_91, %gather3A_92 : vector<16xf32>
      %add3A_94 = arith.addf %add3A_75, %mul3A_93 : vector<16xf32>
      %get3A_95 = arith.index_cast %add3A_41 : i32 to index
      %get3A_96 = arith.constant 48 : index
      %get3A_97 = tpu.vector_load %arg9[%get3A_95, %get3A_96] {strides = array<i32>} : memref<40x128xi32, #tpu.memory_space<vmem>>, vector<16xi32>,
      %get3A_98 = arith.index_cast %add3A_41 : i32 to index
      %get3A_99 = arith.constant 48 : index
      %get3A_100 = tpu.vector_load %arg8[%get3A_98, %get3A_99] {strides = array<i32>} : memref<40x128xi32, #tpu.memory_space<vmem>>, vector<16xi32>,
      %gather3A_101 = tpu.vector_load_idx %arg10[%get3A_97] : memref<10112xf32, #tpu.memory_space<vmem>>[vector<16xi32>], vector<16xf32>,
      %gather3A_102 = tpu.vector_load_idx %arg11[%get3A_97] : memref<10112xf32, #tpu.memory_space<vmem>>[vector<16xi32>], vector<16xf32>,
      %add3A_103 = arith.addf %gather3A_101, %gather3A_102 : vector<16xf32>
      %get3A_104 = arith.index_cast %add3A_41 : i32 to index
      %get3A_105 = arith.constant 48 : index
      %get3A_106 = tpu.vector_load %arg13[%get3A_104, %get3A_105] {strides = array<i32>} : memref<40x128xf32, #tpu.memory_space<vmem>>, vector<16xf32>,
      %max3A_107 = arith.constant 9.99999971E-10 : f32
      %max3A_108 = vector.broadcast %max3A_107 : f32 to vector<16xf32>
      %max3A_109 = arith.maximumf %add3A_103, %max3A_108 : vector<16xf32>
      %div3A_110 = arith.divf %get3A_106, %max3A_109 : vector<16xf32>
      %gather3A_111 = tpu.vector_load_idx %arg12[%get3A_100] : memref<10112xf32, #tpu.memory_space<vmem>>[vector<16xi32>], vector<16xf32>,
      %mul3A_112 = arith.mulf %div3A_110, %gather3A_111 : vector<16xf32>
      %add3A_113 = arith.addf %add3A_94, %mul3A_112 : vector<16xf32>
      %get3A_114 = arith.index_cast %add3A_41 : i32 to index
      %get3A_115 = arith.constant 64 : index
      %get3A_116 = tpu.vector_load %arg9[%get3A_114, %get3A_115] {strides = array<i32>} : memref<40x128xi32, #tpu.memory_space<vmem>>, vector<16xi32>,
      %get3A_117 = arith.index_cast %add3A_41 : i32 to index
      %get3A_118 = arith.constant 64 : index
      %get3A_119 = tpu.vector_load %arg8[%get3A_117, %get3A_118] {strides = array<i32>} : memref<40x128xi32, #tpu.memory_space<vmem>>, vector<16xi32>,
      %gather3A_120 = tpu.vector_load_idx %arg10[%get3A_116] : memref<10112xf32, #tpu.memory_space<vmem>>[vector<16xi32>], vector<16xf32>,
      %gather3A_121 = tpu.vector_load_idx %arg11[%get3A_116] : memref<10112xf32, #tpu.memory_space<vmem>>[vector<16xi32>], vector<16xf32>,
      %add3A_122 = arith.addf %gather3A_120, %gather3A_121 : vector<16xf32>
      %get3A_123 = arith.index_cast %add3A_41 : i32 to index
      %get3A_124 = arith.constant 64 : index
      %get3A_125 = tpu.vector_load %arg13[%get3A_123, %get3A_124] {strides = array<i32>} : memref<40x128xf32, #tpu.memory_space<vmem>>, vector<16xf32>,
      %max3A_126 = arith.constant 9.99999971E-10 : f32
      %max3A_127 = vector.broadcast %max3A_126 : f32 to vector<16xf32>
      %max3A_128 = arith.maximumf %add3A_122, %max3A_127 : vector<16xf32>
      %div3A_129 = arith.divf %get3A_125, %max3A_128 : vector<16xf32>
      %gather3A_130 = tpu.vector_load_idx %arg12[%get3A_119] : memref<10112xf32, #tpu.memory_space<vmem>>[vector<16xi32>], vector<16xf32>,
      %mul3A_131 = arith.mulf %div3A_129, %gather3A_130 : vector<16xf32>
      %add3A_132 = arith.addf %add3A_113, %mul3A_131 : vector<16xf32>
      %get3A_133 = arith.index_cast %add3A_41 : i32 to index
      %get3A_134 = arith.constant 80 : index
      %get3A_135 = tpu.vector_load %arg9[%get3A_133, %get3A_134] {strides = array<i32>} : memref<40x128xi32, #tpu.memory_space<vmem>>, vector<16xi32>,
      %get3A_136 = arith.index_cast %add3A_41 : i32 to index
      %get3A_137 = arith.constant 80 : index
      %get3A_138 = tpu.vector_load %arg8[%get3A_136, %get3A_137] {strides = array<i32>} : memref<40x128xi32, #tpu.memory_space<vmem>>, vector<16xi32>,
      %gather3A_139 = tpu.vector_load_idx %arg10[%get3A_135] : memref<10112xf32, #tpu.memory_space<vmem>>[vector<16xi32>], vector<16xf32>,
      %gather3A_140 = tpu.vector_load_idx %arg11[%get3A_135] : memref<10112xf32, #tpu.memory_space<vmem>>[vector<16xi32>], vector<16xf32>,
      %add3A_141 = arith.addf %gather3A_139, %gather3A_140 : vector<16xf32>
      %get3A_142 = arith.index_cast %add3A_41 : i32 to index
      %get3A_143 = arith.constant 80 : index
      %get3A_144 = tpu.vector_load %arg13[%get3A_142, %get3A_143] {strides = array<i32>} : memref<40x128xf32, #tpu.memory_space<vmem>>, vector<16xf32>,
      %max3A_145 = arith.constant 9.99999971E-10 : f32
      %max3A_146 = vector.broadcast %max3A_145 : f32 to vector<16xf32>
      %max3A_147 = arith.maximumf %add3A_141, %max3A_146 : vector<16xf32>
      %div3A_148 = arith.divf %get3A_144, %max3A_147 : vector<16xf32>
      %gather3A_149 = tpu.vector_load_idx %arg12[%get3A_138] : memref<10112xf32, #tpu.memory_space<vmem>>[vector<16xi32>], vector<16xf32>,
      %mul3A_150 = arith.mulf %div3A_148, %gather3A_149 : vector<16xf32>
      %add3A_151 = arith.addf %add3A_132, %mul3A_150 : vector<16xf32>
      %get3A_152 = arith.index_cast %add3A_41 : i32 to index
      %get3A_153 = arith.constant 96 : index
      %get3A_154 = tpu.vector_load %arg9[%get3A_152, %get3A_153] {strides = array<i32>} : memref<40x128xi32, #tpu.memory_space<vmem>>, vector<16xi32>,
      %get3A_155 = arith.index_cast %add3A_41 : i32 to index
      %get3A_156 = arith.constant 96 : index
      %get3A_157 = tpu.vector_load %arg8[%get3A_155, %get3A_156] {strides = array<i32>} : memref<40x128xi32, #tpu.memory_space<vmem>>, vector<16xi32>,
      %gather3A_158 = tpu.vector_load_idx %arg10[%get3A_154] : memref<10112xf32, #tpu.memory_space<vmem>>[vector<16xi32>], vector<16xf32>,
      %gather3A_159 = tpu.vector_load_idx %arg11[%get3A_154] : memref<10112xf32, #tpu.memory_space<vmem>>[vector<16xi32>], vector<16xf32>,
      %add3A_160 = arith.addf %gather3A_158, %gather3A_159 : vector<16xf32>
      %get3A_161 = arith.index_cast %add3A_41 : i32 to index
      %get3A_162 = arith.constant 96 : index
      %get3A_163 = tpu.vector_load %arg13[%get3A_161, %get3A_162] {strides = array<i32>} : memref<40x128xf32, #tpu.memory_space<vmem>>, vector<16xf32>,
      %max3A_164 = arith.constant 9.99999971E-10 : f32
      %max3A_165 = vector.broadcast %max3A_164 : f32 to vector<16xf32>
      %max3A_166 = arith.maximumf %add3A_160, %max3A_165 : vector<16xf32>
      %div3A_167 = arith.divf %get3A_163, %max3A_166 : vector<16xf32>
      %gather3A_168 = tpu.vector_load_idx %arg12[%get3A_157] : memref<10112xf32, #tpu.memory_space<vmem>>[vector<16xi32>], vector<16xf32>,
      %mul3A_169 = arith.mulf %div3A_167, %gather3A_168 : vector<16xf32>
      %add3A_170 = arith.addf %add3A_151, %mul3A_169 : vector<16xf32>
      %get3A_171 = arith.index_cast %add3A_41 : i32 to index
      %get3A_172 = arith.constant 112 : index
      %get3A_173 = tpu.vector_load %arg9[%get3A_171, %get3A_172] {strides = array<i32>} : memref<40x128xi32, #tpu.memory_space<vmem>>, vector<16xi32>,
      %get3A_174 = arith.index_cast %add3A_41 : i32 to index
      %get3A_175 = arith.constant 112 : index
      %get3A_176 = tpu.vector_load %arg8[%get3A_174, %get3A_175] {strides = array<i32>} : memref<40x128xi32, #tpu.memory_space<vmem>>, vector<16xi32>,
      %gather3A_177 = tpu.vector_load_idx %arg10[%get3A_173] : memref<10112xf32, #tpu.memory_space<vmem>>[vector<16xi32>], vector<16xf32>,
      %gather3A_178 = tpu.vector_load_idx %arg11[%get3A_173] : memref<10112xf32, #tpu.memory_space<vmem>>[vector<16xi32>], vector<16xf32>,
      %add3A_179 = arith.addf %gather3A_177, %gather3A_178 : vector<16xf32>
      %get3A_180 = arith.index_cast %add3A_41 : i32 to index
      %get3A_181 = arith.constant 112 : index
      %get3A_182 = tpu.vector_load %arg13[%get3A_180, %get3A_181] {strides = array<i32>} : memref<40x128xf32, #tpu.memory_space<vmem>>, vector<16xf32>,
      %max3A_183 = arith.constant 9.99999971E-10 : f32
      %max3A_184 = vector.broadcast %max3A_183 : f32 to vector<16xf32>
      %max3A_185 = arith.maximumf %add3A_179, %max3A_184 : vector<16xf32>
      %div3A_186 = arith.divf %get3A_182, %max3A_185 : vector<16xf32>
      %gather3A_187 = tpu.vector_load_idx %arg12[%get3A_176] : memref<10112xf32, #tpu.memory_space<vmem>>[vector<16xi32>], vector<16xf32>,
      %mul3A_188 = arith.mulf %div3A_186, %gather3A_187 : vector<16xf32>
      %add3A_189 = arith.addf %add3A_170, %mul3A_188 : vector<16xf32>
      scf.yield %add3A_189 : vector<16xf32>
    }
    %scan3A_6 = arith.constant 40 : i32
    %swap3A = arith.constant 0 : i32
    %swap3A_7 = arith.index_cast %swap3A : i32 to index
    %swap3A_8 = arith.constant 0 : index
    %swap3A_9 = tpu.vector_load %arg14[%swap3A_7, %swap3A_8] {strides = array<i32>} : memref<3x16xf32, #tpu.memory_space<vmem>>, vector<16xf32>,
    tpu.vector_store %arg14[%swap3A_7, %swap3A_8], %scan3A_5 {strides = array<i32>} : memref<3x16xf32, #tpu.memory_space<vmem>>, vector<16xf32>,
    "tpu.region"() ({
      %run_scoped3A_36 = tpu.sem_alloc : memref<!tpu.dma_semaphore, #tpu.memory_space<semaphore_mem>>
      %dma_start3A = arith.constant 10112 : i32
      %dma_start3A_37 = tpu.memref_slice %arg4[%dma_start3A] : memref<60672xf32, #tpu.memory_space<hbm>> -> memref<10112xf32, #tpu.memory_space<hbm>>
      %dma_start3A_38 = arith.constant 10112 : i32
      %dma_start3A_39 = tpu.memref_slice %arg4[%dma_start3A_38] : memref<60672xf32, #tpu.memory_space<hbm>> -> memref<10112xf32, #tpu.memory_space<hbm>>
      tpu.enqueue_dma source(%dma_start3A_39 : memref<10112xf32, #tpu.memory_space<hbm>>) target(%arg10 : memref<10112xf32, #tpu.memory_space<vmem>>) target_semaphore(%run_scoped3A_36 : memref<!tpu.dma_semaphore, #tpu.memory_space<semaphore_mem>>)
      %dma_wait3A = arith.constant 10112 : i32
      %dma_wait3A_40 = tpu.memref_slice %arg4[%dma_wait3A] : memref<60672xf32, #tpu.memory_space<hbm>> -> memref<10112xf32, #tpu.memory_space<hbm>>
      %dma_wait3A_41 = arith.constant 10112 : i32
      %dma_wait3A_42 = tpu.memref_slice %arg4[%dma_wait3A_41] : memref<60672xf32, #tpu.memory_space<hbm>> -> memref<10112xf32, #tpu.memory_space<hbm>>
      tpu.wait_dma2 semaphore(%run_scoped3A_36 : memref<!tpu.dma_semaphore, #tpu.memory_space<semaphore_mem>>) src(%dma_wait3A_42 : memref<10112xf32, #tpu.memory_space<hbm>>) dst(%arg10 : memref<10112xf32, #tpu.memory_space<vmem>>)
      tpu.yield
    }) : () -> ()
    "tpu.region"() ({
      %run_scoped3A_36 = tpu.sem_alloc : memref<!tpu.dma_semaphore, #tpu.memory_space<semaphore_mem>>
      %dma_start3A = arith.constant 40448 : i32
      %dma_start3A_37 = tpu.memref_slice %arg4[%dma_start3A] : memref<60672xf32, #tpu.memory_space<hbm>> -> memref<10112xf32, #tpu.memory_space<hbm>>
      %dma_start3A_38 = arith.constant 40448 : i32
      %dma_start3A_39 = tpu.memref_slice %arg4[%dma_start3A_38] : memref<60672xf32, #tpu.memory_space<hbm>> -> memref<10112xf32, #tpu.memory_space<hbm>>
      tpu.enqueue_dma source(%dma_start3A_39 : memref<10112xf32, #tpu.memory_space<hbm>>) target(%arg11 : memref<10112xf32, #tpu.memory_space<vmem>>) target_semaphore(%run_scoped3A_36 : memref<!tpu.dma_semaphore, #tpu.memory_space<semaphore_mem>>)
      %dma_wait3A = arith.constant 40448 : i32
      %dma_wait3A_40 = tpu.memref_slice %arg4[%dma_wait3A] : memref<60672xf32, #tpu.memory_space<hbm>> -> memref<10112xf32, #tpu.memory_space<hbm>>
      %dma_wait3A_41 = arith.constant 40448 : i32
      %dma_wait3A_42 = tpu.memref_slice %arg4[%dma_wait3A_41] : memref<60672xf32, #tpu.memory_space<hbm>> -> memref<10112xf32, #tpu.memory_space<hbm>>
      tpu.wait_dma2 semaphore(%run_scoped3A_36 : memref<!tpu.dma_semaphore, #tpu.memory_space<semaphore_mem>>) src(%dma_wait3A_42 : memref<10112xf32, #tpu.memory_space<hbm>>) dst(%arg11 : memref<10112xf32, #tpu.memory_space<vmem>>)
      tpu.yield
    }) : () -> ()
    "tpu.region"() ({
      %run_scoped3A_36 = tpu.sem_alloc : memref<!tpu.dma_semaphore, #tpu.memory_space<semaphore_mem>>
      %dma_start3A = arith.constant 50560 : i32
      %dma_start3A_37 = tpu.memref_slice %arg5[%dma_start3A] : memref<91008xf32, #tpu.memory_space<hbm>> -> memref<10112xf32, #tpu.memory_space<hbm>>
      %dma_start3A_38 = arith.constant 50560 : i32
      %dma_start3A_39 = tpu.memref_slice %arg5[%dma_start3A_38] : memref<91008xf32, #tpu.memory_space<hbm>> -> memref<10112xf32, #tpu.memory_space<hbm>>
      tpu.enqueue_dma source(%dma_start3A_39 : memref<10112xf32, #tpu.memory_space<hbm>>) target(%arg12 : memref<10112xf32, #tpu.memory_space<vmem>>) target_semaphore(%run_scoped3A_36 : memref<!tpu.dma_semaphore, #tpu.memory_space<semaphore_mem>>)
      %dma_wait3A = arith.constant 50560 : i32
      %dma_wait3A_40 = tpu.memref_slice %arg5[%dma_wait3A] : memref<91008xf32, #tpu.memory_space<hbm>> -> memref<10112xf32, #tpu.memory_space<hbm>>
      %dma_wait3A_41 = arith.constant 50560 : i32
      %dma_wait3A_42 = tpu.memref_slice %arg5[%dma_wait3A_41] : memref<91008xf32, #tpu.memory_space<hbm>> -> memref<10112xf32, #tpu.memory_space<hbm>>
      tpu.wait_dma2 semaphore(%run_scoped3A_36 : memref<!tpu.dma_semaphore, #tpu.memory_space<semaphore_mem>>) src(%dma_wait3A_42 : memref<10112xf32, #tpu.memory_space<hbm>>) dst(%arg12 : memref<10112xf32, #tpu.memory_space<vmem>>)
      tpu.yield
    }) : () -> ()
    %run_scoped3A_10 = arith.constant 1 : i32
    "tpu.region"() ({
      %run_scoped3A_36 = tpu.sem_alloc : memref<!tpu.dma_semaphore, #tpu.memory_space<semaphore_mem>>
      %dma_start3A = arith.constant 0 : i32
      %dma_start3A_37 = arith.constant 0 : i32
      %dma_start3A_38 = tpu.memref_slice %arg6[%run_scoped3A_10, %add3A, %dma_start3A, %dma_start3A_37] : memref<3x32x40x128xf32, #tpu.memory_space<hbm>> -> memref<1x1x40x128xf32, #tpu.memory_space<hbm>>
      %dma_start3A_39 = tpu.memref_squeeze %dma_start3A_38 : memref<1x1x40x128xf32, #tpu.memory_space<hbm>> -> memref<40x128xf32, #tpu.memory_space<hbm>>
      %dma_start3A_40 = arith.constant 0 : i32
      %dma_start3A_41 = arith.constant 0 : i32
      %dma_start3A_42 = tpu.memref_slice %arg6[%run_scoped3A_10, %add3A, %dma_start3A_40, %dma_start3A_41] : memref<3x32x40x128xf32, #tpu.memory_space<hbm>> -> memref<1x1x40x128xf32, #tpu.memory_space<hbm>>
      %dma_start3A_43 = tpu.memref_squeeze %dma_start3A_42 : memref<1x1x40x128xf32, #tpu.memory_space<hbm>> -> memref<40x128xf32, #tpu.memory_space<hbm>>
      tpu.enqueue_dma source(%dma_start3A_43 : memref<40x128xf32, #tpu.memory_space<hbm>>) target(%arg13 : memref<40x128xf32, #tpu.memory_space<vmem>>) target_semaphore(%run_scoped3A_36 : memref<!tpu.dma_semaphore, #tpu.memory_space<semaphore_mem>>)
      %dma_wait3A = arith.constant 0 : i32
      %dma_wait3A_44 = arith.constant 0 : i32
      %dma_wait3A_45 = tpu.memref_slice %arg6[%run_scoped3A_10, %add3A, %dma_wait3A, %dma_wait3A_44] : memref<3x32x40x128xf32, #tpu.memory_space<hbm>> -> memref<1x1x40x128xf32, #tpu.memory_space<hbm>>
      %dma_wait3A_46 = tpu.memref_squeeze %dma_wait3A_45 : memref<1x1x40x128xf32, #tpu.memory_space<hbm>> -> memref<40x128xf32, #tpu.memory_space<hbm>>
      %dma_wait3A_47 = arith.constant 0 : i32
      %dma_wait3A_48 = arith.constant 0 : i32
      %dma_wait3A_49 = tpu.memref_slice %arg6[%run_scoped3A_10, %add3A, %dma_wait3A_47, %dma_wait3A_48] : memref<3x32x40x128xf32, #tpu.memory_space<hbm>> -> memref<1x1x40x128xf32, #tpu.memory_space<hbm>>
      %dma_wait3A_50 = tpu.memref_squeeze %dma_wait3A_49 : memref<1x1x40x128xf32, #tpu.memory_space<hbm>> -> memref<40x128xf32, #tpu.memory_space<hbm>>
      tpu.wait_dma2 semaphore(%run_scoped3A_36 : memref<!tpu.dma_semaphore, #tpu.memory_space<semaphore_mem>>) src(%dma_wait3A_50 : memref<40x128xf32, #tpu.memory_space<hbm>>) dst(%arg13 : memref<40x128xf32, #tpu.memory_space<vmem>>)
      tpu.yield
    }) : () -> ()
    %broadcast_in_dim3A_11 = arith.constant 0.000000e+00 : f32
    %broadcast_in_dim3A_12 = vector.broadcast %broadcast_in_dim3A_11 : f32 to vector<16xf32>
    %scan3A_13 = arith.constant 0 : i32
    %scan3A_14 = arith.constant 40 : i32
    %scan3A_15 = arith.addi %scan3A_13, %scan3A_14 : i32
    %scan3A_16 = arith.constant 1 : i32
    %scan3A_17 = scf.for %scan3A_36 = %scan3A_13 to %scan3A_15 step %scan3A_16 iter_args(%scan3A_37 = %broadcast_in_dim3A_12) -> (vector<16xf32>)  : i32 {
      %mul3A_38 = arith.constant 1 : i32
      %mul3A_39 = arith.muli %scan3A_36, %mul3A_38 : i32
      %add3A_40 = arith.constant 0 : i32
      %add3A_41 = arith.addi %add3A_40, %mul3A_39 : i32
      %get3A = arith.index_cast %add3A_41 : i32 to index
      %get3A_42 = arith.constant 0 : index
      %get3A_43 = tpu.vector_load %arg9[%get3A, %get3A_42] {strides = array<i32>} : memref<40x128xi32, #tpu.memory_space<vmem>>, vector<16xi32>,
      %get3A_44 = arith.index_cast %add3A_41 : i32 to index
      %get3A_45 = arith.constant 0 : index
      %get3A_46 = tpu.vector_load %arg8[%get3A_44, %get3A_45] {strides = array<i32>} : memref<40x128xi32, #tpu.memory_space<vmem>>, vector<16xi32>,
      %gather3A = tpu.vector_load_idx %arg10[%get3A_43] : memref<10112xf32, #tpu.memory_space<vmem>>[vector<16xi32>], vector<16xf32>,
      %gather3A_47 = tpu.vector_load_idx %arg11[%get3A_43] : memref<10112xf32, #tpu.memory_space<vmem>>[vector<16xi32>], vector<16xf32>,
      %add3A_48 = arith.addf %gather3A, %gather3A_47 : vector<16xf32>
      %get3A_49 = arith.index_cast %add3A_41 : i32 to index
      %get3A_50 = arith.constant 0 : index
      %get3A_51 = tpu.vector_load %arg13[%get3A_49, %get3A_50] {strides = array<i32>} : memref<40x128xf32, #tpu.memory_space<vmem>>, vector<16xf32>,
      %max3A = arith.constant 9.99999971E-10 : f32
      %max3A_52 = vector.broadcast %max3A : f32 to vector<16xf32>
      %max3A_53 = arith.maximumf %add3A_48, %max3A_52 : vector<16xf32>
      %div3A = arith.divf %get3A_51, %max3A_53 : vector<16xf32>
      %gather3A_54 = tpu.vector_load_idx %arg12[%get3A_46] : memref<10112xf32, #tpu.memory_space<vmem>>[vector<16xi32>], vector<16xf32>,
      %mul3A_55 = arith.mulf %div3A, %gather3A_54 : vector<16xf32>
      %add3A_56 = arith.addf %scan3A_37, %mul3A_55 : vector<16xf32>
      %get3A_57 = arith.index_cast %add3A_41 : i32 to index
      %get3A_58 = arith.constant 16 : index
      %get3A_59 = tpu.vector_load %arg9[%get3A_57, %get3A_58] {strides = array<i32>} : memref<40x128xi32, #tpu.memory_space<vmem>>, vector<16xi32>,
      %get3A_60 = arith.index_cast %add3A_41 : i32 to index
      %get3A_61 = arith.constant 16 : index
      %get3A_62 = tpu.vector_load %arg8[%get3A_60, %get3A_61] {strides = array<i32>} : memref<40x128xi32, #tpu.memory_space<vmem>>, vector<16xi32>,
      %gather3A_63 = tpu.vector_load_idx %arg10[%get3A_59] : memref<10112xf32, #tpu.memory_space<vmem>>[vector<16xi32>], vector<16xf32>,
      %gather3A_64 = tpu.vector_load_idx %arg11[%get3A_59] : memref<10112xf32, #tpu.memory_space<vmem>>[vector<16xi32>], vector<16xf32>,
      %add3A_65 = arith.addf %gather3A_63, %gather3A_64 : vector<16xf32>
      %get3A_66 = arith.index_cast %add3A_41 : i32 to index
      %get3A_67 = arith.constant 16 : index
      %get3A_68 = tpu.vector_load %arg13[%get3A_66, %get3A_67] {strides = array<i32>} : memref<40x128xf32, #tpu.memory_space<vmem>>, vector<16xf32>,
      %max3A_69 = arith.constant 9.99999971E-10 : f32
      %max3A_70 = vector.broadcast %max3A_69 : f32 to vector<16xf32>
      %max3A_71 = arith.maximumf %add3A_65, %max3A_70 : vector<16xf32>
      %div3A_72 = arith.divf %get3A_68, %max3A_71 : vector<16xf32>
      %gather3A_73 = tpu.vector_load_idx %arg12[%get3A_62] : memref<10112xf32, #tpu.memory_space<vmem>>[vector<16xi32>], vector<16xf32>,
      %mul3A_74 = arith.mulf %div3A_72, %gather3A_73 : vector<16xf32>
      %add3A_75 = arith.addf %add3A_56, %mul3A_74 : vector<16xf32>
      %get3A_76 = arith.index_cast %add3A_41 : i32 to index
      %get3A_77 = arith.constant 32 : index
      %get3A_78 = tpu.vector_load %arg9[%get3A_76, %get3A_77] {strides = array<i32>} : memref<40x128xi32, #tpu.memory_space<vmem>>, vector<16xi32>,
      %get3A_79 = arith.index_cast %add3A_41 : i32 to index
      %get3A_80 = arith.constant 32 : index
      %get3A_81 = tpu.vector_load %arg8[%get3A_79, %get3A_80] {strides = array<i32>} : memref<40x128xi32, #tpu.memory_space<vmem>>, vector<16xi32>,
      %gather3A_82 = tpu.vector_load_idx %arg10[%get3A_78] : memref<10112xf32, #tpu.memory_space<vmem>>[vector<16xi32>], vector<16xf32>,
      %gather3A_83 = tpu.vector_load_idx %arg11[%get3A_78] : memref<10112xf32, #tpu.memory_space<vmem>>[vector<16xi32>], vector<16xf32>,
      %add3A_84 = arith.addf %gather3A_82, %gather3A_83 : vector<16xf32>
      %get3A_85 = arith.index_cast %add3A_41 : i32 to index
      %get3A_86 = arith.constant 32 : index
      %get3A_87 = tpu.vector_load %arg13[%get3A_85, %get3A_86] {strides = array<i32>} : memref<40x128xf32, #tpu.memory_space<vmem>>, vector<16xf32>,
      %max3A_88 = arith.constant 9.99999971E-10 : f32
      %max3A_89 = vector.broadcast %max3A_88 : f32 to vector<16xf32>
      %max3A_90 = arith.maximumf %add3A_84, %max3A_89 : vector<16xf32>
      %div3A_91 = arith.divf %get3A_87, %max3A_90 : vector<16xf32>
      %gather3A_92 = tpu.vector_load_idx %arg12[%get3A_81] : memref<10112xf32, #tpu.memory_space<vmem>>[vector<16xi32>], vector<16xf32>,
      %mul3A_93 = arith.mulf %div3A_91, %gather3A_92 : vector<16xf32>
      %add3A_94 = arith.addf %add3A_75, %mul3A_93 : vector<16xf32>
      %get3A_95 = arith.index_cast %add3A_41 : i32 to index
      %get3A_96 = arith.constant 48 : index
      %get3A_97 = tpu.vector_load %arg9[%get3A_95, %get3A_96] {strides = array<i32>} : memref<40x128xi32, #tpu.memory_space<vmem>>, vector<16xi32>,
      %get3A_98 = arith.index_cast %add3A_41 : i32 to index
      %get3A_99 = arith.constant 48 : index
      %get3A_100 = tpu.vector_load %arg8[%get3A_98, %get3A_99] {strides = array<i32>} : memref<40x128xi32, #tpu.memory_space<vmem>>, vector<16xi32>,
      %gather3A_101 = tpu.vector_load_idx %arg10[%get3A_97] : memref<10112xf32, #tpu.memory_space<vmem>>[vector<16xi32>], vector<16xf32>,
      %gather3A_102 = tpu.vector_load_idx %arg11[%get3A_97] : memref<10112xf32, #tpu.memory_space<vmem>>[vector<16xi32>], vector<16xf32>,
      %add3A_103 = arith.addf %gather3A_101, %gather3A_102 : vector<16xf32>
      %get3A_104 = arith.index_cast %add3A_41 : i32 to index
      %get3A_105 = arith.constant 48 : index
      %get3A_106 = tpu.vector_load %arg13[%get3A_104, %get3A_105] {strides = array<i32>} : memref<40x128xf32, #tpu.memory_space<vmem>>, vector<16xf32>,
      %max3A_107 = arith.constant 9.99999971E-10 : f32
      %max3A_108 = vector.broadcast %max3A_107 : f32 to vector<16xf32>
      %max3A_109 = arith.maximumf %add3A_103, %max3A_108 : vector<16xf32>
      %div3A_110 = arith.divf %get3A_106, %max3A_109 : vector<16xf32>
      %gather3A_111 = tpu.vector_load_idx %arg12[%get3A_100] : memref<10112xf32, #tpu.memory_space<vmem>>[vector<16xi32>], vector<16xf32>,
      %mul3A_112 = arith.mulf %div3A_110, %gather3A_111 : vector<16xf32>
      %add3A_113 = arith.addf %add3A_94, %mul3A_112 : vector<16xf32>
      %get3A_114 = arith.index_cast %add3A_41 : i32 to index
      %get3A_115 = arith.constant 64 : index
      %get3A_116 = tpu.vector_load %arg9[%get3A_114, %get3A_115] {strides = array<i32>} : memref<40x128xi32, #tpu.memory_space<vmem>>, vector<16xi32>,
      %get3A_117 = arith.index_cast %add3A_41 : i32 to index
      %get3A_118 = arith.constant 64 : index
      %get3A_119 = tpu.vector_load %arg8[%get3A_117, %get3A_118] {strides = array<i32>} : memref<40x128xi32, #tpu.memory_space<vmem>>, vector<16xi32>,
      %gather3A_120 = tpu.vector_load_idx %arg10[%get3A_116] : memref<10112xf32, #tpu.memory_space<vmem>>[vector<16xi32>], vector<16xf32>,
      %gather3A_121 = tpu.vector_load_idx %arg11[%get3A_116] : memref<10112xf32, #tpu.memory_space<vmem>>[vector<16xi32>], vector<16xf32>,
      %add3A_122 = arith.addf %gather3A_120, %gather3A_121 : vector<16xf32>
      %get3A_123 = arith.index_cast %add3A_41 : i32 to index
      %get3A_124 = arith.constant 64 : index
      %get3A_125 = tpu.vector_load %arg13[%get3A_123, %get3A_124] {strides = array<i32>} : memref<40x128xf32, #tpu.memory_space<vmem>>, vector<16xf32>,
      %max3A_126 = arith.constant 9.99999971E-10 : f32
      %max3A_127 = vector.broadcast %max3A_126 : f32 to vector<16xf32>
      %max3A_128 = arith.maximumf %add3A_122, %max3A_127 : vector<16xf32>
      %div3A_129 = arith.divf %get3A_125, %max3A_128 : vector<16xf32>
      %gather3A_130 = tpu.vector_load_idx %arg12[%get3A_119] : memref<10112xf32, #tpu.memory_space<vmem>>[vector<16xi32>], vector<16xf32>,
      %mul3A_131 = arith.mulf %div3A_129, %gather3A_130 : vector<16xf32>
      %add3A_132 = arith.addf %add3A_113, %mul3A_131 : vector<16xf32>
      %get3A_133 = arith.index_cast %add3A_41 : i32 to index
      %get3A_134 = arith.constant 80 : index
      %get3A_135 = tpu.vector_load %arg9[%get3A_133, %get3A_134] {strides = array<i32>} : memref<40x128xi32, #tpu.memory_space<vmem>>, vector<16xi32>,
      %get3A_136 = arith.index_cast %add3A_41 : i32 to index
      %get3A_137 = arith.constant 80 : index
      %get3A_138 = tpu.vector_load %arg8[%get3A_136, %get3A_137] {strides = array<i32>} : memref<40x128xi32, #tpu.memory_space<vmem>>, vector<16xi32>,
      %gather3A_139 = tpu.vector_load_idx %arg10[%get3A_135] : memref<10112xf32, #tpu.memory_space<vmem>>[vector<16xi32>], vector<16xf32>,
      %gather3A_140 = tpu.vector_load_idx %arg11[%get3A_135] : memref<10112xf32, #tpu.memory_space<vmem>>[vector<16xi32>], vector<16xf32>,
      %add3A_141 = arith.addf %gather3A_139, %gather3A_140 : vector<16xf32>
      %get3A_142 = arith.index_cast %add3A_41 : i32 to index
      %get3A_143 = arith.constant 80 : index
      %get3A_144 = tpu.vector_load %arg13[%get3A_142, %get3A_143] {strides = array<i32>} : memref<40x128xf32, #tpu.memory_space<vmem>>, vector<16xf32>,
      %max3A_145 = arith.constant 9.99999971E-10 : f32
      %max3A_146 = vector.broadcast %max3A_145 : f32 to vector<16xf32>
      %max3A_147 = arith.maximumf %add3A_141, %max3A_146 : vector<16xf32>
      %div3A_148 = arith.divf %get3A_144, %max3A_147 : vector<16xf32>
      %gather3A_149 = tpu.vector_load_idx %arg12[%get3A_138] : memref<10112xf32, #tpu.memory_space<vmem>>[vector<16xi32>], vector<16xf32>,
      %mul3A_150 = arith.mulf %div3A_148, %gather3A_149 : vector<16xf32>
      %add3A_151 = arith.addf %add3A_132, %mul3A_150 : vector<16xf32>
      %get3A_152 = arith.index_cast %add3A_41 : i32 to index
      %get3A_153 = arith.constant 96 : index
      %get3A_154 = tpu.vector_load %arg9[%get3A_152, %get3A_153] {strides = array<i32>} : memref<40x128xi32, #tpu.memory_space<vmem>>, vector<16xi32>,
      %get3A_155 = arith.index_cast %add3A_41 : i32 to index
      %get3A_156 = arith.constant 96 : index
      %get3A_157 = tpu.vector_load %arg8[%get3A_155, %get3A_156] {strides = array<i32>} : memref<40x128xi32, #tpu.memory_space<vmem>>, vector<16xi32>,
      %gather3A_158 = tpu.vector_load_idx %arg10[%get3A_154] : memref<10112xf32, #tpu.memory_space<vmem>>[vector<16xi32>], vector<16xf32>,
      %gather3A_159 = tpu.vector_load_idx %arg11[%get3A_154] : memref<10112xf32, #tpu.memory_space<vmem>>[vector<16xi32>], vector<16xf32>,
      %add3A_160 = arith.addf %gather3A_158, %gather3A_159 : vector<16xf32>
      %get3A_161 = arith.index_cast %add3A_41 : i32 to index
      %get3A_162 = arith.constant 96 : index
      %get3A_163 = tpu.vector_load %arg13[%get3A_161, %get3A_162] {strides = array<i32>} : memref<40x128xf32, #tpu.memory_space<vmem>>, vector<16xf32>,
      %max3A_164 = arith.constant 9.99999971E-10 : f32
      %max3A_165 = vector.broadcast %max3A_164 : f32 to vector<16xf32>
      %max3A_166 = arith.maximumf %add3A_160, %max3A_165 : vector<16xf32>
      %div3A_167 = arith.divf %get3A_163, %max3A_166 : vector<16xf32>
      %gather3A_168 = tpu.vector_load_idx %arg12[%get3A_157] : memref<10112xf32, #tpu.memory_space<vmem>>[vector<16xi32>], vector<16xf32>,
      %mul3A_169 = arith.mulf %div3A_167, %gather3A_168 : vector<16xf32>
      %add3A_170 = arith.addf %add3A_151, %mul3A_169 : vector<16xf32>
      %get3A_171 = arith.index_cast %add3A_41 : i32 to index
      %get3A_172 = arith.constant 112 : index
      %get3A_173 = tpu.vector_load %arg9[%get3A_171, %get3A_172] {strides = array<i32>} : memref<40x128xi32, #tpu.memory_space<vmem>>, vector<16xi32>,
      %get3A_174 = arith.index_cast %add3A_41 : i32 to index
      %get3A_175 = arith.constant 112 : index
      %get3A_176 = tpu.vector_load %arg8[%get3A_174, %get3A_175] {strides = array<i32>} : memref<40x128xi32, #tpu.memory_space<vmem>>, vector<16xi32>,
      %gather3A_177 = tpu.vector_load_idx %arg10[%get3A_173] : memref<10112xf32, #tpu.memory_space<vmem>>[vector<16xi32>], vector<16xf32>,
      %gather3A_178 = tpu.vector_load_idx %arg11[%get3A_173] : memref<10112xf32, #tpu.memory_space<vmem>>[vector<16xi32>], vector<16xf32>,
      %add3A_179 = arith.addf %gather3A_177, %gather3A_178 : vector<16xf32>
      %get3A_180 = arith.index_cast %add3A_41 : i32 to index
      %get3A_181 = arith.constant 112 : index
      %get3A_182 = tpu.vector_load %arg13[%get3A_180, %get3A_181] {strides = array<i32>} : memref<40x128xf32, #tpu.memory_space<vmem>>, vector<16xf32>,
      %max3A_183 = arith.constant 9.99999971E-10 : f32
      %max3A_184 = vector.broadcast %max3A_183 : f32 to vector<16xf32>
      %max3A_185 = arith.maximumf %add3A_179, %max3A_184 : vector<16xf32>
      %div3A_186 = arith.divf %get3A_182, %max3A_185 : vector<16xf32>
      %gather3A_187 = tpu.vector_load_idx %arg12[%get3A_176] : memref<10112xf32, #tpu.memory_space<vmem>>[vector<16xi32>], vector<16xf32>,
      %mul3A_188 = arith.mulf %div3A_186, %gather3A_187 : vector<16xf32>
      %add3A_189 = arith.addf %add3A_170, %mul3A_188 : vector<16xf32>
      scf.yield %add3A_189 : vector<16xf32>
    }
    %scan3A_18 = arith.constant 40 : i32
    %swap3A_19 = arith.constant 1 : i32
    %swap3A_20 = arith.index_cast %swap3A_19 : i32 to index
    %swap3A_21 = arith.constant 0 : index
    %swap3A_22 = tpu.vector_load %arg14[%swap3A_20, %swap3A_21] {strides = array<i32>} : memref<3x16xf32, #tpu.memory_space<vmem>>, vector<16xf32>,
    tpu.vector_store %arg14[%swap3A_20, %swap3A_21], %scan3A_17 {strides = array<i32>} : memref<3x16xf32, #tpu.memory_space<vmem>>, vector<16xf32>,
    "tpu.region"() ({
      %run_scoped3A_36 = tpu.sem_alloc : memref<!tpu.dma_semaphore, #tpu.memory_space<semaphore_mem>>
      %dma_start3A = arith.constant 20224 : i32
      %dma_start3A_37 = tpu.memref_slice %arg4[%dma_start3A] : memref<60672xf32, #tpu.memory_space<hbm>> -> memref<10112xf32, #tpu.memory_space<hbm>>
      %dma_start3A_38 = arith.constant 20224 : i32
      %dma_start3A_39 = tpu.memref_slice %arg4[%dma_start3A_38] : memref<60672xf32, #tpu.memory_space<hbm>> -> memref<10112xf32, #tpu.memory_space<hbm>>
      tpu.enqueue_dma source(%dma_start3A_39 : memref<10112xf32, #tpu.memory_space<hbm>>) target(%arg10 : memref<10112xf32, #tpu.memory_space<vmem>>) target_semaphore(%run_scoped3A_36 : memref<!tpu.dma_semaphore, #tpu.memory_space<semaphore_mem>>)
      %dma_wait3A = arith.constant 20224 : i32
      %dma_wait3A_40 = tpu.memref_slice %arg4[%dma_wait3A] : memref<60672xf32, #tpu.memory_space<hbm>> -> memref<10112xf32, #tpu.memory_space<hbm>>
      %dma_wait3A_41 = arith.constant 20224 : i32
      %dma_wait3A_42 = tpu.memref_slice %arg4[%dma_wait3A_41] : memref<60672xf32, #tpu.memory_space<hbm>> -> memref<10112xf32, #tpu.memory_space<hbm>>
      tpu.wait_dma2 semaphore(%run_scoped3A_36 : memref<!tpu.dma_semaphore, #tpu.memory_space<semaphore_mem>>) src(%dma_wait3A_42 : memref<10112xf32, #tpu.memory_space<hbm>>) dst(%arg10 : memref<10112xf32, #tpu.memory_space<vmem>>)
      tpu.yield
    }) : () -> ()
    "tpu.region"() ({
      %run_scoped3A_36 = tpu.sem_alloc : memref<!tpu.dma_semaphore, #tpu.memory_space<semaphore_mem>>
      %dma_start3A = arith.constant 50560 : i32
      %dma_start3A_37 = tpu.memref_slice %arg4[%dma_start3A] : memref<60672xf32, #tpu.memory_space<hbm>> -> memref<10112xf32, #tpu.memory_space<hbm>>
      %dma_start3A_38 = arith.constant 50560 : i32
      %dma_start3A_39 = tpu.memref_slice %arg4[%dma_start3A_38] : memref<60672xf32, #tpu.memory_space<hbm>> -> memref<10112xf32, #tpu.memory_space<hbm>>
      tpu.enqueue_dma source(%dma_start3A_39 : memref<10112xf32, #tpu.memory_space<hbm>>) target(%arg11 : memref<10112xf32, #tpu.memory_space<vmem>>) target_semaphore(%run_scoped3A_36 : memref<!tpu.dma_semaphore, #tpu.memory_space<semaphore_mem>>)
      %dma_wait3A = arith.constant 50560 : i32
      %dma_wait3A_40 = tpu.memref_slice %arg4[%dma_wait3A] : memref<60672xf32, #tpu.memory_space<hbm>> -> memref<10112xf32, #tpu.memory_space<hbm>>
      %dma_wait3A_41 = arith.constant 50560 : i32
      %dma_wait3A_42 = tpu.memref_slice %arg4[%dma_wait3A_41] : memref<60672xf32, #tpu.memory_space<hbm>> -> memref<10112xf32, #tpu.memory_space<hbm>>
      tpu.wait_dma2 semaphore(%run_scoped3A_36 : memref<!tpu.dma_semaphore, #tpu.memory_space<semaphore_mem>>) src(%dma_wait3A_42 : memref<10112xf32, #tpu.memory_space<hbm>>) dst(%arg11 : memref<10112xf32, #tpu.memory_space<vmem>>)
      tpu.yield
    }) : () -> ()
    "tpu.region"() ({
      %run_scoped3A_36 = tpu.sem_alloc : memref<!tpu.dma_semaphore, #tpu.memory_space<semaphore_mem>>
      %dma_start3A = arith.constant 80896 : i32
      %dma_start3A_37 = tpu.memref_slice %arg5[%dma_start3A] : memref<91008xf32, #tpu.memory_space<hbm>> -> memref<10112xf32, #tpu.memory_space<hbm>>
      %dma_start3A_38 = arith.constant 80896 : i32
      %dma_start3A_39 = tpu.memref_slice %arg5[%dma_start3A_38] : memref<91008xf32, #tpu.memory_space<hbm>> -> memref<10112xf32, #tpu.memory_space<hbm>>
      tpu.enqueue_dma source(%dma_start3A_39 : memref<10112xf32, #tpu.memory_space<hbm>>) target(%arg12 : memref<10112xf32, #tpu.memory_space<vmem>>) target_semaphore(%run_scoped3A_36 : memref<!tpu.dma_semaphore, #tpu.memory_space<semaphore_mem>>)
      %dma_wait3A = arith.constant 80896 : i32
      %dma_wait3A_40 = tpu.memref_slice %arg5[%dma_wait3A] : memref<91008xf32, #tpu.memory_space<hbm>> -> memref<10112xf32, #tpu.memory_space<hbm>>
      %dma_wait3A_41 = arith.constant 80896 : i32
      %dma_wait3A_42 = tpu.memref_slice %arg5[%dma_wait3A_41] : memref<91008xf32, #tpu.memory_space<hbm>> -> memref<10112xf32, #tpu.memory_space<hbm>>
      tpu.wait_dma2 semaphore(%run_scoped3A_36 : memref<!tpu.dma_semaphore, #tpu.memory_space<semaphore_mem>>) src(%dma_wait3A_42 : memref<10112xf32, #tpu.memory_space<hbm>>) dst(%arg12 : memref<10112xf32, #tpu.memory_space<vmem>>)
      tpu.yield
    }) : () -> ()
    %run_scoped3A_23 = arith.constant 2 : i32
    "tpu.region"() ({
      %run_scoped3A_36 = tpu.sem_alloc : memref<!tpu.dma_semaphore, #tpu.memory_space<semaphore_mem>>
      %dma_start3A = arith.constant 0 : i32
      %dma_start3A_37 = arith.constant 0 : i32
      %dma_start3A_38 = tpu.memref_slice %arg6[%run_scoped3A_23, %add3A, %dma_start3A, %dma_start3A_37] : memref<3x32x40x128xf32, #tpu.memory_space<hbm>> -> memref<1x1x40x128xf32, #tpu.memory_space<hbm>>
      %dma_start3A_39 = tpu.memref_squeeze %dma_start3A_38 : memref<1x1x40x128xf32, #tpu.memory_space<hbm>> -> memref<40x128xf32, #tpu.memory_space<hbm>>
      %dma_start3A_40 = arith.constant 0 : i32
      %dma_start3A_41 = arith.constant 0 : i32
      %dma_start3A_42 = tpu.memref_slice %arg6[%run_scoped3A_23, %add3A, %dma_start3A_40, %dma_start3A_41] : memref<3x32x40x128xf32, #tpu.memory_space<hbm>> -> memref<1x1x40x128xf32, #tpu.memory_space<hbm>>
      %dma_start3A_43 = tpu.memref_squeeze %dma_start3A_42 : memref<1x1x40x128xf32, #tpu.memory_space<hbm>> -> memref<40x128xf32, #tpu.memory_space<hbm>>
      tpu.enqueue_dma source(%dma_start3A_43 : memref<40x128xf32, #tpu.memory_space<hbm>>) target(%arg13 : memref<40x128xf32, #tpu.memory_space<vmem>>) target_semaphore(%run_scoped3A_36 : memref<!tpu.dma_semaphore, #tpu.memory_space<semaphore_mem>>)
      %dma_wait3A = arith.constant 0 : i32
      %dma_wait3A_44 = arith.constant 0 : i32
      %dma_wait3A_45 = tpu.memref_slice %arg6[%run_scoped3A_23, %add3A, %dma_wait3A, %dma_wait3A_44] : memref<3x32x40x128xf32, #tpu.memory_space<hbm>> -> memref<1x1x40x128xf32, #tpu.memory_space<hbm>>
      %dma_wait3A_46 = tpu.memref_squeeze %dma_wait3A_45 : memref<1x1x40x128xf32, #tpu.memory_space<hbm>> -> memref<40x128xf32, #tpu.memory_space<hbm>>
      %dma_wait3A_47 = arith.constant 0 : i32
      %dma_wait3A_48 = arith.constant 0 : i32
      %dma_wait3A_49 = tpu.memref_slice %arg6[%run_scoped3A_23, %add3A, %dma_wait3A_47, %dma_wait3A_48] : memref<3x32x40x128xf32, #tpu.memory_space<hbm>> -> memref<1x1x40x128xf32, #tpu.memory_space<hbm>>
      %dma_wait3A_50 = tpu.memref_squeeze %dma_wait3A_49 : memref<1x1x40x128xf32, #tpu.memory_space<hbm>> -> memref<40x128xf32, #tpu.memory_space<hbm>>
      tpu.wait_dma2 semaphore(%run_scoped3A_36 : memref<!tpu.dma_semaphore, #tpu.memory_space<semaphore_mem>>) src(%dma_wait3A_50 : memref<40x128xf32, #tpu.memory_space<hbm>>) dst(%arg13 : memref<40x128xf32, #tpu.memory_space<vmem>>)
      tpu.yield
    }) : () -> ()
    %broadcast_in_dim3A_24 = arith.constant 0.000000e+00 : f32
    %broadcast_in_dim3A_25 = vector.broadcast %broadcast_in_dim3A_24 : f32 to vector<16xf32>
    %scan3A_26 = arith.constant 0 : i32
    %scan3A_27 = arith.constant 40 : i32
    %scan3A_28 = arith.addi %scan3A_26, %scan3A_27 : i32
    %scan3A_29 = arith.constant 1 : i32
    %scan3A_30 = scf.for %scan3A_36 = %scan3A_26 to %scan3A_28 step %scan3A_29 iter_args(%scan3A_37 = %broadcast_in_dim3A_25) -> (vector<16xf32>)  : i32 {
      %mul3A_38 = arith.constant 1 : i32
      %mul3A_39 = arith.muli %scan3A_36, %mul3A_38 : i32
      %add3A_40 = arith.constant 0 : i32
      %add3A_41 = arith.addi %add3A_40, %mul3A_39 : i32
      %get3A = arith.index_cast %add3A_41 : i32 to index
      %get3A_42 = arith.constant 0 : index
      %get3A_43 = tpu.vector_load %arg9[%get3A, %get3A_42] {strides = array<i32>} : memref<40x128xi32, #tpu.memory_space<vmem>>, vector<16xi32>,
      %get3A_44 = arith.index_cast %add3A_41 : i32 to index
      %get3A_45 = arith.constant 0 : index
      %get3A_46 = tpu.vector_load %arg8[%get3A_44, %get3A_45] {strides = array<i32>} : memref<40x128xi32, #tpu.memory_space<vmem>>, vector<16xi32>,
      %gather3A = tpu.vector_load_idx %arg10[%get3A_43] : memref<10112xf32, #tpu.memory_space<vmem>>[vector<16xi32>], vector<16xf32>,
      %gather3A_47 = tpu.vector_load_idx %arg11[%get3A_43] : memref<10112xf32, #tpu.memory_space<vmem>>[vector<16xi32>], vector<16xf32>,
      %add3A_48 = arith.addf %gather3A, %gather3A_47 : vector<16xf32>
      %get3A_49 = arith.index_cast %add3A_41 : i32 to index
      %get3A_50 = arith.constant 0 : index
      %get3A_51 = tpu.vector_load %arg13[%get3A_49, %get3A_50] {strides = array<i32>} : memref<40x128xf32, #tpu.memory_space<vmem>>, vector<16xf32>,
      %max3A = arith.constant 9.99999971E-10 : f32
      %max3A_52 = vector.broadcast %max3A : f32 to vector<16xf32>
      %max3A_53 = arith.maximumf %add3A_48, %max3A_52 : vector<16xf32>
      %div3A = arith.divf %get3A_51, %max3A_53 : vector<16xf32>
      %gather3A_54 = tpu.vector_load_idx %arg12[%get3A_46] : memref<10112xf32, #tpu.memory_space<vmem>>[vector<16xi32>], vector<16xf32>,
      %mul3A_55 = arith.mulf %div3A, %gather3A_54 : vector<16xf32>
      %add3A_56 = arith.addf %scan3A_37, %mul3A_55 : vector<16xf32>
      %get3A_57 = arith.index_cast %add3A_41 : i32 to index
      %get3A_58 = arith.constant 16 : index
      %get3A_59 = tpu.vector_load %arg9[%get3A_57, %get3A_58] {strides = array<i32>} : memref<40x128xi32, #tpu.memory_space<vmem>>, vector<16xi32>,
      %get3A_60 = arith.index_cast %add3A_41 : i32 to index
      %get3A_61 = arith.constant 16 : index
      %get3A_62 = tpu.vector_load %arg8[%get3A_60, %get3A_61] {strides = array<i32>} : memref<40x128xi32, #tpu.memory_space<vmem>>, vector<16xi32>,
      %gather3A_63 = tpu.vector_load_idx %arg10[%get3A_59] : memref<10112xf32, #tpu.memory_space<vmem>>[vector<16xi32>], vector<16xf32>,
      %gather3A_64 = tpu.vector_load_idx %arg11[%get3A_59] : memref<10112xf32, #tpu.memory_space<vmem>>[vector<16xi32>], vector<16xf32>,
      %add3A_65 = arith.addf %gather3A_63, %gather3A_64 : vector<16xf32>
      %get3A_66 = arith.index_cast %add3A_41 : i32 to index
      %get3A_67 = arith.constant 16 : index
      %get3A_68 = tpu.vector_load %arg13[%get3A_66, %get3A_67] {strides = array<i32>} : memref<40x128xf32, #tpu.memory_space<vmem>>, vector<16xf32>,
      %max3A_69 = arith.constant 9.99999971E-10 : f32
      %max3A_70 = vector.broadcast %max3A_69 : f32 to vector<16xf32>
      %max3A_71 = arith.maximumf %add3A_65, %max3A_70 : vector<16xf32>
      %div3A_72 = arith.divf %get3A_68, %max3A_71 : vector<16xf32>
      %gather3A_73 = tpu.vector_load_idx %arg12[%get3A_62] : memref<10112xf32, #tpu.memory_space<vmem>>[vector<16xi32>], vector<16xf32>,
      %mul3A_74 = arith.mulf %div3A_72, %gather3A_73 : vector<16xf32>
      %add3A_75 = arith.addf %add3A_56, %mul3A_74 : vector<16xf32>
      %get3A_76 = arith.index_cast %add3A_41 : i32 to index
      %get3A_77 = arith.constant 32 : index
      %get3A_78 = tpu.vector_load %arg9[%get3A_76, %get3A_77] {strides = array<i32>} : memref<40x128xi32, #tpu.memory_space<vmem>>, vector<16xi32>,
      %get3A_79 = arith.index_cast %add3A_41 : i32 to index
      %get3A_80 = arith.constant 32 : index
      %get3A_81 = tpu.vector_load %arg8[%get3A_79, %get3A_80] {strides = array<i32>} : memref<40x128xi32, #tpu.memory_space<vmem>>, vector<16xi32>,
      %gather3A_82 = tpu.vector_load_idx %arg10[%get3A_78] : memref<10112xf32, #tpu.memory_space<vmem>>[vector<16xi32>], vector<16xf32>,
      %gather3A_83 = tpu.vector_load_idx %arg11[%get3A_78] : memref<10112xf32, #tpu.memory_space<vmem>>[vector<16xi32>], vector<16xf32>,
      %add3A_84 = arith.addf %gather3A_82, %gather3A_83 : vector<16xf32>
      %get3A_85 = arith.index_cast %add3A_41 : i32 to index
      %get3A_86 = arith.constant 32 : index
      %get3A_87 = tpu.vector_load %arg13[%get3A_85, %get3A_86] {strides = array<i32>} : memref<40x128xf32, #tpu.memory_space<vmem>>, vector<16xf32>,
      %max3A_88 = arith.constant 9.99999971E-10 : f32
      %max3A_89 = vector.broadcast %max3A_88 : f32 to vector<16xf32>
      %max3A_90 = arith.maximumf %add3A_84, %max3A_89 : vector<16xf32>
      %div3A_91 = arith.divf %get3A_87, %max3A_90 : vector<16xf32>
      %gather3A_92 = tpu.vector_load_idx %arg12[%get3A_81] : memref<10112xf32, #tpu.memory_space<vmem>>[vector<16xi32>], vector<16xf32>,
      %mul3A_93 = arith.mulf %div3A_91, %gather3A_92 : vector<16xf32>
      %add3A_94 = arith.addf %add3A_75, %mul3A_93 : vector<16xf32>
      %get3A_95 = arith.index_cast %add3A_41 : i32 to index
      %get3A_96 = arith.constant 48 : index
      %get3A_97 = tpu.vector_load %arg9[%get3A_95, %get3A_96] {strides = array<i32>} : memref<40x128xi32, #tpu.memory_space<vmem>>, vector<16xi32>,
      %get3A_98 = arith.index_cast %add3A_41 : i32 to index
      %get3A_99 = arith.constant 48 : index
      %get3A_100 = tpu.vector_load %arg8[%get3A_98, %get3A_99] {strides = array<i32>} : memref<40x128xi32, #tpu.memory_space<vmem>>, vector<16xi32>,
      %gather3A_101 = tpu.vector_load_idx %arg10[%get3A_97] : memref<10112xf32, #tpu.memory_space<vmem>>[vector<16xi32>], vector<16xf32>,
      %gather3A_102 = tpu.vector_load_idx %arg11[%get3A_97] : memref<10112xf32, #tpu.memory_space<vmem>>[vector<16xi32>], vector<16xf32>,
      %add3A_103 = arith.addf %gather3A_101, %gather3A_102 : vector<16xf32>
      %get3A_104 = arith.index_cast %add3A_41 : i32 to index
      %get3A_105 = arith.constant 48 : index
      %get3A_106 = tpu.vector_load %arg13[%get3A_104, %get3A_105] {strides = array<i32>} : memref<40x128xf32, #tpu.memory_space<vmem>>, vector<16xf32>,
      %max3A_107 = arith.constant 9.99999971E-10 : f32
      %max3A_108 = vector.broadcast %max3A_107 : f32 to vector<16xf32>
      %max3A_109 = arith.maximumf %add3A_103, %max3A_108 : vector<16xf32>
      %div3A_110 = arith.divf %get3A_106, %max3A_109 : vector<16xf32>
      %gather3A_111 = tpu.vector_load_idx %arg12[%get3A_100] : memref<10112xf32, #tpu.memory_space<vmem>>[vector<16xi32>], vector<16xf32>,
      %mul3A_112 = arith.mulf %div3A_110, %gather3A_111 : vector<16xf32>
      %add3A_113 = arith.addf %add3A_94, %mul3A_112 : vector<16xf32>
      %get3A_114 = arith.index_cast %add3A_41 : i32 to index
      %get3A_115 = arith.constant 64 : index
      %get3A_116 = tpu.vector_load %arg9[%get3A_114, %get3A_115] {strides = array<i32>} : memref<40x128xi32, #tpu.memory_space<vmem>>, vector<16xi32>,
      %get3A_117 = arith.index_cast %add3A_41 : i32 to index
      %get3A_118 = arith.constant 64 : index
      %get3A_119 = tpu.vector_load %arg8[%get3A_117, %get3A_118] {strides = array<i32>} : memref<40x128xi32, #tpu.memory_space<vmem>>, vector<16xi32>,
      %gather3A_120 = tpu.vector_load_idx %arg10[%get3A_116] : memref<10112xf32, #tpu.memory_space<vmem>>[vector<16xi32>], vector<16xf32>,
      %gather3A_121 = tpu.vector_load_idx %arg11[%get3A_116] : memref<10112xf32, #tpu.memory_space<vmem>>[vector<16xi32>], vector<16xf32>,
      %add3A_122 = arith.addf %gather3A_120, %gather3A_121 : vector<16xf32>
      %get3A_123 = arith.index_cast %add3A_41 : i32 to index
      %get3A_124 = arith.constant 64 : index
      %get3A_125 = tpu.vector_load %arg13[%get3A_123, %get3A_124] {strides = array<i32>} : memref<40x128xf32, #tpu.memory_space<vmem>>, vector<16xf32>,
      %max3A_126 = arith.constant 9.99999971E-10 : f32
      %max3A_127 = vector.broadcast %max3A_126 : f32 to vector<16xf32>
      %max3A_128 = arith.maximumf %add3A_122, %max3A_127 : vector<16xf32>
      %div3A_129 = arith.divf %get3A_125, %max3A_128 : vector<16xf32>
      %gather3A_130 = tpu.vector_load_idx %arg12[%get3A_119] : memref<10112xf32, #tpu.memory_space<vmem>>[vector<16xi32>], vector<16xf32>,
      %mul3A_131 = arith.mulf %div3A_129, %gather3A_130 : vector<16xf32>
      %add3A_132 = arith.addf %add3A_113, %mul3A_131 : vector<16xf32>
      %get3A_133 = arith.index_cast %add3A_41 : i32 to index
      %get3A_134 = arith.constant 80 : index
      %get3A_135 = tpu.vector_load %arg9[%get3A_133, %get3A_134] {strides = array<i32>} : memref<40x128xi32, #tpu.memory_space<vmem>>, vector<16xi32>,
      %get3A_136 = arith.index_cast %add3A_41 : i32 to index
      %get3A_137 = arith.constant 80 : index
      %get3A_138 = tpu.vector_load %arg8[%get3A_136, %get3A_137] {strides = array<i32>} : memref<40x128xi32, #tpu.memory_space<vmem>>, vector<16xi32>,
      %gather3A_139 = tpu.vector_load_idx %arg10[%get3A_135] : memref<10112xf32, #tpu.memory_space<vmem>>[vector<16xi32>], vector<16xf32>,
      %gather3A_140 = tpu.vector_load_idx %arg11[%get3A_135] : memref<10112xf32, #tpu.memory_space<vmem>>[vector<16xi32>], vector<16xf32>,
      %add3A_141 = arith.addf %gather3A_139, %gather3A_140 : vector<16xf32>
      %get3A_142 = arith.index_cast %add3A_41 : i32 to index
      %get3A_143 = arith.constant 80 : index
      %get3A_144 = tpu.vector_load %arg13[%get3A_142, %get3A_143] {strides = array<i32>} : memref<40x128xf32, #tpu.memory_space<vmem>>, vector<16xf32>,
      %max3A_145 = arith.constant 9.99999971E-10 : f32
      %max3A_146 = vector.broadcast %max3A_145 : f32 to vector<16xf32>
      %max3A_147 = arith.maximumf %add3A_141, %max3A_146 : vector<16xf32>
      %div3A_148 = arith.divf %get3A_144, %max3A_147 : vector<16xf32>
      %gather3A_149 = tpu.vector_load_idx %arg12[%get3A_138] : memref<10112xf32, #tpu.memory_space<vmem>>[vector<16xi32>], vector<16xf32>,
      %mul3A_150 = arith.mulf %div3A_148, %gather3A_149 : vector<16xf32>
      %add3A_151 = arith.addf %add3A_132, %mul3A_150 : vector<16xf32>
      %get3A_152 = arith.index_cast %add3A_41 : i32 to index
      %get3A_153 = arith.constant 96 : index
      %get3A_154 = tpu.vector_load %arg9[%get3A_152, %get3A_153] {strides = array<i32>} : memref<40x128xi32, #tpu.memory_space<vmem>>, vector<16xi32>,
      %get3A_155 = arith.index_cast %add3A_41 : i32 to index
      %get3A_156 = arith.constant 96 : index
      %get3A_157 = tpu.vector_load %arg8[%get3A_155, %get3A_156] {strides = array<i32>} : memref<40x128xi32, #tpu.memory_space<vmem>>, vector<16xi32>,
      %gather3A_158 = tpu.vector_load_idx %arg10[%get3A_154] : memref<10112xf32, #tpu.memory_space<vmem>>[vector<16xi32>], vector<16xf32>,
      %gather3A_159 = tpu.vector_load_idx %arg11[%get3A_154] : memref<10112xf32, #tpu.memory_space<vmem>>[vector<16xi32>], vector<16xf32>,
      %add3A_160 = arith.addf %gather3A_158, %gather3A_159 : vector<16xf32>
      %get3A_161 = arith.index_cast %add3A_41 : i32 to index
      %get3A_162 = arith.constant 96 : index
      %get3A_163 = tpu.vector_load %arg13[%get3A_161, %get3A_162] {strides = array<i32>} : memref<40x128xf32, #tpu.memory_space<vmem>>, vector<16xf32>,
      %max3A_164 = arith.constant 9.99999971E-10 : f32
      %max3A_165 = vector.broadcast %max3A_164 : f32 to vector<16xf32>
      %max3A_166 = arith.maximumf %add3A_160, %max3A_165 : vector<16xf32>
      %div3A_167 = arith.divf %get3A_163, %max3A_166 : vector<16xf32>
      %gather3A_168 = tpu.vector_load_idx %arg12[%get3A_157] : memref<10112xf32, #tpu.memory_space<vmem>>[vector<16xi32>], vector<16xf32>,
      %mul3A_169 = arith.mulf %div3A_167, %gather3A_168 : vector<16xf32>
      %add3A_170 = arith.addf %add3A_151, %mul3A_169 : vector<16xf32>
      %get3A_171 = arith.index_cast %add3A_41 : i32 to index
      %get3A_172 = arith.constant 112 : index
      %get3A_173 = tpu.vector_load %arg9[%get3A_171, %get3A_172] {strides = array<i32>} : memref<40x128xi32, #tpu.memory_space<vmem>>, vector<16xi32>,
      %get3A_174 = arith.index_cast %add3A_41 : i32 to index
      %get3A_175 = arith.constant 112 : index
      %get3A_176 = tpu.vector_load %arg8[%get3A_174, %get3A_175] {strides = array<i32>} : memref<40x128xi32, #tpu.memory_space<vmem>>, vector<16xi32>,
      %gather3A_177 = tpu.vector_load_idx %arg10[%get3A_173] : memref<10112xf32, #tpu.memory_space<vmem>>[vector<16xi32>], vector<16xf32>,
      %gather3A_178 = tpu.vector_load_idx %arg11[%get3A_173] : memref<10112xf32, #tpu.memory_space<vmem>>[vector<16xi32>], vector<16xf32>,
      %add3A_179 = arith.addf %gather3A_177, %gather3A_178 : vector<16xf32>
      %get3A_180 = arith.index_cast %add3A_41 : i32 to index
      %get3A_181 = arith.constant 112 : index
      %get3A_182 = tpu.vector_load %arg13[%get3A_180, %get3A_181] {strides = array<i32>} : memref<40x128xf32, #tpu.memory_space<vmem>>, vector<16xf32>,
      %max3A_183 = arith.constant 9.99999971E-10 : f32
      %max3A_184 = vector.broadcast %max3A_183 : f32 to vector<16xf32>
      %max3A_185 = arith.maximumf %add3A_179, %max3A_184 : vector<16xf32>
      %div3A_186 = arith.divf %get3A_182, %max3A_185 : vector<16xf32>
      %gather3A_187 = tpu.vector_load_idx %arg12[%get3A_176] : memref<10112xf32, #tpu.memory_space<vmem>>[vector<16xi32>], vector<16xf32>,
      %mul3A_188 = arith.mulf %div3A_186, %gather3A_187 : vector<16xf32>
      %add3A_189 = arith.addf %add3A_170, %mul3A_188 : vector<16xf32>
      scf.yield %add3A_189 : vector<16xf32>
    }
    %scan3A_31 = arith.constant 40 : i32
    %swap3A_32 = arith.constant 2 : i32
    %swap3A_33 = arith.index_cast %swap3A_32 : i32 to index
    %swap3A_34 = arith.constant 0 : index
    %swap3A_35 = tpu.vector_load %arg14[%swap3A_33, %swap3A_34] {strides = array<i32>} : memref<3x16xf32, #tpu.memory_space<vmem>>, vector<16xf32>,
    tpu.vector_store %arg14[%swap3A_33, %swap3A_34], %scan3A_30 {strides = array<i32>} : memref<3x16xf32, #tpu.memory_space<vmem>>, vector<16xf32>,
    "tpu.region"() ({
      %run_scoped3A_36 = tpu.sem_alloc : memref<!tpu.dma_semaphore, #tpu.memory_space<semaphore_mem>>
      %dma_start3A = arith.constant 0 : i32
      %dma_start3A_37 = arith.constant 0 : i32
      %dma_start3A_38 = tpu.memref_slice %arg7[%arg0, %arg1, %dma_start3A, %dma_start3A_37] : memref<2x16x3x16xf32, #tpu.memory_space<hbm>> -> memref<1x1x3x16xf32, #tpu.memory_space<hbm>>
      %dma_start3A_39 = tpu.memref_squeeze %dma_start3A_38 : memref<1x1x3x16xf32, #tpu.memory_space<hbm>> -> memref<3x16xf32, #tpu.memory_space<hbm>>
      %dma_start3A_40 = arith.constant 0 : i32
      %dma_start3A_41 = arith.constant 0 : i32
      %dma_start3A_42 = tpu.memref_slice %arg7[%arg0, %arg1, %dma_start3A_40, %dma_start3A_41] : memref<2x16x3x16xf32, #tpu.memory_space<hbm>> -> memref<1x1x3x16xf32, #tpu.memory_space<hbm>>
      %dma_start3A_43 = tpu.memref_squeeze %dma_start3A_42 : memref<1x1x3x16xf32, #tpu.memory_space<hbm>> -> memref<3x16xf32, #tpu.memory_space<hbm>>
      tpu.enqueue_dma source(%arg14 : memref<3x16xf32, #tpu.memory_space<vmem>>) target(%dma_start3A_43 : memref<3x16xf32, #tpu.memory_space<hbm>>) target_semaphore(%run_scoped3A_36 : memref<!tpu.dma_semaphore, #tpu.memory_space<semaphore_mem>>)
      %dma_wait3A = arith.constant 0 : i32
      %dma_wait3A_44 = arith.constant 0 : i32
      %dma_wait3A_45 = tpu.memref_slice %arg7[%arg0, %arg1, %dma_wait3A, %dma_wait3A_44] : memref<2x16x3x16xf32, #tpu.memory_space<hbm>> -> memref<1x1x3x16xf32, #tpu.memory_space<hbm>>
      %dma_wait3A_46 = tpu.memref_squeeze %dma_wait3A_45 : memref<1x1x3x16xf32, #tpu.memory_space<hbm>> -> memref<3x16xf32, #tpu.memory_space<hbm>>
      %dma_wait3A_47 = arith.constant 0 : i32
      %dma_wait3A_48 = arith.constant 0 : i32
      %dma_wait3A_49 = tpu.memref_slice %arg7[%arg0, %arg1, %dma_wait3A_47, %dma_wait3A_48] : memref<2x16x3x16xf32, #tpu.memory_space<hbm>> -> memref<1x1x3x16xf32, #tpu.memory_space<hbm>>
      %dma_wait3A_50 = tpu.memref_squeeze %dma_wait3A_49 : memref<1x1x3x16xf32, #tpu.memory_space<hbm>> -> memref<3x16xf32, #tpu.memory_space<hbm>>
      tpu.wait_dma2 semaphore(%run_scoped3A_36 : memref<!tpu.dma_semaphore, #tpu.memory_space<semaphore_mem>>) src(%arg14 : memref<3x16xf32, #tpu.memory_space<vmem>>) dst(%dma_wait3A_50 : memref<3x16xf32, #tpu.memory_space<hbm>>)
      tpu.yield
    }) : () -> ()
    return
  }
}

module attributes {stable_mosaic.version = 14 : i64} {
  func.func @gat_prep(%arg0: memref<10112x128xf32, #tpu.memory_space<vmem>>, %arg1: memref<128x3072xf32, #tpu.memory_space<vmem>>, %arg2: memref<3x1024xf32, #tpu.memory_space<vmem>>, %arg3: memref<3x1024xf32, #tpu.memory_space<vmem>>, %arg4: memref<3072x1024xf32, #tpu.memory_space<vmem>>, %arg5: memref<1x1024xf32, #tpu.memory_space<vmem>>, %arg6: memref<3x1024xf32, #tpu.memory_space<vmem>>, %arg7: memref<1x1024xf32, #tpu.memory_space<vmem>>, %arg8: memref<1x1xf32, #tpu.memory_space<vmem>>, %arg9: memref<9x10112xf32, #tpu.memory_space<vmem>>, %arg10: memref<1x1xf32, #tpu.memory_space<vmem>>) attributes {dimension_semantics = [], scalar_prefetch = 0 : i64, scratch_operands = 0 : i64, tpu.core_type = #tpu.core_type<tc>} {
    %get3A = arith.constant 0 : index
    %get3A_0 = arith.constant 0 : index
    %get3A_1 = vector.load %arg5[%get3A, %get3A_0] : memref<1x1024xf32, #tpu.memory_space<vmem>>, vector<1x1024xf32>
    %get3A_2 = arith.constant 0 : index
    %get3A_3 = arith.constant 0 : index
    %get3A_4 = vector.load %arg4[%get3A_2, %get3A_3] : memref<3072x1024xf32, #tpu.memory_space<vmem>>, vector<3072x1024xf32>
    %dot_general3A = arith.constant dense<0.000000e+00> : vector<1x3072xf32>
    %dot_general3A_5 = tpu.matmul %get3A_1, %get3A_4, %dot_general3A {dimension_numbers = #tpu.dot_dimension_numbers<[1], [1], [0], [0], [0, 0, 1, 0], [], []>, precision = #tpu.contract_precision<fp32>, transpose_lhs_hint = false} : vector<1x1024xf32>, vector<3072x1024xf32>, vector<1x3072xf32> -> vector<1x3072xf32>
    %get3A_6 = arith.constant 0 : index
    %get3A_7 = arith.constant 0 : index
    %get3A_8 = vector.load %arg5[%get3A_6, %get3A_7] : memref<1x1024xf32, #tpu.memory_space<vmem>>, vector<1x1024xf32>
    %get3A_9 = arith.constant 0 : index
    %get3A_10 = arith.constant 0 : index
    %get3A_11 = vector.load %arg7[%get3A_9, %get3A_10] : memref<1x1024xf32, #tpu.memory_space<vmem>>, vector<1x1024xf32>
    %mul3A = arith.mulf %get3A_8, %get3A_11 : vector<1x1024xf32>
    %reduce_sum3A = vector.shape_cast %mul3A : vector<1x1024xf32> to vector<1x1x1024xf32>
    %reduce_sum3A_12 = arith.constant dense<0.000000e+00> : vector<1xf32>
    %reduce_sum3A_13 = vector.multi_reduction <add>, %reduce_sum3A, %reduce_sum3A_12 [1, 2] : vector<1x1x1024xf32> to vector<1xf32>
    %reduce_sum3A_14 = vector.shape_cast %reduce_sum3A_13 : vector<1xf32> to vector<1x1x1xf32>
    %reduce_sum3A_15 = vector.extract %reduce_sum3A_14[0, 0, 0] : f32 from vector<1x1x1xf32>
    %get3A_16 = arith.constant 0 : index
    %get3A_17 = arith.constant 0 : index
    %get3A_18 = vector.load %arg8[%get3A_16, %get3A_17] : memref<1x1xf32, #tpu.memory_space<vmem>>, vector<1x1xf32>
    %get3A_19 = vector.extract %get3A_18[0, 0] : f32 from vector<1x1xf32>
    %add3A = arith.addf %reduce_sum3A_15, %get3A_19 : f32
    %get3A_20 = arith.constant 0 : index
    %get3A_21 = arith.constant 0 : index
    %get3A_22 = vector.load %arg1[%get3A_20, %get3A_21] : memref<128x3072xf32, #tpu.memory_space<vmem>>, vector<128x1024xf32>
    %slice3A = vector.extract_strided_slice %dot_general3A_5 {offsets = [0, 0], sizes = [1, 1024], strides = [1, 1]} : vector<1x3072xf32> to vector<1x1024xf32>
    %get3A_23 = arith.constant 0 : index
    %get3A_24 = arith.constant 0 : index
    %get3A_25 = vector.load %arg2[%get3A_23, %get3A_24] : memref<3x1024xf32, #tpu.memory_space<vmem>>, vector<1x1024xf32>
    %get3A_26 = arith.constant 0 : index
    %get3A_27 = arith.constant 0 : index
    %get3A_28 = vector.load %arg3[%get3A_26, %get3A_27] : memref<3x1024xf32, #tpu.memory_space<vmem>>, vector<1x1024xf32>
    %concatenate3A = tpu.concatenate %get3A_25, %get3A_28, %slice3A in 0 : vector<1x1024xf32>, vector<1x1024xf32>, vector<1x1024xf32> -> vector<3x1024xf32>
    %dot_general3A_29 = arith.constant dense<0.000000e+00> : vector<3x128xf32>
    %dot_general3A_30 = tpu.matmul %concatenate3A, %get3A_22, %dot_general3A_29 {dimension_numbers = #tpu.dot_dimension_numbers<[1], [1], [0], [0], [0, 0, 1, 0], [], []>, precision = #tpu.contract_precision<fp32>, transpose_lhs_hint = false} : vector<3x1024xf32>, vector<128x1024xf32>, vector<3x128xf32> -> vector<3x128xf32>
    %get3A_31 = arith.constant 0 : index
    %get3A_32 = arith.constant 0 : index
    %get3A_33 = vector.load %arg6[%get3A_31, %get3A_32] : memref<3x1024xf32, #tpu.memory_space<vmem>>, vector<1x1024xf32>
    %mul3A_34 = arith.mulf %slice3A, %get3A_33 : vector<1x1024xf32>
    %reduce_sum3A_35 = vector.shape_cast %mul3A_34 : vector<1x1024xf32> to vector<1x1x1024xf32>
    %reduce_sum3A_36 = arith.constant dense<0.000000e+00> : vector<1xf32>
    %reduce_sum3A_37 = vector.multi_reduction <add>, %reduce_sum3A_35, %reduce_sum3A_36 [1, 2] : vector<1x1x1024xf32> to vector<1xf32>
    %reduce_sum3A_38 = vector.shape_cast %reduce_sum3A_37 : vector<1xf32> to vector<1x1x1xf32>
    %reduce_sum3A_39 = vector.extract %reduce_sum3A_38[0, 0, 0] : f32 from vector<1x1x1xf32>
    %add3A_40 = arith.addf %add3A, %reduce_sum3A_39 : f32
    %get3A_41 = arith.constant 0 : index
    %get3A_42 = arith.constant 1024 : index
    %get3A_43 = vector.load %arg1[%get3A_41, %get3A_42] : memref<128x3072xf32, #tpu.memory_space<vmem>>, vector<128x1024xf32>
    %slice3A_44 = vector.extract_strided_slice %dot_general3A_5 {offsets = [0, 1024], sizes = [1, 1024], strides = [1, 1]} : vector<1x3072xf32> to vector<1x1024xf32>
    %get3A_45 = arith.constant 1 : index
    %get3A_46 = arith.constant 0 : index
    %get3A_47 = vector.load %arg2[%get3A_45, %get3A_46] : memref<3x1024xf32, #tpu.memory_space<vmem>>, vector<1x1024xf32>
    %get3A_48 = arith.constant 1 : index
    %get3A_49 = arith.constant 0 : index
    %get3A_50 = vector.load %arg3[%get3A_48, %get3A_49] : memref<3x1024xf32, #tpu.memory_space<vmem>>, vector<1x1024xf32>
    %concatenate3A_51 = tpu.concatenate %get3A_47, %get3A_50, %slice3A_44 in 0 : vector<1x1024xf32>, vector<1x1024xf32>, vector<1x1024xf32> -> vector<3x1024xf32>
    %dot_general3A_52 = arith.constant dense<0.000000e+00> : vector<3x128xf32>
    %dot_general3A_53 = tpu.matmul %concatenate3A_51, %get3A_43, %dot_general3A_52 {dimension_numbers = #tpu.dot_dimension_numbers<[1], [1], [0], [0], [0, 0, 1, 0], [], []>, precision = #tpu.contract_precision<fp32>, transpose_lhs_hint = false} : vector<3x1024xf32>, vector<128x1024xf32>, vector<3x128xf32> -> vector<3x128xf32>
    %get3A_54 = arith.constant 1 : index
    %get3A_55 = arith.constant 0 : index
    %get3A_56 = vector.load %arg6[%get3A_54, %get3A_55] : memref<3x1024xf32, #tpu.memory_space<vmem>>, vector<1x1024xf32>
    %mul3A_57 = arith.mulf %slice3A_44, %get3A_56 : vector<1x1024xf32>
    %reduce_sum3A_58 = vector.shape_cast %mul3A_57 : vector<1x1024xf32> to vector<1x1x1024xf32>
    %reduce_sum3A_59 = arith.constant dense<0.000000e+00> : vector<1xf32>
    %reduce_sum3A_60 = vector.multi_reduction <add>, %reduce_sum3A_58, %reduce_sum3A_59 [1, 2] : vector<1x1x1024xf32> to vector<1xf32>
    %reduce_sum3A_61 = vector.shape_cast %reduce_sum3A_60 : vector<1xf32> to vector<1x1x1xf32>
    %reduce_sum3A_62 = vector.extract %reduce_sum3A_61[0, 0, 0] : f32 from vector<1x1x1xf32>
    %add3A_63 = arith.addf %add3A_40, %reduce_sum3A_62 : f32
    %get3A_64 = arith.constant 0 : index
    %get3A_65 = arith.constant 2048 : index
    %get3A_66 = vector.load %arg1[%get3A_64, %get3A_65] : memref<128x3072xf32, #tpu.memory_space<vmem>>, vector<128x1024xf32>
    %slice3A_67 = vector.extract_strided_slice %dot_general3A_5 {offsets = [0, 2048], sizes = [1, 1024], strides = [1, 1]} : vector<1x3072xf32> to vector<1x1024xf32>
    %get3A_68 = arith.constant 2 : index
    %get3A_69 = arith.constant 0 : index
    %get3A_70 = vector.load %arg2[%get3A_68, %get3A_69] : memref<3x1024xf32, #tpu.memory_space<vmem>>, vector<1x1024xf32>
    %get3A_71 = arith.constant 2 : index
    %get3A_72 = arith.constant 0 : index
    %get3A_73 = vector.load %arg3[%get3A_71, %get3A_72] : memref<3x1024xf32, #tpu.memory_space<vmem>>, vector<1x1024xf32>
    %concatenate3A_74 = tpu.concatenate %get3A_70, %get3A_73, %slice3A_67 in 0 : vector<1x1024xf32>, vector<1x1024xf32>, vector<1x1024xf32> -> vector<3x1024xf32>
    %dot_general3A_75 = arith.constant dense<0.000000e+00> : vector<3x128xf32>
    %dot_general3A_76 = tpu.matmul %concatenate3A_74, %get3A_66, %dot_general3A_75 {dimension_numbers = #tpu.dot_dimension_numbers<[1], [1], [0], [0], [0, 0, 1, 0], [], []>, precision = #tpu.contract_precision<fp32>, transpose_lhs_hint = false} : vector<3x1024xf32>, vector<128x1024xf32>, vector<3x128xf32> -> vector<3x128xf32>
    %get3A_77 = arith.constant 2 : index
    %get3A_78 = arith.constant 0 : index
    %get3A_79 = vector.load %arg6[%get3A_77, %get3A_78] : memref<3x1024xf32, #tpu.memory_space<vmem>>, vector<1x1024xf32>
    %mul3A_80 = arith.mulf %slice3A_67, %get3A_79 : vector<1x1024xf32>
    %reduce_sum3A_81 = vector.shape_cast %mul3A_80 : vector<1x1024xf32> to vector<1x1x1024xf32>
    %reduce_sum3A_82 = arith.constant dense<0.000000e+00> : vector<1xf32>
    %reduce_sum3A_83 = vector.multi_reduction <add>, %reduce_sum3A_81, %reduce_sum3A_82 [1, 2] : vector<1x1x1024xf32> to vector<1xf32>
    %reduce_sum3A_84 = vector.shape_cast %reduce_sum3A_83 : vector<1xf32> to vector<1x1x1xf32>
    %reduce_sum3A_85 = vector.extract %reduce_sum3A_84[0, 0, 0] : f32 from vector<1x1x1xf32>
    %add3A_86 = arith.addf %add3A_63, %reduce_sum3A_85 : f32
    %concatenate3A_87 = tpu.concatenate %dot_general3A_30, %dot_general3A_53, %dot_general3A_76 in 0 : vector<3x128xf32>, vector<3x128xf32>, vector<3x128xf32> -> vector<9x128xf32>
    %get3A_88 = arith.constant 0 : index
    %get3A_89 = arith.constant 0 : index
    %get3A_90 = vector.load %arg0[%get3A_88, %get3A_89] : memref<10112x128xf32, #tpu.memory_space<vmem>>, vector<10112x128xf32>
    %dot_general3A_91 = arith.constant dense<0.000000e+00> : vector<9x10112xf32>
    %dot_general3A_92 = tpu.matmul %concatenate3A_87, %get3A_90, %dot_general3A_91 {dimension_numbers = #tpu.dot_dimension_numbers<[1], [1], [0], [0], [0, 0, 1, 0], [], []>, precision = #tpu.contract_precision<fp32>, transpose_lhs_hint = false} : vector<9x128xf32>, vector<10112x128xf32>, vector<9x10112xf32> -> vector<9x10112xf32>
    %swap3A = arith.constant 0 : index
    %swap3A_93 = arith.constant 0 : index
    %swap3A_94 = vector.load %arg9[%swap3A, %swap3A_93] : memref<9x10112xf32, #tpu.memory_space<vmem>>, vector<9x10112xf32>
    tpu.vector_store %arg9[%swap3A, %swap3A_93], %dot_general3A_92 {strides = array<i32>} : memref<9x10112xf32, #tpu.memory_space<vmem>>, vector<9x10112xf32>,
    %broadcast_in_dim3A = arith.constant 1.000000e+00 : f32
    %broadcast_in_dim3A_95 = vector.broadcast %broadcast_in_dim3A : f32 to vector<1x1xf32>
    %mul3A_96 = vector.broadcast %add3A_86 : f32 to vector<1x1xf32>
    %mul3A_97 = arith.mulf %mul3A_96, %broadcast_in_dim3A_95 : vector<1x1xf32>
    %swap3A_98 = arith.constant 0 : index
    %swap3A_99 = arith.constant 0 : index
    %swap3A_100 = vector.load %arg10[%swap3A_98, %swap3A_99] : memref<1x1xf32, #tpu.memory_space<vmem>>, vector<1x1xf32>
    tpu.vector_store %arg10[%swap3A_98, %swap3A_99], %mul3A_97 {strides = array<i32>} : memref<1x1xf32, #tpu.memory_space<vmem>>, vector<1x1xf32>,
    return
  }
}

module attributes {stable_mosaic.version = 14 : i64} {
  func.func @gat_finish(%arg0: memref<32x48xf32, #tpu.memory_space<vmem>>, %arg1: memref<1x1xf32, #tpu.memory_space<vmem>>, %arg2: memref<1x1xf32, #tpu.memory_space<vmem>>) attributes {dimension_semantics = [], scalar_prefetch = 0 : i64, scratch_operands = 0 : i64, tpu.core_type = #tpu.core_type<tc>} {
    %get3A = arith.constant 0 : index
    %get3A_0 = arith.constant 0 : index
    %get3A_1 = vector.load %arg0[%get3A, %get3A_0] : memref<32x48xf32, #tpu.memory_space<vmem>>, vector<32x48xf32>
    %reduce_sum3A = vector.shape_cast %get3A_1 : vector<32x48xf32> to vector<1x32x48xf32>
    %reduce_sum3A_2 = arith.constant dense<0.000000e+00> : vector<1xf32>
    %reduce_sum3A_3 = vector.multi_reduction <add>, %reduce_sum3A, %reduce_sum3A_2 [1, 2] : vector<1x32x48xf32> to vector<1xf32>
    %reduce_sum3A_4 = vector.shape_cast %reduce_sum3A_3 : vector<1xf32> to vector<1x1x1xf32>
    %reduce_sum3A_5 = vector.extract %reduce_sum3A_4[0, 0, 0] : f32 from vector<1x1x1xf32>
    %mul3A = arith.constant 9.99999974E-5 : f32
    %mul3A_6 = arith.mulf %reduce_sum3A_5, %mul3A : f32
    %get3A_7 = arith.constant 0 : index
    %get3A_8 = arith.constant 0 : index
    %get3A_9 = vector.load %arg1[%get3A_7, %get3A_8] : memref<1x1xf32, #tpu.memory_space<vmem>>, vector<1x1xf32>
    %get3A_10 = vector.extract %get3A_9[0, 0] : f32 from vector<1x1xf32>
    %add3A = arith.addf %mul3A_6, %get3A_10 : f32
    %broadcast_in_dim3A = arith.constant 1.000000e+00 : f32
    %broadcast_in_dim3A_11 = vector.broadcast %broadcast_in_dim3A : f32 to vector<1x1xf32>
    %mul3A_12 = vector.broadcast %add3A : f32 to vector<1x1xf32>
    %mul3A_13 = arith.mulf %mul3A_12, %broadcast_in_dim3A_11 : vector<1x1xf32>
    %swap3A = arith.constant 0 : index
    %swap3A_14 = arith.constant 0 : index
    %swap3A_15 = vector.load %arg2[%swap3A, %swap3A_14] : memref<1x1xf32, #tpu.memory_space<vmem>>, vector<1x1xf32>
    tpu.vector_store %arg2[%swap3A, %swap3A_14], %mul3A_13 {strides = array<i32>} : memref<1x1xf32, #tpu.memory_space<vmem>>, vector<1x1xf32>,
    return
  }
}

</mosaic_0001>

<sc_bundles>
// kernel: gat_edge_a.3.cloned.1.call-start
scs
__scs_entry_jumppad:
0x0: {  	(pc) =	sbr.rel $0x88, $3  }
0x1: {  	(tag) =	ssettag $0x0;
	lr =	simm.s32 $0x1  }
0x2: {  	[smem:$0x3F97] =	sst lr;
	_ =	strace $0xD0000000  }
0x3: {  	_ = 	snop  }
0x4: {  	_ = 	snop  }
0x5: {  	_ = 	snop  }
0x6: {  	_ = 	snop  }
0x7: {  	_ = 	snop  }
__scs_overlays_trampoline_lowered:
0x8: {  	[smem:$0x3FA6] =	sst s0  }
0x9: {  	[smem:$0x3FA7] =	sst s1  }
0xa: {  	[smem:$0x3FA8] =	sst s2  }
0xb: {  	[smem:$0x3FA9] =	sst s3  }
0xc: {  	[smem:$0x3FAA] =	sst s4  }
0xd: {  	[smem:$0x3FAB] =	sst s5  }
0xe: {  	[smem:$0x3FAC] =	sst s6  }
0xf: {  	[smem:$0x3FAD] =	sst s7  }
0x10: {  	[smem:$0x3FAE] =	sst s8  }
0x11: {  	[smem:$0x3FAF] =	sst s9;
	s0 =	simm.s32 @!p0 $0x0  }
0x12: {  	s1 =	sld [smem:$0x3F95];
	s0 =	simm.s32 @p0 $0x1  }
0x13: {  	[smem:$0x3FB0] =	sst s0;
	s0 =	simm.s32 @!p1 $0x0  }
0x14: {  	s2 =	sld [smem:$0x3F94];
	s0 =	simm.s32 @p1 $0x1  }
0x15: {  	[smem:$0x3FB1] =	sst s0;
	s0 =	simm.s32 @!p2 $0x0  }
0x16: {  	s3 =	sld [smem:$0x3FDB];
	s0 =	simm.s32 @p2 $0x1  }
0x17: {  	s4 =	simm.s32 $0x1BF5;
	[smem:$0x3FB3] =	sst s0  }
0x18: {  	s0 =	sld [smem:$0x3F96];
	_ =	swait.ge [sflag:s4], $0x0  }
0x19: {  	s7 =	sld [smem:$0x3F97]  }
0x1a: {  	s8 =	sadd.s32 $0xFFFFE003, lr  }
0x1b: {  	s9 =	sadd.s32 $0xFFFFFEF7, lr;
	s5 =	simm.s32 $0xFFFFFFFF;
	p2 =	slt.u32 s8, $0xFFFFF086  }
0x1c: {  	p1 =	slt.u32 s9, $0xF7A;
	s5 =	simm.s32 @!p2 $0x0  }
0x1d: {  	s5 =	simm.s32 @p1 $0x1;
	p0 =	seq.s32 s7, s2  }
0x1e: {  	s7 =	smul.u32 @!p0 $0xF7A, s2;
	p2 =	seq.s32 @!p0 s5, $0x0  }
0x1f: {  	s9 =	smul.u32 $0xF7A, s1;
	s8 =	simm.s32 @!p0 $0x1BF5;
	p2 =	por !p2, p0  }
0x20: {  	[sflag:s8] =	ssyncset.s32 @!p0 $0xFFFFF086;
	s6 =	sadd.s32 @!p0 s3, s7;
	s7 =	simm.s32 @!p0 $0x108  }
0x21: {  	s3 =	sadd.s32 s3, s9;
	s6 =	sadd.s32 @!p0 $0x88, s6;
	s7 =	simm.s32 @p2 $0x1082  }
0x22: {  	[simem:s7], [sflag:s8] =	dma.local @!p0 [hbm:s6], $0xF7A  }
0x23: {  	s9 =	sor.u32 $0xD0000000, s2;
	s6 =	simm.s32 $0x108;
	_ =	swait.ge @!p0 [sflag:s8], $0x0  }
0x24: {  	s3 =	sadd.s32 $0x88, s3;
	s6 =	simm.s32 @!p1 $0x1082;
	[sflag:s4] =	ssyncset.s32 $0xFFFFF086  }
0x25: {  	[simem:s6], [sflag:s4] =	dma.local [hbm:s3], $0xF7A  }
0x26: {  	[smem:$0x3F97] =	sst s1;
	(tag) =	ssettag s2;
	_ =	strace s9  }
0x27: {  	s1 =	sld [smem:$0x3FA7]  }
0x28: {  	s2 =	sld [smem:$0x3FA8]  }
0x29: {  	s4 =	sld [smem:$0x3FAA]  }
0x2a: {  	p0 =	seq.s32 s5, $0x0;
	s5 =	sld [smem:$0x3FAB]  }
0x2b: {  	s6 =	sld [smem:$0x3FAC]  }
0x2c: {  	s7 =	sld [smem:$0x3FAD]  }
0x2d: {  	s3 =	simm.s32 $0x108;
	s8 =	sld [smem:$0x3FAE]  }
0x2e: {  	s3 =	simm.s32 @!p0 $0x1082;
	s9 =	sld [smem:$0x3FAF]  }
0x2f: {  	lr =	sadd.s32 s0, s3;
	s0 =	sld [smem:$0x3FA6]  }
0x30: {  	s3 =	sld [smem:$0x3FA9]  }
0x31: {  	[smem:$0x3FB2] =	sst s10  }
0x32: {  	s10 =	sld [smem:$0x3FB0];
	_ =	sdelay $0x3  }
0x33: {  	p0 =	seq.s32 s10, $0x1;
	s10 =	sld [smem:$0x3FB2];
	_ =	sdelay $0x3  }
0x34: {  	[smem:$0x3FB2] =	sst s10  }
0x35: {  	s10 =	sld [smem:$0x3FB1];
	_ =	sdelay $0x3  }
0x36: {  	p1 =	seq.s32 s10, $0x1;
	s10 =	sld [smem:$0x3FB2];
	_ =	sdelay $0x3  }
0x37: {  	[smem:$0x3FB2] =	sst s10  }
0x38: {  	s10 =	sld [smem:$0x3FB3]  }
0x39: {  	_ = 	snop;
	(pc) =	sbr.ind lr, $3  }
0x3a: {  	_ = 	snop  }
0x3b: {  	_ = 	snop  }
0x3c: {  	p2 =	seq.s32 s10, $0x1;
	s10 =	sld [smem:$0x3FB2]  }
0x3d: {  	_ =	shalt  }
0x3e: {  	_ =	shalt  }
0x3f: {  	_ =	shalt  }
0x40: {  	_ =	shalt  }
0x41: {  	_ =	shalt  }
0x42: {  	_ =	shalt  }
0x43: {  	_ =	shalt  }
0x44: {  	_ =	shalt  }
0x45: {  	_ =	shalt  }
0x46: {  	_ =	shalt  }
0x47: {  	_ =	shalt  }
0x48: {  	_ =	shalt  }
0x49: {  	_ =	shalt  }
0x4a: {  	_ =	shalt  }
0x4b: {  	_ =	shalt  }
0x4c: {  	_ =	shalt  }
0x4d: {  	_ =	shalt  }
0x4e: {  	_ =	shalt  }
0x4f: {  	_ =	shalt  }
0x50: {  	_ =	shalt  }
0x51: {  	_ =	shalt  }
0x52: {  	_ =	shalt  }
0x53: {  	_ =	shalt  }
0x54: {  	_ =	shalt  }
0x55: {  	_ =	shalt  }
0x56: {  	_ =	shalt  }
0x57: {  	_ =	shalt  }
0x58: {  	_ =	shalt  }
0x59: {  	_ =	shalt  }
0x5a: {  	_ =	shalt  }
0x5b: {  	_ =	shalt  }
0x5c: {  	_ =	shalt  }
0x5d: {  	_ =	shalt  }
0x5e: {  	_ =	shalt  }
0x5f: {  	_ =	shalt  }
0x60: {  	_ =	shalt  }
0x61: {  	_ =	shalt  }
0x62: {  	_ =	shalt  }
0x63: {  	_ =	shalt  }
0x64: {  	_ =	shalt  }
0x65: {  	_ =	shalt  }
0x66: {  	_ =	shalt  }
0x67: {  	_ =	shalt  }
0x68: {  	_ =	shalt  }
0x69: {  	_ =	shalt  }
0x6a: {  	_ =	shalt  }
0x6b: {  	_ =	shalt  }
0x6c: {  	_ =	shalt  }
0x6d: {  	_ =	shalt  }
0x6e: {  	_ =	shalt  }
0x6f: {  	_ =	shalt  }
0x70: {  	_ =	shalt  }
0x71: {  	_ =	shalt  }
0x72: {  	_ =	shalt  }
0x73: {  	_ =	shalt  }
0x74: {  	_ =	shalt  }
0x75: {  	_ =	shalt  }
0x76: {  	_ =	shalt  }
0x77: {  	_ =	shalt  }
0x78: {  	_ =	shalt  }
0x79: {  	_ =	shalt  }
0x7a: {  	_ =	shalt  }
0x7b: {  	_ =	shalt  }
0x7c: {  	_ =	shalt  }
0x7d: {  	_ =	shalt  }
0x7e: {  	_ =	shalt  }
0x7f: {  	_ =	shalt  }
0x80: {  	_ =	shalt  }
0x81: {  	_ =	shalt  }
0x82: {  	_ =	shalt  }
0x83: {  	_ =	shalt  }
0x84: {  	_ =	shalt  }
0x85: {  	_ =	shalt  }
0x86: {  	_ =	shalt  }
0x87: {  	_ =	shalt  }
.Lfunc_end0:
.L_simem_size_0:
called_computation_lowered:
.L_overlay_start_0:
0x88: {  	s2 =	sld [smem:$0x3FD9]  }
0x89: {  	s3 =	sld [smem:$0x3FFE];
	_ =	sdelay $0x1  }
0x8a: {  	s1 =	srdreg.scid  }
0x8b: {  	s0 =	sand.u32 $0x1, s1  }
0x8c: {  	s16 =	sshll.u32 s0, $0xA;
	s2 =	sadd.s32 s3, s2  }
0x8d: {  	s2 =	sadd.s32 s2, s16  }
0x8e: {  	[smem:$0x3FBE] =	sst s2  }
0x8f: {  	_ = 	snop  }
0x90: {  	(tm) =	ssettm $0x1  }
0x91: {  	s17 =	sld [smem:$0x3FFB];
	_ =	sdelay $0x3  }
0x92: {  	_ =	strace s17  }
0x93: {  	s2 =	sld [smem:$0x3FFC];
	_ =	sdelay $0x3  }
0x94: {  	_ =	strace s2  }
0x95: {  	s2 =	sld [smem:$0x3FFD];
	_ =	sdelay $0x3  }
0x96: {  	_ =	strace s2  }
0x97: {  	_ =	strace $0x8FFFFFFF  }
0x98: {  	s18 =	sld [smem:$0x3FDB];
	_ =	sdelay $0x1  }
0x99: {  	s19 =	simm.s32 $_scs_section_size  }
0x9a: {  	s4 =	simm.s32 $_size__tile_overlayer_lowered;
	s5 =	simm.s32 $_tile_overlayer_lowered  }
0x9b: {  	s22 =	simm.s32 $0x1BFF;
	s21 =	sshll.u32 s5, $0x1;
	s2 =	sadd.s32 s19, s18  }
0x9c: {  	s6 =	simm.s32 $0x0;
	s20 =	sshll.u32 s4, $0x1;
	s4 =	sadd.s32 s21, s2  }
0x9d: {  	[timem:s6], [sflag:s22] =	dma.local [hbm:s4], s20  }
0x9e: {  	_ =	swait.ge [sflag:s22], s20  }
0x9f: {  	s3 =	ssub.s32 $0x0, s20;
	[sflag:s22] =	ssyncset.done $0x0  }
0xa0: {  	[sflag:s22] =	ssyncadd.s32 s3;
	_ =	sdelay $0x1  }
0xa1: {  	s23 =	simm.s32 $0x1B8B  }
0xa2: {  	_ =	swait.ge [sflag:s23], $0x1  }
0xa3: {  	[sflag:s23] =	ssyncset.done $0x0  }
0xa4: {  	s25 =	simm.s32 $0x1B8E;
	s24 =	sld [smem:$0x3FFE];
	[sflag:s23] =	ssyncadd.s32 $0xFFFFFFFF  }
0xa5: {  	s26 =	simm.s32 $execute0_lowered;
	[smem:$0x3FD2] =	sst s25  }
0xa6: {  	s4 =	sshll.u32 s26, $0x1;
	_ =	strace $0x80000046;
	[dreg:$0x1] =	wrdreg $0xFFFFFFFF  }
0xa7: {  	s28 =	simm.s32 $_size_execute0_lowered;
	s2 =	sadd.s32 s2, s4;
	[dreg:$0x0] =	wrdreg $0x0  }
0xa8: {  	s4 =	sshll.u32 s28, $0x1;
	[dreg:$0x2] =	wrdreg s2  }
0xa9: {  	[dreg:$0x3] =	wrdreg s4  }
0xaa: {  	[dreg:$0x4] =	wrdreg $0xC0  }
0xab: {  	_ =	task [dreg:s6], $0x5FFFF  }
0xac: {  	[dreg:$0x1] =	wrdreg $0xFFFFFFFF  }
0xad: {  	[dreg:$0x0] =	wrdreg $0x60  }
0xae: {  	[dreg:$0x2] =	wrdreg s24  }
0xaf: {  	[dreg:$0x3] =	wrdreg $0x8B000  }
0xb0: {  	[dreg:$0x4] =	wrdreg $0x8D780  }
0xb1: {  	[dreg:$0x5] =	wrdreg $0x8FF00  }
0xb2: {  	[dreg:$0x6] =	wrdreg $0x9  }
0xb3: {  	_ =	task.clear_ibuf [dreg:s6], $0x7FFFF;
	_ =	strace $0x90000046  }
0xb4: {  	s29 =	simm.s32 $0x9;
	_ =	strace $0x80000048  }
0xb5: {  	_ =	swait.ge [sflag:s29], $0x1  }
0xb6: {  	[sflag:s29] =	ssyncadd.s32 $0xFFFFFFFF  }
0xb7: {  	_ =	strace $0x90000048  }
0xb8: {  	_ =	sfence  }
0xb9: {  	s30 =	sld [smem:$0x0];
	_ =	sdelay $0x2  }
0xba: {  	s31 =	sshll.u32 s1, $0xD;
	s1 =	sshrl.u32 s1, $0x2  }
0xbb: {  	s3 =	sand.u32 $0x4000, s31;
	s1 =	sadd.s32 s1, s30  }
0xbc: {  	s0 =	sor.u32 s3, s0;
	s1 =	sshll.u32 s1, $0x11  }
0xbd: {  	s0 =	sor.u32 s1, s0  }
0xbe: {  	s0 =	sadd.s32 $0x8F2B, s0  }
0xbf: {  	[sflag:s0] =	ssyncadd.remote.s32 $0x1  }
0xc0: {  	_ =	sfence.sel $0xFFFF  }
0xc1: {  	[dreg:$0x0] =	wrdreg $0xFFFFFFFF;
	(pc) =	sbr.abs _section_cstart, $3  }
0xc2: {  	[dreg:$0x1] =	wrdreg $0xFFFFFFFF  }
0xc3: {  	_ =	task.clear_ibuf [dreg:s6], $0x2FFFF;
	_ =	strace $0x9FFFFFFF  }
0xc4: {  	(tm) =	ssettm $0x7FFFFFFF  }
0xc5: {  	_ =	shalt  }
tec
execute0_lowered:
.L_overlay_start_1:
0x0: {  	(tag) =	ssettag $0x1  }
0x1: {  	s1 =	rddreg [dreg:$0x0]  }
0x2: {  	s0 =	rddreg [dreg:$0x1]  }
0x3: {  	s3 =	srdreg.scid;
	s2 =	rddreg [dreg:$0x2]  }
0x4: {  	s7 =	stileid.u32;
	s4 =	simm.s32 $0x0;
	s21 =	simm.s32 $0x1  }
0x5: {  	s25 =	simm.s32 $0x2800;
	s28 =	simm.s32 $0x80;
	s29 =	simm.s32 $0x7700  }
0x6: {  	s30 =	simm.s32 $0x0;
	s5 =	sand.u32 $0x1, s3;
	s3 =	rddreg [dreg:$0x3]  }
0x7: {  	[smem:$0x7FF] =	sst s4;
	s26 =	sadd.s32 $0x1800, s1;
	s11 =	sadd.s32 $0x26D0, s1  }
0x8: {  	s12 =	sadd.s32 $0x2BC0, s1;
	s14 =	sadd.s32 $0x35A0, s1;
	s15 =	sadd.s32 $0x3A90, s1  }
0x9: {  	p0 =	sne.s32 s7, $0x0;
	s6 =	sshll.u32 s5, $0x4;
	_ =	strace $0x80000047  }
0xa: {  	s9 =	smul.u32 $0x7680, s5;
	[dreg:$0x5] =	wrdreg s26;
	s5 =	ssub.s32 $0x2, s5  }
0xb: {  	s23 =	sshrl.u32 @!p0 s0, $0x3;
	s24 =	sshrl.u32 @!p0 s2, $0x3;
	s6 =	sor.u32 s7, s6  }
0xc: {  	s26 =	simm.s32 $0x4F80;
	s10 =	sshrl.u32 s5, $0x1;
	s8 =	smul.u32 $0x1400, s6  }
0xd: {  	s6 =	sadd.s32 $0xE600, s1;
	s9 =	sshrl.u32 s9, $0x3;
	s5 =	ssub.s32 s5, s10  }
0xe: {  	s19 =	sadd.s32 s9, s1;
	s9 =	sadd.s32 $0x1CF0, s1;
	s8 =	sshrl.u32 s8, $0x3  }
0xf: {  	s20 =	smax.u32 s5, $0x1;
	s17 =	sadd.s32 $0x1DC00, s19;
	s16 =	sadd.s32 s8, s1  }
0x10: {  	s18 =	sadd.s32 $0x1E0F0, s19;
	s19 =	sadd.s32 $0x1E5E0, s19;
	s8 =	sadd.s32 $0x4600, s16  }
0x11: {  	s31 =	sadd.s32 $0x9600, s16;
	s10 =	sadd.s32 $0xEC00, s16;
	[dreg:$0x6] =	wrdreg s8  }
0x12: {  	s13 =	sadd.s32 $0x13C00, s16;
	s16 =	sadd.s32 $0x18C00, s16;
	[dreg:$0x7] =	wrdreg s31  }
.LBB2_1:
0x13: {  	s1 =	rddreg [dreg:$0x6]  }
0x14: {  	[tilespmem:s4], [sflag:$0x1] =	stream.linear.gather [hbm4b:s1+s4], $0x1400, $0x38;
	[tilespmem:$0x9268] =	vst v63  }
0x15: {  	_ =	swait.ge [sflag:s21], $0x1400  }
0x16: {  	[sflag:s21] =	ssyncset.done $0x0  }
0x17: {  	s5 =	simm.s32 $0x1400;
	s8 =	rddreg [dreg:$0x7];
	[sflag:s21] =	ssyncadd.s32 $0xFFFFEC00  }
0x18: {  	[tilespmem:s5], [sflag:$0x1] =	stream.linear.gather [hbm4b:s8+s4], $0x1400, $0x38;
	[tilespmem:$0x9268] =	vst v63  }
0x19: {  	_ =	swait.ge [sflag:s21], $0x1400  }
0x1a: {  	[sflag:s21] =	ssyncset.done $0x0  }
0x1b: {  	s1 =	simm.s32 @!p0 $0x1C01;
	s5 =	simm.s32 @!p0 $0x1;
	[sflag:s21] =	ssyncadd.s32 $0xFFFFEC00  }
0x1c: {  	[spmem:s23], [sflag:s1] =	dma.local @!p0 [hbm:s6], $0x4F0  }
0x1d: {  	_ =	swait.ge @!p0 [sflag:s5], $0x4F0  }
0x1e: {  	[sflag:s5] =	ssyncset.done @!p0 $0x0  }
0x1f: {  	[sflag:s5] =	ssyncadd.s32 @!p0 $0xFFFFFB10  }
0x20: {  	[spmem:s24], [sflag:s1] =	dma.local @!p0 [hbm:s6], $0x4F0  }
0x21: {  	_ =	swait.ge @!p0 [sflag:s5], $0x4F0  }
0x22: {  	[sflag:s5] =	ssyncset.done @!p0 $0x0  }
0x23: {  	s31 =	sshrl.u32 @!p0 s3, $0x3;
	[sflag:s5] =	ssyncadd.s32 @!p0 $0xFFFFFB10  }
0x24: {  	[spmem:s31], [sflag:s1] =	dma.local @!p0 [hbm:s6], $0x4F0  }
0x25: {  	_ =	swait.ge @!p0 [sflag:s5], $0x4F0  }
0x26: {  	[sflag:s5] =	ssyncset.done @!p0 $0x0  }
0x27: {  	[sflag:s5] =	ssyncadd.s32 @!p0 $0xFFFFFB10  }
0x28: {  	[bflag:$0x0] =	sbarrier.arrive $0xFFFF  }
0x29: {  	s22 =	rddreg [dreg:$0x5]  }
0x2a: {  	[tilespmem:s25], [sflag:$0x1] =	stream.linear.gather [hbm4b:s22+s4], $0x2780, $0x38;
	[tilespmem:$0x9268] =	vst v63  }
0x2b: {  	_ =	swait.ge [sflag:s21], $0x2780  }
0x2c: {  	[sflag:s21] =	ssyncset.done $0x0  }
0x2d: {  	[sflag:s21] =	ssyncadd.s32 $0xFFFFD880  }
0x2e: {  	[tilespmem:s26], [sflag:$0x1] =	stream.linear.gather [hbm4b:s9+s4], $0x2780, $0x38;
	[tilespmem:$0x9268] =	vst v63  }
0x2f: {  	_ =	swait.ge [sflag:s21], $0x2780  }
0x30: {  	[sflag:s21] =	ssyncset.done $0x0  }
0x31: {  	s1 =	simm.s32 $0x0;
	[sflag:s21] =	ssyncadd.s32 $0xFFFFD880  }
0x32: {  	v0 =	vld [tilespmem:s1+$0x0]  }
0x33: {  	v1 =	vld [tilespmem:s1+$0x1400];
	_ =	sdelay $0x6  }
0x34: {  	v0 =	vld.idx.msk [tilespmem:v0+s25+$0x0], $0xffff  }
0x35: {  	v1 =	vld.idx.msk [tilespmem:v1+s26+$0x0], $0xffff;
	_ =	sdelay $0x4  }
0x36: {  	v0 =	vadd.f32 v1, v0;
	_ =	sdelay $0x1  }
0x37: {  	v1 =	vmul.f32 $2.000000030e-01, v0  }
0x38: {  	vm0 =	vge.f32 v0, $0.0e+00  }
0x39: {  	v0 =	vsel vm0, v0, v1  }
0x3a: {  	v0 =	vmul.f32 $1.442695020e+00, v0;
	_ =	sdelay $0x1  }
0x3b: {  	(erf) = vpow2.f32 v0;
	_ =	sdelay $0x2  }
0x3c: {  	v44 =	vld [tilespmem:s1+$0x10]  }
0x3d: {  	v45 =	vld [tilespmem:s1+$0x1410];
	_ =	sdelay $0x4  }
0x3e: {  	v2 =	vpop (erf)  }
0x3f: {  	[tilespmem:s1+$0x7700] =	vst v2  }
0x40: {  	v0 =	vld.idx.msk [tilespmem:v44+s25+$0x0], $0xffff  }
0x41: {  	v1 =	vld.idx.msk [tilespmem:v45+s26+$0x0], $0xffff;
	_ =	sdelay $0x4  }
0x42: {  	v0 =	vadd.f32 v1, v0;
	_ =	sdelay $0x1  }
0x43: {  	v1 =	vmul.f32 $2.000000030e-01, v0  }
0x44: {  	vm9 =	vge.f32 v0, $0.0e+00  }
0x45: {  	v0 =	vsel vm9, v0, v1  }
0x46: {  	v0 =	vmul.f32 $1.442695020e+00, v0;
	_ =	sdelay $0x1  }
0x47: {  	(erf) = vpow2.f32 v0;
	_ =	sdelay $0x2  }
0x48: {  	v46 =	vld [tilespmem:s1+$0x20]  }
0x49: {  	v47 =	vld [tilespmem:s1+$0x1420];
	_ =	sdelay $0x4  }
0x4a: {  	v48 =	vpop (erf)  }
0x4b: {  	[tilespmem:s1+$0x7710] =	vst v48  }
0x4c: {  	v0 =	vld.idx.msk [tilespmem:v46+s25+$0x0], $0xffff  }
0x4d: {  	v1 =	vld.idx.msk [tilespmem:v47+s26+$0x0], $0xffff;
	_ =	sdelay $0x4  }
0x4e: {  	v0 =	vadd.f32 v1, v0;
	_ =	sdelay $0x1  }
0x4f: {  	v1 =	vmul.f32 $2.000000030e-01, v0  }
0x50: {  	vm10 =	vge.f32 v0, $0.0e+00  }
0x51: {  	v0 =	vsel vm10, v0, v1  }
0x52: {  	v0 =	vmul.f32 $1.442695020e+00, v0;
	_ =	sdelay $0x1  }
0x53: {  	(erf) = vpow2.f32 v0;
	_ =	sdelay $0x2  }
0x54: {  	v49 =	vld [tilespmem:s1+$0x30]  }
0x55: {  	v50 =	vld [tilespmem:s1+$0x1430];
	_ =	sdelay $0x4  }
0x56: {  	v51 =	vpop (erf)  }
0x57: {  	[tilespmem:s1+$0x7720] =	vst v51  }
0x58: {  	v0 =	vld.idx.msk [tilespmem:v49+s25+$0x0], $0xffff  }
0x59: {  	v1 =	vld.idx.msk [tilespmem:v50+s26+$0x0], $0xffff;
	_ =	sdelay $0x4  }
0x5a: {  	v0 =	vadd.f32 v1, v0;
	_ =	sdelay $0x1  }
0x5b: {  	v1 =	vmul.f32 $2.000000030e-01, v0  }
0x5c: {  	vm11 =	vge.f32 v0, $0.0e+00  }
0x5d: {  	v0 =	vsel vm11, v0, v1  }
0x5e: {  	v0 =	vmul.f32 $1.442695020e+00, v0;
	_ =	sdelay $0x1  }
0x5f: {  	(erf) = vpow2.f32 v0;
	_ =	sdelay $0x2  }
0x60: {  	v52 =	vld [tilespmem:s1+$0x40]  }
0x61: {  	v53 =	vld [tilespmem:s1+$0x1440];
	_ =	sdelay $0x4  }
0x62: {  	v54 =	vpop (erf)  }
0x63: {  	[tilespmem:s1+$0x7730] =	vst v54  }
0x64: {  	v0 =	vld.idx.msk [tilespmem:v52+s25+$0x0], $0xffff  }
0x65: {  	v1 =	vld.idx.msk [tilespmem:v53+s26+$0x0], $0xffff;
	_ =	sdelay $0x4  }
0x66: {  	v0 =	vadd.f32 v1, v0;
	_ =	sdelay $0x1  }
0x67: {  	v1 =	vmul.f32 $2.000000030e-01, v0  }
0x68: {  	vm12 =	vge.f32 v0, $0.0e+00  }
0x69: {  	v0 =	vsel vm12, v0, v1  }
0x6a: {  	v0 =	vmul.f32 $1.442695020e+00, v0;
	_ =	sdelay $0x1  }
0x6b: {  	(erf) = vpow2.f32 v0;
	_ =	sdelay $0x2  }
0x6c: {  	v55 =	vld [tilespmem:s1+$0x50]  }
0x6d: {  	v56 =	vld [tilespmem:s1+$0x1450];
	_ =	sdelay $0x4  }
0x6e: {  	v57 =	vpop (erf)  }
0x6f: {  	[tilespmem:s1+$0x7740] =	vst v57  }
0x70: {  	v0 =	vld.idx.msk [tilespmem:v55+s25+$0x0], $0xffff  }
0x71: {  	v1 =	vld.idx.msk [tilespmem:v56+s26+$0x0], $0xffff;
	_ =	sdelay $0x4  }
0x72: {  	v0 =	vadd.f32 v1, v0;
	_ =	sdelay $0x1  }
0x73: {  	v1 =	vmul.f32 $2.000000030e-01, v0  }
0x74: {  	vm13 =	vge.f32 v0, $0.0e+00  }
0x75: {  	v0 =	vsel vm13, v0, v1  }
0x76: {  	v0 =	vmul.f32 $1.442695020e+00, v0;
	_ =	sdelay $0x1  }
0x77: {  	(erf) = vpow2.f32 v0;
	_ =	sdelay $0x2  }
0x78: {  	v58 =	vld [tilespmem:s1+$0x60]  }
0x79: {  	v59 =	vld [tilespmem:s1+$0x1460];
	_ =	sdelay $0x4  }
0x7a: {  	v60 =	vpop (erf)  }
0x7b: {  	[tilespmem:s1+$0x7750] =	vst v60  }
0x7c: {  	v0 =	vld.idx.msk [tilespmem:v58+s25+$0x0], $0xffff  }
0x7d: {  	v1 =	vld.idx.msk [tilespmem:v59+s26+$0x0], $0xffff;
	_ =	sdelay $0x4  }
0x7e: {  	v0 =	vadd.f32 v1, v0;
	_ =	sdelay $0x1  }
0x7f: {  	v1 =	vmul.f32 $2.000000030e-01, v0  }
0x80: {  	vm14 =	vge.f32 v0, $0.0e+00  }
0x81: {  	v0 =	vsel vm14, v0, v1  }
0x82: {  	v0 =	vmul.f32 $1.442695020e+00, v0;
	_ =	sdelay $0x1  }
0x83: {  	(erf) = vpow2.f32 v0;
	_ =	sdelay $0x2  }
0x84: {  	v61 =	vld [tilespmem:s1+$0x70]  }
0x85: {  	v62 =	vld [tilespmem:s1+$0x1470];
	_ =	sdelay $0x4  }
0x86: {  	v63 =	vpop (erf)  }
0x87: {  	[tilespmem:s1+$0x7760] =	vst v63  }
0x88: {  	v0 =	vld.idx.msk [tilespmem:v61+s25+$0x0], $0xffff  }
0x89: {  	v1 =	vld.idx.msk [tilespmem:v62+s26+$0x0], $0xffff;
	_ =	sdelay $0x4  }
0x8a: {  	v0 =	vadd.f32 v1, v0;
	_ =	sdelay $0x1  }
0x8b: {  	v1 =	vmul.f32 $2.000000030e-01, v0  }
0x8c: {  	vm15 =	vge.f32 v0, $0.0e+00  }
0x8d: {  	v0 =	vsel vm15, v0, v1  }
0x8e: {  	v0 =	vmul.f32 $1.442695020e+00, v0;
	_ =	sdelay $0x1  }
0x8f: {  	s7 =	simm.s32 $0x400;
	s5 =	simm.s32 $0x200;
	(erf) = vpow2.f32 v0  }
.LBB2_2:
0x90: {  	p1 =	sne.s32 s7, $0x4E00  }
0x91: {  	s22 =	sshra.s32 s5, $0x2;
	s5 =	smov.u32 s7;
	s7 =	sadd.s32 $0x200, s7  }
0x92: {  	v0 =	vld [tilespmem:s22+$0x0]  }
0x93: {  	v1 =	vld [tilespmem:s22+$0x1400];
	_ =	sdelay $0x4  }
0x94: {  	v2 =	vpop (erf)  }
0x95: {  	[tilespmem:s1+$0x7770] =	vst v2;
	s1 =	smov.u32 s22  }
0x96: {  	v0 =	vld.idx.msk [tilespmem:v0+s25+$0x0], $0xffff  }
0x97: {  	v1 =	vld.idx.msk [tilespmem:v1+s26+$0x0], $0xffff;
	_ =	sdelay $0x5  }
0x98: {  	v0 =	vadd.f32 v1, v0;
	_ =	sdelay $0x1  }
0x99: {  	vm0 =	vge.f32 v0, $0.0e+00;
	v1 =	vmul.f32 $2.000000030e-01, v0;
	_ =	sdelay $0x1  }
0x9a: {  	v0 =	vsel vm0, v0, v1  }
0x9b: {  	v0 =	vmul.f32 $1.442695020e+00, v0;
	_ =	sdelay $0x1  }
0x9c: {  	(erf) = vpow2.f32 v0;
	_ =	sdelay $0x1  }
0x9d: {  	v0 =	vld [tilespmem:s1+$0x1410]  }
0x9e: {  	v1 =	vld [tilespmem:s1+$0x10];
	_ =	sdelay $0x5  }
0x9f: {  	v2 =	vpop (erf)  }
0xa0: {  	[tilespmem:s1+$0x7700] =	vst v2  }
0xa1: {  	v1 =	vld.idx.msk [tilespmem:v1+s25+$0x0], $0xffff  }
0xa2: {  	v0 =	vld.idx.msk [tilespmem:v0+s26+$0x0], $0xffff;
	_ =	sdelay $0x5  }
0xa3: {  	v0 =	vadd.f32 v0, v1;
	_ =	sdelay $0x1  }
0xa4: {  	vm0 =	vge.f32 v0, $0.0e+00;
	v1 =	vmul.f32 $2.000000030e-01, v0;
	_ =	sdelay $0x1  }
0xa5: {  	v0 =	vsel vm0, v0, v1  }
0xa6: {  	v0 =	vmul.f32 $1.442695020e+00, v0;
	_ =	sdelay $0x1  }
0xa7: {  	(erf) = vpow2.f32 v0;
	_ =	sdelay $0x1  }
0xa8: {  	v0 =	vld [tilespmem:s1+$0x1420]  }
0xa9: {  	v1 =	vld [tilespmem:s1+$0x20];
	_ =	sdelay $0x5  }
0xaa: {  	v2 =	vpop (erf)  }
0xab: {  	[tilespmem:s1+$0x7710] =	vst v2  }
0xac: {  	v1 =	vld.idx.msk [tilespmem:v1+s25+$0x0], $0xffff  }
0xad: {  	v0 =	vld.idx.msk [tilespmem:v0+s26+$0x0], $0xffff;
	_ =	sdelay $0x5  }
0xae: {  	v0 =	vadd.f32 v0, v1;
	_ =	sdelay $0x1  }
0xaf: {  	vm0 =	vge.f32 v0, $0.0e+00;
	v1 =	vmul.f32 $2.000000030e-01, v0;
	_ =	sdelay $0x1  }
0xb0: {  	v0 =	vsel vm0, v0, v1  }
0xb1: {  	v0 =	vmul.f32 $1.442695020e+00, v0;
	_ =	sdelay $0x1  }
0xb2: {  	(erf) = vpow2.f32 v0;
	_ =	sdelay $0x1  }
0xb3: {  	v0 =	vld [tilespmem:s1+$0x1430]  }
0xb4: {  	v1 =	vld [tilespmem:s1+$0x30];
	_ =	sdelay $0x5  }
0xb5: {  	v2 =	vpop (erf)  }
0xb6: {  	[tilespmem:s1+$0x7720] =	vst v2  }
0xb7: {  	v1 =	vld.idx.msk [tilespmem:v1+s25+$0x0], $0xffff  }
0xb8: {  	v0 =	vld.idx.msk [tilespmem:v0+s26+$0x0], $0xffff;
	_ =	sdelay $0x5  }
0xb9: {  	v0 =	vadd.f32 v0, v1;
	_ =	sdelay $0x1  }
0xba: {  	vm0 =	vge.f32 v0, $0.0e+00;
	v1 =	vmul.f32 $2.000000030e-01, v0;
	_ =	sdelay $0x1  }
0xbb: {  	v0 =	vsel vm0, v0, v1  }
0xbc: {  	v0 =	vmul.f32 $1.442695020e+00, v0;
	_ =	sdelay $0x1  }
0xbd: {  	(erf) = vpow2.f32 v0;
	_ =	sdelay $0x1  }
0xbe: {  	v0 =	vld [tilespmem:s1+$0x1440]  }
0xbf: {  	v1 =	vld [tilespmem:s1+$0x40];
	_ =	sdelay $0x5  }
0xc0: {  	v2 =	vpop (erf)  }
0xc1: {  	[tilespmem:s1+$0x7730] =	vst v2  }
0xc2: {  	v1 =	vld.idx.msk [tilespmem:v1+s25+$0x0], $0xffff  }
0xc3: {  	v0 =	vld.idx.msk [tilespmem:v0+s26+$0x0], $0xffff;
	_ =	sdelay $0x5  }
0xc4: {  	v0 =	vadd.f32 v0, v1;
	_ =	sdelay $0x1  }
0xc5: {  	vm0 =	vge.f32 v0, $0.0e+00;
	v1 =	vmul.f32 $2.000000030e-01, v0;
	_ =	sdelay $0x1  }
0xc6: {  	v0 =	vsel vm0, v0, v1  }
0xc7: {  	v0 =	vmul.f32 $1.442695020e+00, v0;
	_ =	sdelay $0x1  }
0xc8: {  	(erf) = vpow2.f32 v0;
	_ =	sdelay $0x1  }
0xc9: {  	v0 =	vld [tilespmem:s1+$0x1450]  }
0xca: {  	v1 =	vld [tilespmem:s1+$0x50];
	_ =	sdelay $0x5  }
0xcb: {  	v2 =	vpop (erf)  }
0xcc: {  	[tilespmem:s1+$0x7740] =	vst v2  }
0xcd: {  	v1 =	vld.idx.msk [tilespmem:v1+s25+$0x0], $0xffff  }
0xce: {  	v0 =	vld.idx.msk [tilespmem:v0+s26+$0x0], $0xffff;
	_ =	sdelay $0x5  }
0xcf: {  	v0 =	vadd.f32 v0, v1;
	_ =	sdelay $0x1  }
0xd0: {  	vm0 =	vge.f32 v0, $0.0e+00;
	v1 =	vmul.f32 $2.000000030e-01, v0;
	_ =	sdelay $0x1  }
0xd1: {  	v0 =	vsel vm0, v0, v1  }
0xd2: {  	v0 =	vmul.f32 $1.442695020e+00, v0;
	_ =	sdelay $0x1  }
0xd3: {  	(erf) = vpow2.f32 v0;
	_ =	sdelay $0x1  }
0xd4: {  	v0 =	vld [tilespmem:s1+$0x1460]  }
0xd5: {  	v1 =	vld [tilespmem:s1+$0x60];
	_ =	sdelay $0x5  }
0xd6: {  	v2 =	vpop (erf)  }
0xd7: {  	[tilespmem:s1+$0x7750] =	vst v2  }
0xd8: {  	v1 =	vld.idx.msk [tilespmem:v1+s25+$0x0], $0xffff  }
0xd9: {  	v0 =	vld.idx.msk [tilespmem:v0+s26+$0x0], $0xffff;
	_ =	sdelay $0x5  }
0xda: {  	v0 =	vadd.f32 v0, v1;
	_ =	sdelay $0x1  }
0xdb: {  	vm0 =	vge.f32 v0, $0.0e+00;
	v1 =	vmul.f32 $2.000000030e-01, v0;
	_ =	sdelay $0x1  }
0xdc: {  	v0 =	vsel vm0, v0, v1  }
0xdd: {  	v0 =	vmul.f32 $1.442695020e+00, v0;
	_ =	sdelay $0x1  }
0xde: {  	(erf) = vpow2.f32 v0;
	_ =	sdelay $0x1  }
0xdf: {  	v0 =	vld [tilespmem:s1+$0x1470]  }
0xe0: {  	v1 =	vld [tilespmem:s1+$0x70];
	_ =	sdelay $0x5  }
0xe1: {  	v2 =	vpop (erf)  }
0xe2: {  	[tilespmem:s1+$0x7760] =	vst v2  }
0xe3: {  	v1 =	vld.idx.msk [tilespmem:v1+s25+$0x0], $0xffff  }
0xe4: {  	v0 =	vld.idx.msk [tilespmem:v0+s26+$0x0], $0xffff;
	_ =	sdelay $0x5  }
0xe5: {  	v0 =	vadd.f32 v0, v1;
	_ =	sdelay $0x1  }
0xe6: {  	vm0 =	vge.f32 v0, $0.0e+00;
	v1 =	vmul.f32 $2.000000030e-01, v0  }
.Ltmp0:
0xe7: {  	(pc) =	sbr.rel @p1 .LBB2_2-.Ltmp0, $3  }
0xe8: {  	v0 =	vsel vm0, v0, v1  }
0xe9: {  	v0 =	vmul.f32 $1.442695020e+00, v0;
	_ =	sdelay $0x1  }
0xea: {  	(erf) = vpow2.f32 v0  }
0xeb: {  	_ = 	snop  }
0xec: {  	s5 =	sshra.s32 s5, $0x2  }
0xed: {  	v0 =	vld [tilespmem:s5+$0x0]  }
0xee: {  	v1 =	vld [tilespmem:s5+$0x1400];
	_ =	sdelay $0x4  }
0xef: {  	v2 =	vpop (erf)  }
0xf0: {  	[tilespmem:s1+$0x7770] =	vst v2  }
0xf1: {  	v0 =	vld.idx.msk [tilespmem:v0+s25+$0x0], $0xffff  }
0xf2: {  	v1 =	vld.idx.msk [tilespmem:v1+s26+$0x0], $0xffff;
	_ =	sdelay $0x4  }
0xf3: {  	v0 =	vadd.f32 v1, v0;
	_ =	sdelay $0x1  }
0xf4: {  	v1 =	vmul.f32 $2.000000030e-01, v0  }
0xf5: {  	vm0 =	vge.f32 v0, $0.0e+00  }
0xf6: {  	v0 =	vsel vm0, v0, v1  }
0xf7: {  	v0 =	vmul.f32 $1.442695020e+00, v0;
	_ =	sdelay $0x1  }
0xf8: {  	(erf) = vpow2.f32 v0;
	_ =	sdelay $0x2  }
0xf9: {  	v43 =	vld [tilespmem:s5+$0x10]  }
0xfa: {  	v44 =	vld [tilespmem:s5+$0x1410];
	_ =	sdelay $0x4  }
0xfb: {  	v45 =	vpop (erf)  }
0xfc: {  	[tilespmem:s5+$0x7700] =	vst v45  }
0xfd: {  	v0 =	vld.idx.msk [tilespmem:v43+s25+$0x0], $0xffff  }
0xfe: {  	v1 =	vld.idx.msk [tilespmem:v44+s26+$0x0], $0xffff;
	_ =	sdelay $0x4  }
0xff: {  	v0 =	vadd.f32 v1, v0;
	_ =	sdelay $0x1  }
0x100: {  	v1 =	vmul.f32 $2.000000030e-01, v0  }
0x101: {  	vm9 =	vge.f32 v0, $0.0e+00  }
0x102: {  	v0 =	vsel vm9, v0, v1  }
0x103: {  	v0 =	vmul.f32 $1.442695020e+00, v0;
	_ =	sdelay $0x1  }
0x104: {  	(erf) = vpow2.f32 v0;
	_ =	sdelay $0x2  }
0x105: {  	v46 =	vld [tilespmem:s5+$0x20]  }
0x106: {  	v47 =	vld [tilespmem:s5+$0x1420];
	_ =	sdelay $0x4  }
0x107: {  	v48 =	vpop (erf)  }
0x108: {  	[tilespmem:s5+$0x7710] =	vst v48  }
0x109: {  	v0 =	vld.idx.msk [tilespmem:v46+s25+$0x0], $0xffff  }
0x10a: {  	v1 =	vld.idx.msk [tilespmem:v47+s26+$0x0], $0xffff;
	_ =	sdelay $0x4  }
0x10b: {  	v0 =	vadd.f32 v1, v0;
	_ =	sdelay $0x1  }
0x10c: {  	v1 =	vmul.f32 $2.000000030e-01, v0  }
0x10d: {  	vm10 =	vge.f32 v0, $0.0e+00  }
0x10e: {  	v0 =	vsel vm10, v0, v1  }
0x10f: {  	v0 =	vmul.f32 $1.442695020e+00, v0;
	_ =	sdelay $0x1  }
0x110: {  	(erf) = vpow2.f32 v0;
	_ =	sdelay $0x2  }
0x111: {  	v49 =	vld [tilespmem:s5+$0x30]  }
0x112: {  	v50 =	vld [tilespmem:s5+$0x1430];
	_ =	sdelay $0x4  }
0x113: {  	v51 =	vpop (erf)  }
0x114: {  	[tilespmem:s5+$0x7720] =	vst v51  }
0x115: {  	v0 =	vld.idx.msk [tilespmem:v49+s25+$0x0], $0xffff  }
0x116: {  	v1 =	vld.idx.msk [tilespmem:v50+s26+$0x0], $0xffff;
	_ =	sdelay $0x4  }
0x117: {  	v0 =	vadd.f32 v1, v0;
	_ =	sdelay $0x1  }
0x118: {  	v1 =	vmul.f32 $2.000000030e-01, v0  }
0x119: {  	vm11 =	vge.f32 v0, $0.0e+00  }
0x11a: {  	v0 =	vsel vm11, v0, v1  }
0x11b: {  	v0 =	vmul.f32 $1.442695020e+00, v0;
	_ =	sdelay $0x1  }
0x11c: {  	(erf) = vpow2.f32 v0;
	_ =	sdelay $0x2  }
0x11d: {  	v52 =	vld [tilespmem:s5+$0x40]  }
0x11e: {  	v53 =	vld [tilespmem:s5+$0x1440];
	_ =	sdelay $0x4  }
0x11f: {  	v54 =	vpop (erf)  }
0x120: {  	[tilespmem:s5+$0x7730] =	vst v54  }
0x121: {  	v0 =	vld.idx.msk [tilespmem:v52+s25+$0x0], $0xffff  }
0x122: {  	v1 =	vld.idx.msk [tilespmem:v53+s26+$0x0], $0xffff;
	_ =	sdelay $0x4  }
0x123: {  	v0 =	vadd.f32 v1, v0;
	_ =	sdelay $0x1  }
0x124: {  	v1 =	vmul.f32 $2.000000030e-01, v0  }
0x125: {  	vm12 =	vge.f32 v0, $0.0e+00  }
0x126: {  	v0 =	vsel vm12, v0, v1  }
0x127: {  	v0 =	vmul.f32 $1.442695020e+00, v0;
	_ =	sdelay $0x1  }
0x128: {  	(erf) = vpow2.f32 v0;
	_ =	sdelay $0x2  }
0x129: {  	v55 =	vld [tilespmem:s5+$0x50]  }
0x12a: {  	v56 =	vld [tilespmem:s5+$0x1450];
	_ =	sdelay $0x4  }
0x12b: {  	v57 =	vpop (erf)  }
0x12c: {  	[tilespmem:s5+$0x7740] =	vst v57  }
0x12d: {  	v0 =	vld.idx.msk [tilespmem:v55+s25+$0x0], $0xffff  }
0x12e: {  	v1 =	vld.idx.msk [tilespmem:v56+s26+$0x0], $0xffff;
	_ =	sdelay $0x4  }
0x12f: {  	v0 =	vadd.f32 v1, v0;
	_ =	sdelay $0x1  }
0x130: {  	v1 =	vmul.f32 $2.000000030e-01, v0  }
0x131: {  	vm13 =	vge.f32 v0, $0.0e+00  }
0x132: {  	v0 =	vsel vm13, v0, v1  }
0x133: {  	v0 =	vmul.f32 $1.442695020e+00, v0;
	_ =	sdelay $0x1  }
0x134: {  	(erf) = vpow2.f32 v0;
	_ =	sdelay $0x2  }
0x135: {  	v58 =	vld [tilespmem:s5+$0x60]  }
0x136: {  	v59 =	vld [tilespmem:s5+$0x1460];
	_ =	sdelay $0x4  }
0x137: {  	v60 =	vpop (erf)  }
0x138: {  	[tilespmem:s5+$0x7750] =	vst v60  }
0x139: {  	v0 =	vld.idx.msk [tilespmem:v58+s25+$0x0], $0xffff  }
0x13a: {  	v1 =	vld.idx.msk [tilespmem:v59+s26+$0x0], $0xffff;
	_ =	sdelay $0x4  }
0x13b: {  	v0 =	vadd.f32 v1, v0;
	_ =	sdelay $0x1  }
0x13c: {  	v1 =	vmul.f32 $2.000000030e-01, v0  }
0x13d: {  	vm14 =	vge.f32 v0, $0.0e+00  }
0x13e: {  	v0 =	vsel vm14, v0, v1  }
0x13f: {  	v0 =	vmul.f32 $1.442695020e+00, v0;
	_ =	sdelay $0x1  }
0x140: {  	(erf) = vpow2.f32 v0;
	_ =	sdelay $0x2  }
0x141: {  	v61 =	vld [tilespmem:s5+$0x70]  }
0x142: {  	v62 =	vld [tilespmem:s5+$0x1470];
	_ =	sdelay $0x4  }
0x143: {  	v63 =	vpop (erf)  }
0x144: {  	[tilespmem:s5+$0x7760] =	vst v63  }
0x145: {  	v0 =	vld.idx.msk [tilespmem:v61+s25+$0x0], $0xffff  }
0x146: {  	v1 =	vld.idx.msk [tilespmem:v62+s26+$0x0], $0xffff;
	_ =	sdelay $0x4  }
0x147: {  	v0 =	vadd.f32 v1, v0;
	_ =	sdelay $0x1  }
0x148: {  	v1 =	vmul.f32 $2.000000030e-01, v0  }
0x149: {  	vm15 =	vge.f32 v0, $0.0e+00  }
0x14a: {  	v0 =	vsel vm15, v0, v1  }
0x14b: {  	v0 =	vmul.f32 $1.442695020e+00, v0;
	_ =	sdelay $0x1  }
0x14c: {  	(erf) = vpow2.f32 v0;
	_ =	sdelay $0x8  }
0x14d: {  	v0 =	vpop (erf)  }
0x14e: {  	s8 =	simm.s32 $0x7700;
	s22 =	simm.s32 $0x1400;
	[tilespmem:s5+$0x7770] =	vst v0  }
0x14f: {  	[spmem:s0] =	stream.indirect.scatter.add.f32 [tilespmem:s8], [sflag:$0x1], $0x1, s22, s28, $0xb8;
	[tilespmem:$0x9268] =	vst v63  }
0x150: {  	s1 =	simm.s32 $0x200;
	_ =	swait.ge [sflag:s21], $0x80  }
.LBB2_4:
0x151: {  	s5 =	sshra.s32 s1, $0x2  }
0x152: {  	[sflag:s21] =	ssyncset.done $0x0;
	p1 =	sne.s32 s1, $0x4E00;
	s7 =	sadd.s32 $0x7700, s5  }
.Ltmp1:
0x153: {  	s5 =	sadd.s32 $0x1400, s5;
	[sflag:s21] =	ssyncadd.s32 $0xFFFFFF80;
	(pc) =	sbr.rel @p1 .LBB2_4-.Ltmp1, $3  }
0x154: {  	[spmem:s0] =	stream.indirect.scatter.add.f32 [tilespmem:s7], [sflag:$0x1], $0x1, s5, s28, $0xb8;
	[tilespmem:$0x9268] =	vst v63  }
0x155: {  	s1 =	sadd.s32 $0x200, s1;
	_ =	sdelay $0x1  }
0x156: {  	_ =	swait.ge [sflag:s21], $0x80  }
0x157: {  	[sflag:s21] =	ssyncset.done $0x0  }
0x158: {  	s1 =	simm.s32 $0x0;
	[sflag:s21] =	ssyncadd.s32 $0xFFFFFF80  }
0x159: {  	[hbm4b:s10+s1] =	stream.linear.scatter [tilespmem:s29], [sflag:$0x1], $0x1400, $0x38;
	[tilespmem:$0x9268] =	vst v63  }
0x15a: {  	_ =	swait.ge [sflag:s21], $0x1400  }
0x15b: {  	[sflag:s21] =	ssyncset.done $0x0  }
0x15c: {  	[sflag:s21] =	ssyncadd.s32 $0xFFFFEC00  }
0x15d: {  	[tilespmem:s25], [sflag:$0x1] =	stream.linear.gather [hbm4b:s11+s1], $0x2780, $0x38;
	[tilespmem:$0x9268] =	vst v63  }
0x15e: {  	_ =	swait.ge [sflag:s21], $0x2780  }
0x15f: {  	[sflag:s21] =	ssyncset.done $0x0  }
0x160: {  	[sflag:s21] =	ssyncadd.s32 $0xFFFFD880  }
0x161: {  	[tilespmem:s26], [sflag:$0x1] =	stream.linear.gather [hbm4b:s12+s1], $0x2780, $0x38;
	[tilespmem:$0x9268] =	vst v63  }
0x162: {  	_ =	swait.ge [sflag:s21], $0x2780  }
0x163: {  	[sflag:s21] =	ssyncset.done $0x0  }
0x164: {  	s22 =	simm.s32 $0x0;
	[sflag:s21] =	ssyncadd.s32 $0xFFFFD880  }
0x165: {  	v0 =	vld [tilespmem:s22+$0x0]  }
0x166: {  	v1 =	vld [tilespmem:s22+$0x1400];
	_ =	sdelay $0x6  }
0x167: {  	v0 =	vld.idx.msk [tilespmem:v0+s25+$0x0], $0xffff  }
0x168: {  	v1 =	vld.idx.msk [tilespmem:v1+s26+$0x0], $0xffff;
	_ =	sdelay $0x4  }
0x169: {  	v0 =	vadd.f32 v1, v0;
	_ =	sdelay $0x1  }
0x16a: {  	v1 =	vmul.f32 $2.000000030e-01, v0  }
0x16b: {  	vm0 =	vge.f32 v0, $0.0e+00  }
0x16c: {  	v0 =	vsel vm0, v0, v1  }
0x16d: {  	v0 =	vmul.f32 $1.442695020e+00, v0;
	_ =	sdelay $0x1  }
0x16e: {  	(erf) = vpow2.f32 v0;
	_ =	sdelay $0x2  }
0x16f: {  	v44 =	vld [tilespmem:s22+$0x10]  }
0x170: {  	v45 =	vld [tilespmem:s22+$0x1410];
	_ =	sdelay $0x4  }
0x171: {  	v2 =	vpop (erf)  }
0x172: {  	[tilespmem:s22+$0x7700] =	vst v2  }
0x173: {  	v0 =	vld.idx.msk [tilespmem:v44+s25+$0x0], $0xffff  }
0x174: {  	v1 =	vld.idx.msk [tilespmem:v45+s26+$0x0], $0xffff;
	_ =	sdelay $0x4  }
0x175: {  	v0 =	vadd.f32 v1, v0;
	_ =	sdelay $0x1  }
0x176: {  	v1 =	vmul.f32 $2.000000030e-01, v0  }
0x177: {  	vm9 =	vge.f32 v0, $0.0e+00  }
0x178: {  	v0 =	vsel vm9, v0, v1  }
0x179: {  	v0 =	vmul.f32 $1.442695020e+00, v0;
	_ =	sdelay $0x1  }
0x17a: {  	(erf) = vpow2.f32 v0;
	_ =	sdelay $0x2  }
0x17b: {  	v46 =	vld [tilespmem:s22+$0x20]  }
0x17c: {  	v47 =	vld [tilespmem:s22+$0x1420];
	_ =	sdelay $0x4  }
0x17d: {  	v48 =	vpop (erf)  }
0x17e: {  	[tilespmem:s22+$0x7710] =	vst v48  }
0x17f: {  	v0 =	vld.idx.msk [tilespmem:v46+s25+$0x0], $0xffff  }
0x180: {  	v1 =	vld.idx.msk [tilespmem:v47+s26+$0x0], $0xffff;
	_ =	sdelay $0x4  }
0x181: {  	v0 =	vadd.f32 v1, v0;
	_ =	sdelay $0x1  }
0x182: {  	v1 =	vmul.f32 $2.000000030e-01, v0  }
0x183: {  	vm10 =	vge.f32 v0, $0.0e+00  }
0x184: {  	v0 =	vsel vm10, v0, v1  }
0x185: {  	v0 =	vmul.f32 $1.442695020e+00, v0;
	_ =	sdelay $0x1  }
0x186: {  	(erf) = vpow2.f32 v0;
	_ =	sdelay $0x2  }
0x187: {  	v49 =	vld [tilespmem:s22+$0x30]  }
0x188: {  	v50 =	vld [tilespmem:s22+$0x1430];
	_ =	sdelay $0x4  }
0x189: {  	v51 =	vpop (erf)  }
0x18a: {  	[tilespmem:s22+$0x7720] =	vst v51  }
0x18b: {  	v0 =	vld.idx.msk [tilespmem:v49+s25+$0x0], $0xffff  }
0x18c: {  	v1 =	vld.idx.msk [tilespmem:v50+s26+$0x0], $0xffff;
	_ =	sdelay $0x4  }
0x18d: {  	v0 =	vadd.f32 v1, v0;
	_ =	sdelay $0x1  }
0x18e: {  	v1 =	vmul.f32 $2.000000030e-01, v0  }
0x18f: {  	vm11 =	vge.f32 v0, $0.0e+00  }
0x190: {  	v0 =	vsel vm11, v0, v1  }
0x191: {  	v0 =	vmul.f32 $1.442695020e+00, v0;
	_ =	sdelay $0x1  }
0x192: {  	(erf) = vpow2.f32 v0;
	_ =	sdelay $0x2  }
0x193: {  	v52 =	vld [tilespmem:s22+$0x40]  }
0x194: {  	v53 =	vld [tilespmem:s22+$0x1440];
	_ =	sdelay $0x4  }
0x195: {  	v54 =	vpop (erf)  }
0x196: {  	[tilespmem:s22+$0x7730] =	vst v54  }
0x197: {  	v0 =	vld.idx.msk [tilespmem:v52+s25+$0x0], $0xffff  }
0x198: {  	v1 =	vld.idx.msk [tilespmem:v53+s26+$0x0], $0xffff;
	_ =	sdelay $0x4  }
0x199: {  	v0 =	vadd.f32 v1, v0;
	_ =	sdelay $0x1  }
0x19a: {  	v1 =	vmul.f32 $2.000000030e-01, v0  }
0x19b: {  	vm12 =	vge.f32 v0, $0.0e+00  }
0x19c: {  	v0 =	vsel vm12, v0, v1  }
0x19d: {  	v0 =	vmul.f32 $1.442695020e+00, v0;
	_ =	sdelay $0x1  }
0x19e: {  	(erf) = vpow2.f32 v0;
	_ =	sdelay $0x2  }
0x19f: {  	v55 =	vld [tilespmem:s22+$0x50]  }
0x1a0: {  	v56 =	vld [tilespmem:s22+$0x1450];
	_ =	sdelay $0x4  }
0x1a1: {  	v57 =	vpop (erf)  }
0x1a2: {  	[tilespmem:s22+$0x7740] =	vst v57  }
0x1a3: {  	v0 =	vld.idx.msk [tilespmem:v55+s25+$0x0], $0xffff  }
0x1a4: {  	v1 =	vld.idx.msk [tilespmem:v56+s26+$0x0], $0xffff;
	_ =	sdelay $0x4  }
0x1a5: {  	v0 =	vadd.f32 v1, v0;
	_ =	sdelay $0x1  }
0x1a6: {  	v1 =	vmul.f32 $2.000000030e-01, v0  }
0x1a7: {  	vm13 =	vge.f32 v0, $0.0e+00  }
0x1a8: {  	v0 =	vsel vm13, v0, v1  }
0x1a9: {  	v0 =	vmul.f32 $1.442695020e+00, v0;
	_ =	sdelay $0x1  }
0x1aa: {  	(erf) = vpow2.f32 v0;
	_ =	sdelay $0x2  }
0x1ab: {  	v58 =	vld [tilespmem:s22+$0x60]  }
0x1ac: {  	v59 =	vld [tilespmem:s22+$0x1460];
	_ =	sdelay $0x4  }
0x1ad: {  	v60 =	vpop (erf)  }
0x1ae: {  	[tilespmem:s22+$0x7750] =	vst v60  }
0x1af: {  	v0 =	vld.idx.msk [tilespmem:v58+s25+$0x0], $0xffff  }
0x1b0: {  	v1 =	vld.idx.msk [tilespmem:v59+s26+$0x0], $0xffff;
	_ =	sdelay $0x4  }
0x1b1: {  	v0 =	vadd.f32 v1, v0;
	_ =	sdelay $0x1  }
0x1b2: {  	v1 =	vmul.f32 $2.000000030e-01, v0  }
0x1b3: {  	vm14 =	vge.f32 v0, $0.0e+00  }
0x1b4: {  	v0 =	vsel vm14, v0, v1  }
0x1b5: {  	v0 =	vmul.f32 $1.442695020e+00, v0;
	_ =	sdelay $0x1  }
0x1b6: {  	(erf) = vpow2.f32 v0;
	_ =	sdelay $0x2  }
0x1b7: {  	v61 =	vld [tilespmem:s22+$0x70]  }
0x1b8: {  	v62 =	vld [tilespmem:s22+$0x1470];
	_ =	sdelay $0x4  }
0x1b9: {  	v63 =	vpop (erf)  }
0x1ba: {  	[tilespmem:s22+$0x7760] =	vst v63  }
0x1bb: {  	v0 =	vld.idx.msk [tilespmem:v61+s25+$0x0], $0xffff  }
0x1bc: {  	v1 =	vld.idx.msk [tilespmem:v62+s26+$0x0], $0xffff;
	_ =	sdelay $0x4  }
0x1bd: {  	v0 =	vadd.f32 v1, v0;
	_ =	sdelay $0x1  }
0x1be: {  	v1 =	vmul.f32 $2.000000030e-01, v0  }
0x1bf: {  	vm15 =	vge.f32 v0, $0.0e+00  }
0x1c0: {  	v0 =	vsel vm15, v0, v1  }
0x1c1: {  	v0 =	vmul.f32 $1.442695020e+00, v0;
	_ =	sdelay $0x1  }
0x1c2: {  	s5 =	simm.s32 $0x400;
	s7 =	simm.s32 $0x200;
	s1 =	simm.s32 $0x200;
	(erf) = vpow2.f32 v0  }
.LBB2_6:
0x1c3: {  	p1 =	sne.s32 s5, $0x4E00  }
0x1c4: {  	s8 =	sshra.s32 s7, $0x2;
	s7 =	smov.u32 s5;
	s5 =	sadd.s32 $0x200, s5  }
0x1c5: {  	v0 =	vld [tilespmem:s8+$0x0]  }
0x1c6: {  	v1 =	vld [tilespmem:s8+$0x1400];
	_ =	sdelay $0x4  }
0x1c7: {  	v2 =	vpop (erf)  }
0x1c8: {  	[tilespmem:s22+$0x7770] =	vst v2;
	s22 =	smov.u32 s8  }
0x1c9: {  	v0 =	vld.idx.msk [tilespmem:v0+s25+$0x0], $0xffff  }
0x1ca: {  	v1 =	vld.idx.msk [tilespmem:v1+s26+$0x0], $0xffff;
	_ =	sdelay $0x5  }
0x1cb: {  	v0 =	vadd.f32 v1, v0;
	_ =	sdelay $0x1  }
0x1cc: {  	vm0 =	vge.f32 v0, $0.0e+00;
	v1 =	vmul.f32 $2.000000030e-01, v0;
	_ =	sdelay $0x1  }
0x1cd: {  	v0 =	vsel vm0, v0, v1  }
0x1ce: {  	v0 =	vmul.f32 $1.442695020e+00, v0;
	_ =	sdelay $0x1  }
0x1cf: {  	(erf) = vpow2.f32 v0;
	_ =	sdelay $0x1  }
0x1d0: {  	v0 =	vld [tilespmem:s22+$0x1410]  }
0x1d1: {  	v1 =	vld [tilespmem:s22+$0x10];
	_ =	sdelay $0x5  }
0x1d2: {  	v2 =	vpop (erf)  }
0x1d3: {  	[tilespmem:s22+$0x7700] =	vst v2  }
0x1d4: {  	v1 =	vld.idx.msk [tilespmem:v1+s25+$0x0], $0xffff  }
0x1d5: {  	v0 =	vld.idx.msk [tilespmem:v0+s26+$0x0], $0xffff;
	_ =	sdelay $0x5  }
0x1d6: {  	v0 =	vadd.f32 v0, v1;
	_ =	sdelay $0x1  }
0x1d7: {  	vm0 =	vge.f32 v0, $0.0e+00;
	v1 =	vmul.f32 $2.000000030e-01, v0;
	_ =	sdelay $0x1  }
0x1d8: {  	v0 =	vsel vm0, v0, v1  }
0x1d9: {  	v0 =	vmul.f32 $1.442695020e+00, v0;
	_ =	sdelay $0x1  }
0x1da: {  	(erf) = vpow2.f32 v0;
	_ =	sdelay $0x1  }
0x1db: {  	v0 =	vld [tilespmem:s22+$0x1420]  }
0x1dc: {  	v1 =	vld [tilespmem:s22+$0x20];
	_ =	sdelay $0x5  }
0x1dd: {  	v2 =	vpop (erf)  }
0x1de: {  	[tilespmem:s22+$0x7710] =	vst v2  }
0x1df: {  	v1 =	vld.idx.msk [tilespmem:v1+s25+$0x0], $0xffff  }
0x1e0: {  	v0 =	vld.idx.msk [tilespmem:v0+s26+$0x0], $0xffff;
	_ =	sdelay $0x5  }
0x1e1: {  	v0 =	vadd.f32 v0, v1;
	_ =	sdelay $0x1  }
0x1e2: {  	vm0 =	vge.f32 v0, $0.0e+00;
	v1 =	vmul.f32 $2.000000030e-01, v0;
	_ =	sdelay $0x1  }
0x1e3: {  	v0 =	vsel vm0, v0, v1  }
0x1e4: {  	v0 =	vmul.f32 $1.442695020e+00, v0;
	_ =	sdelay $0x1  }
0x1e5: {  	(erf) = vpow2.f32 v0;
	_ =	sdelay $0x1  }
0x1e6: {  	v0 =	vld [tilespmem:s22+$0x1430]  }
0x1e7: {  	v1 =	vld [tilespmem:s22+$0x30];
	_ =	sdelay $0x5  }
0x1e8: {  	v2 =	vpop (erf)  }
0x1e9: {  	[tilespmem:s22+$0x7720] =	vst v2  }
0x1ea: {  	v1 =	vld.idx.msk [tilespmem:v1+s25+$0x0], $0xffff  }
0x1eb: {  	v0 =	vld.idx.msk [tilespmem:v0+s26+$0x0], $0xffff;
	_ =	sdelay $0x5  }
0x1ec: {  	v0 =	vadd.f32 v0, v1;
	_ =	sdelay $0x1  }
0x1ed: {  	vm0 =	vge.f32 v0, $0.0e+00;
	v1 =	vmul.f32 $2.000000030e-01, v0;
	_ =	sdelay $0x1  }
0x1ee: {  	v0 =	vsel vm0, v0, v1  }
0x1ef: {  	v0 =	vmul.f32 $1.442695020e+00, v0;
	_ =	sdelay $0x1  }
0x1f0: {  	(erf) = vpow2.f32 v0;
	_ =	sdelay $0x1  }
0x1f1: {  	v0 =	vld [tilespmem:s22+$0x1440]  }
0x1f2: {  	v1 =	vld [tilespmem:s22+$0x40];
	_ =	sdelay $0x5  }
0x1f3: {  	v2 =	vpop (erf)  }
0x1f4: {  	[tilespmem:s22+$0x7730] =	vst v2  }
0x1f5: {  	v1 =	vld.idx.msk [tilespmem:v1+s25+$0x0], $0xffff  }
0x1f6: {  	v0 =	vld.idx.msk [tilespmem:v0+s26+$0x0], $0xffff;
	_ =	sdelay $0x5  }
0x1f7: {  	v0 =	vadd.f32 v0, v1;
	_ =	sdelay $0x1  }
0x1f8: {  	vm0 =	vge.f32 v0, $0.0e+00;
	v1 =	vmul.f32 $2.000000030e-01, v0;
	_ =	sdelay $0x1  }
0x1f9: {  	v0 =	vsel vm0, v0, v1  }
0x1fa: {  	v0 =	vmul.f32 $1.442695020e+00, v0;
	_ =	sdelay $0x1  }
0x1fb: {  	(erf) = vpow2.f32 v0;
	_ =	sdelay $0x1  }
0x1fc: {  	v0 =	vld [tilespmem:s22+$0x1450]  }
0x1fd: {  	v1 =	vld [tilespmem:s22+$0x50];
	_ =	sdelay $0x5  }
0x1fe: {  	v2 =	vpop (erf)  }
0x1ff: {  	[tilespmem:s22+$0x7740] =	vst v2  }
0x200: {  	v1 =	vld.idx.msk [tilespmem:v1+s25+$0x0], $0xffff  }
0x201: {  	v0 =	vld.idx.msk [tilespmem:v0+s26+$0x0], $0xffff;
	_ =	sdelay $0x5  }
0x202: {  	v0 =	vadd.f32 v0, v1;
	_ =	sdelay $0x1  }
0x203: {  	vm0 =	vge.f32 v0, $0.0e+00;
	v1 =	vmul.f32 $2.000000030e-01, v0;
	_ =	sdelay $0x1  }
0x204: {  	v0 =	vsel vm0, v0, v1  }
0x205: {  	v0 =	vmul.f32 $1.442695020e+00, v0;
	_ =	sdelay $0x1  }
0x206: {  	(erf) = vpow2.f32 v0;
	_ =	sdelay $0x1  }
0x207: {  	v0 =	vld [tilespmem:s22+$0x1460]  }
0x208: {  	v1 =	vld [tilespmem:s22+$0x60];
	_ =	sdelay $0x5  }
0x209: {  	v2 =	vpop (erf)  }
0x20a: {  	[tilespmem:s22+$0x7750] =	vst v2  }
0x20b: {  	v1 =	vld.idx.msk [tilespmem:v1+s25+$0x0], $0xffff  }
0x20c: {  	v0 =	vld.idx.msk [tilespmem:v0+s26+$0x0], $0xffff;
	_ =	sdelay $0x5  }
0x20d: {  	v0 =	vadd.f32 v0, v1;
	_ =	sdelay $0x1  }
0x20e: {  	vm0 =	vge.f32 v0, $0.0e+00;
	v1 =	vmul.f32 $2.000000030e-01, v0;
	_ =	sdelay $0x1  }
0x20f: {  	v0 =	vsel vm0, v0, v1  }
0x210: {  	v0 =	vmul.f32 $1.442695020e+00, v0;
	_ =	sdelay $0x1  }
0x211: {  	(erf) = vpow2.f32 v0;
	_ =	sdelay $0x1  }
0x212: {  	v0 =	vld [tilespmem:s22+$0x1470]  }
0x213: {  	v1 =	vld [tilespmem:s22+$0x70];
	_ =	sdelay $0x5  }
0x214: {  	v2 =	vpop (erf)  }
0x215: {  	[tilespmem:s22+$0x7760] =	vst v2  }
0x216: {  	v1 =	vld.idx.msk [tilespmem:v1+s25+$0x0], $0xffff  }
0x217: {  	v0 =	vld.idx.msk [tilespmem:v0+s26+$0x0], $0xffff;
	_ =	sdelay $0x5  }
0x218: {  	v0 =	vadd.f32 v0, v1;
	_ =	sdelay $0x1  }
0x219: {  	vm0 =	vge.f32 v0, $0.0e+00;
	v1 =	vmul.f32 $2.000000030e-01, v0  }
.Ltmp2:
0x21a: {  	(pc) =	sbr.rel @p1 .LBB2_6-.Ltmp2, $3  }
0x21b: {  	v0 =	vsel vm0, v0, v1  }
0x21c: {  	v0 =	vmul.f32 $1.442695020e+00, v0;
	_ =	sdelay $0x1  }
0x21d: {  	(erf) = vpow2.f32 v0  }
0x21e: {  	_ = 	snop  }
0x21f: {  	s5 =	sshra.s32 s7, $0x2  }
0x220: {  	v0 =	vld [tilespmem:s5+$0x0]  }
0x221: {  	v1 =	vld [tilespmem:s5+$0x1400];
	_ =	sdelay $0x4  }
0x222: {  	v2 =	vpop (erf)  }
0x223: {  	[tilespmem:s22+$0x7770] =	vst v2  }
0x224: {  	v0 =	vld.idx.msk [tilespmem:v0+s25+$0x0], $0xffff  }
0x225: {  	v1 =	vld.idx.msk [tilespmem:v1+s26+$0x0], $0xffff;
	_ =	sdelay $0x4  }
0x226: {  	v0 =	vadd.f32 v1, v0;
	_ =	sdelay $0x1  }
0x227: {  	v1 =	vmul.f32 $2.000000030e-01, v0  }
0x228: {  	vm0 =	vge.f32 v0, $0.0e+00  }
0x229: {  	v0 =	vsel vm0, v0, v1  }
0x22a: {  	v0 =	vmul.f32 $1.442695020e+00, v0;
	_ =	sdelay $0x1  }
0x22b: {  	(erf) = vpow2.f32 v0;
	_ =	sdelay $0x2  }
0x22c: {  	v43 =	vld [tilespmem:s5+$0x10]  }
0x22d: {  	v44 =	vld [tilespmem:s5+$0x1410];
	_ =	sdelay $0x4  }
0x22e: {  	v45 =	vpop (erf)  }
0x22f: {  	[tilespmem:s5+$0x7700] =	vst v45  }
0x230: {  	v0 =	vld.idx.msk [tilespmem:v43+s25+$0x0], $0xffff  }
0x231: {  	v1 =	vld.idx.msk [tilespmem:v44+s26+$0x0], $0xffff;
	_ =	sdelay $0x4  }
0x232: {  	v0 =	vadd.f32 v1, v0;
	_ =	sdelay $0x1  }
0x233: {  	v1 =	vmul.f32 $2.000000030e-01, v0  }
0x234: {  	vm9 =	vge.f32 v0, $0.0e+00  }
0x235: {  	v0 =	vsel vm9, v0, v1  }
0x236: {  	v0 =	vmul.f32 $1.442695020e+00, v0;
	_ =	sdelay $0x1  }
0x237: {  	(erf) = vpow2.f32 v0;
	_ =	sdelay $0x2  }
0x238: {  	v46 =	vld [tilespmem:s5+$0x20]  }
0x239: {  	v47 =	vld [tilespmem:s5+$0x1420];
	_ =	sdelay $0x4  }
0x23a: {  	v48 =	vpop (erf)  }
0x23b: {  	[tilespmem:s5+$0x7710] =	vst v48  }
0x23c: {  	v0 =	vld.idx.msk [tilespmem:v46+s25+$0x0], $0xffff  }
0x23d: {  	v1 =	vld.idx.msk [tilespmem:v47+s26+$0x0], $0xffff;
	_ =	sdelay $0x4  }
0x23e: {  	v0 =	vadd.f32 v1, v0;
	_ =	sdelay $0x1  }
0x23f: {  	v1 =	vmul.f32 $2.000000030e-01, v0  }
0x240: {  	vm10 =	vge.f32 v0, $0.0e+00  }
0x241: {  	v0 =	vsel vm10, v0, v1  }
0x242: {  	v0 =	vmul.f32 $1.442695020e+00, v0;
	_ =	sdelay $0x1  }
0x243: {  	(erf) = vpow2.f32 v0;
	_ =	sdelay $0x2  }
0x244: {  	v49 =	vld [tilespmem:s5+$0x30]  }
0x245: {  	v50 =	vld [tilespmem:s5+$0x1430];
	_ =	sdelay $0x4  }
0x246: {  	v51 =	vpop (erf)  }
0x247: {  	[tilespmem:s5+$0x7720] =	vst v51  }
0x248: {  	v0 =	vld.idx.msk [tilespmem:v49+s25+$0x0], $0xffff  }
0x249: {  	v1 =	vld.idx.msk [tilespmem:v50+s26+$0x0], $0xffff;
	_ =	sdelay $0x4  }
0x24a: {  	v0 =	vadd.f32 v1, v0;
	_ =	sdelay $0x1  }
0x24b: {  	v1 =	vmul.f32 $2.000000030e-01, v0  }
0x24c: {  	vm11 =	vge.f32 v0, $0.0e+00  }
0x24d: {  	v0 =	vsel vm11, v0, v1  }
0x24e: {  	v0 =	vmul.f32 $1.442695020e+00, v0;
	_ =	sdelay $0x1  }
0x24f: {  	(erf) = vpow2.f32 v0;
	_ =	sdelay $0x2  }
0x250: {  	v52 =	vld [tilespmem:s5+$0x40]  }
0x251: {  	v53 =	vld [tilespmem:s5+$0x1440];
	_ =	sdelay $0x4  }
0x252: {  	v54 =	vpop (erf)  }
0x253: {  	[tilespmem:s5+$0x7730] =	vst v54  }
0x254: {  	v0 =	vld.idx.msk [tilespmem:v52+s25+$0x0], $0xffff  }
0x255: {  	v1 =	vld.idx.msk [tilespmem:v53+s26+$0x0], $0xffff;
	_ =	sdelay $0x4  }
0x256: {  	v0 =	vadd.f32 v1, v0;
	_ =	sdelay $0x1  }
0x257: {  	v1 =	vmul.f32 $2.000000030e-01, v0  }
0x258: {  	vm12 =	vge.f32 v0, $0.0e+00  }
0x259: {  	v0 =	vsel vm12, v0, v1  }
0x25a: {  	v0 =	vmul.f32 $1.442695020e+00, v0;
	_ =	sdelay $0x1  }
0x25b: {  	(erf) = vpow2.f32 v0;
	_ =	sdelay $0x2  }
0x25c: {  	v55 =	vld [tilespmem:s5+$0x50]  }
0x25d: {  	v56 =	vld [tilespmem:s5+$0x1450];
	_ =	sdelay $0x4  }
0x25e: {  	v57 =	vpop (erf)  }
0x25f: {  	[tilespmem:s5+$0x7740] =	vst v57  }
0x260: {  	v0 =	vld.idx.msk [tilespmem:v55+s25+$0x0], $0xffff  }
0x261: {  	v1 =	vld.idx.msk [tilespmem:v56+s26+$0x0], $0xffff;
	_ =	sdelay $0x4  }
0x262: {  	v0 =	vadd.f32 v1, v0;
	_ =	sdelay $0x1  }
0x263: {  	v1 =	vmul.f32 $2.000000030e-01, v0  }
0x264: {  	vm13 =	vge.f32 v0, $0.0e+00  }
0x265: {  	v0 =	vsel vm13, v0, v1  }
0x266: {  	v0 =	vmul.f32 $1.442695020e+00, v0;
	_ =	sdelay $0x1  }
0x267: {  	(erf) = vpow2.f32 v0;
	_ =	sdelay $0x2  }
0x268: {  	v58 =	vld [tilespmem:s5+$0x60]  }
0x269: {  	v59 =	vld [tilespmem:s5+$0x1460];
	_ =	sdelay $0x4  }
0x26a: {  	v60 =	vpop (erf)  }
0x26b: {  	[tilespmem:s5+$0x7750] =	vst v60  }
0x26c: {  	v0 =	vld.idx.msk [tilespmem:v58+s25+$0x0], $0xffff  }
0x26d: {  	v1 =	vld.idx.msk [tilespmem:v59+s26+$0x0], $0xffff;
	_ =	sdelay $0x4  }
0x26e: {  	v0 =	vadd.f32 v1, v0;
	_ =	sdelay $0x1  }
0x26f: {  	v1 =	vmul.f32 $2.000000030e-01, v0  }
0x270: {  	vm14 =	vge.f32 v0, $0.0e+00  }
0x271: {  	v0 =	vsel vm14, v0, v1  }
0x272: {  	v0 =	vmul.f32 $1.442695020e+00, v0;
	_ =	sdelay $0x1  }
0x273: {  	(erf) = vpow2.f32 v0;
	_ =	sdelay $0x2  }
0x274: {  	v61 =	vld [tilespmem:s5+$0x70]  }
0x275: {  	v62 =	vld [tilespmem:s5+$0x1470];
	_ =	sdelay $0x4  }
0x276: {  	v63 =	vpop (erf)  }
0x277: {  	[tilespmem:s5+$0x7760] =	vst v63  }
0x278: {  	v0 =	vld.idx.msk [tilespmem:v61+s25+$0x0], $0xffff  }
0x279: {  	v1 =	vld.idx.msk [tilespmem:v62+s26+$0x0], $0xffff;
	_ =	sdelay $0x4  }
0x27a: {  	v0 =	vadd.f32 v1, v0;
	_ =	sdelay $0x1  }
0x27b: {  	v1 =	vmul.f32 $2.000000030e-01, v0  }
0x27c: {  	vm15 =	vge.f32 v0, $0.0e+00  }
0x27d: {  	v0 =	vsel vm15, v0, v1  }
0x27e: {  	v0 =	vmul.f32 $1.442695020e+00, v0;
	_ =	sdelay $0x1  }
0x27f: {  	(erf) = vpow2.f32 v0;
	_ =	sdelay $0x8  }
0x280: {  	v0 =	vpop (erf)  }
0x281: {  	s8 =	simm.s32 $0x7700;
	s22 =	simm.s32 $0x1400;
	[tilespmem:s5+$0x7770] =	vst v0  }
0x282: {  	[spmem:s2] =	stream.indirect.scatter.add.f32 [tilespmem:s8], [sflag:$0x1], $0x1, s22, s28, $0xb8;
	[tilespmem:$0x9268] =	vst v63  }
0x283: {  	_ =	swait.ge [sflag:s21], $0x80  }
.LBB2_8:
0x284: {  	s5 =	sshra.s32 s1, $0x2  }
0x285: {  	[sflag:s21] =	ssyncset.done $0x0;
	p1 =	sne.s32 s1, $0x4E00;
	s7 =	sadd.s32 $0x7700, s5  }
.Ltmp3:
0x286: {  	s5 =	sadd.s32 $0x1400, s5;
	[sflag:s21] =	ssyncadd.s32 $0xFFFFFF80;
	(pc) =	sbr.rel @p1 .LBB2_8-.Ltmp3, $3  }
0x287: {  	[spmem:s2] =	stream.indirect.scatter.add.f32 [tilespmem:s7], [sflag:$0x1], $0x1, s5, s28, $0xb8;
	[tilespmem:$0x9268] =	vst v63  }
0x288: {  	s1 =	sadd.s32 $0x200, s1;
	_ =	sdelay $0x1  }
0x289: {  	_ =	swait.ge [sflag:s21], $0x80  }
0x28a: {  	[sflag:s21] =	ssyncset.done $0x0  }
0x28b: {  	s1 =	simm.s32 $0x0;
	[sflag:s21] =	ssyncadd.s32 $0xFFFFFF80  }
0x28c: {  	[hbm4b:s13+s1] =	stream.linear.scatter [tilespmem:s29], [sflag:$0x1], $0x1400, $0x38;
	[tilespmem:$0x9268] =	vst v63  }
0x28d: {  	_ =	swait.ge [sflag:s21], $0x1400  }
0x28e: {  	[sflag:s21] =	ssyncset.done $0x0  }
0x28f: {  	[sflag:s21] =	ssyncadd.s32 $0xFFFFEC00  }
0x290: {  	[tilespmem:s25], [sflag:$0x1] =	stream.linear.gather [hbm4b:s14+s1], $0x2780, $0x38;
	[tilespmem:$0x9268] =	vst v63  }
0x291: {  	_ =	swait.ge [sflag:s21], $0x2780  }
0x292: {  	[sflag:s21] =	ssyncset.done $0x0  }
0x293: {  	[sflag:s21] =	ssyncadd.s32 $0xFFFFD880  }
0x294: {  	[tilespmem:s26], [sflag:$0x1] =	stream.linear.gather [hbm4b:s15+s1], $0x2780, $0x38;
	[tilespmem:$0x9268] =	vst v63  }
0x295: {  	_ =	swait.ge [sflag:s21], $0x2780  }
0x296: {  	[sflag:s21] =	ssyncset.done $0x0  }
0x297: {  	s22 =	simm.s32 $0x0;
	[sflag:s21] =	ssyncadd.s32 $0xFFFFD880  }
0x298: {  	v0 =	vld [tilespmem:s22+$0x0]  }
0x299: {  	v1 =	vld [tilespmem:s22+$0x1400];
	_ =	sdelay $0x6  }
0x29a: {  	v0 =	vld.idx.msk [tilespmem:v0+s25+$0x0], $0xffff  }
0x29b: {  	v1 =	vld.idx.msk [tilespmem:v1+s26+$0x0], $0xffff;
	_ =	sdelay $0x4  }
0x29c: {  	v0 =	vadd.f32 v1, v0;
	_ =	sdelay $0x1  }
0x29d: {  	v1 =	vmul.f32 $2.000000030e-01, v0  }
0x29e: {  	vm0 =	vge.f32 v0, $0.0e+00  }
0x29f: {  	v0 =	vsel vm0, v0, v1  }
0x2a0: {  	v0 =	vmul.f32 $1.442695020e+00, v0;
	_ =	sdelay $0x1  }
0x2a1: {  	(erf) = vpow2.f32 v0;
	_ =	sdelay $0x2  }
0x2a2: {  	v44 =	vld [tilespmem:s22+$0x10]  }
0x2a3: {  	v45 =	vld [tilespmem:s22+$0x1410];
	_ =	sdelay $0x4  }
0x2a4: {  	v2 =	vpop (erf)  }
0x2a5: {  	[tilespmem:s22+$0x7700] =	vst v2  }
0x2a6: {  	v0 =	vld.idx.msk [tilespmem:v44+s25+$0x0], $0xffff  }
0x2a7: {  	v1 =	vld.idx.msk [tilespmem:v45+s26+$0x0], $0xffff;
	_ =	sdelay $0x4  }
0x2a8: {  	v0 =	vadd.f32 v1, v0;
	_ =	sdelay $0x1  }
0x2a9: {  	v1 =	vmul.f32 $2.000000030e-01, v0  }
0x2aa: {  	vm9 =	vge.f32 v0, $0.0e+00  }
0x2ab: {  	v0 =	vsel vm9, v0, v1  }
0x2ac: {  	v0 =	vmul.f32 $1.442695020e+00, v0;
	_ =	sdelay $0x1  }
0x2ad: {  	(erf) = vpow2.f32 v0;
	_ =	sdelay $0x2  }
0x2ae: {  	v46 =	vld [tilespmem:s22+$0x20]  }
0x2af: {  	v47 =	vld [tilespmem:s22+$0x1420];
	_ =	sdelay $0x4  }
0x2b0: {  	v48 =	vpop (erf)  }
0x2b1: {  	[tilespmem:s22+$0x7710] =	vst v48  }
0x2b2: {  	v0 =	vld.idx.msk [tilespmem:v46+s25+$0x0], $0xffff  }
0x2b3: {  	v1 =	vld.idx.msk [tilespmem:v47+s26+$0x0], $0xffff;
	_ =	sdelay $0x4  }
0x2b4: {  	v0 =	vadd.f32 v1, v0;
	_ =	sdelay $0x1  }
0x2b5: {  	v1 =	vmul.f32 $2.000000030e-01, v0  }
0x2b6: {  	vm10 =	vge.f32 v0, $0.0e+00  }
0x2b7: {  	v0 =	vsel vm10, v0, v1  }
0x2b8: {  	v0 =	vmul.f32 $1.442695020e+00, v0;
	_ =	sdelay $0x1  }
0x2b9: {  	(erf) = vpow2.f32 v0;
	_ =	sdelay $0x2  }
0x2ba: {  	v49 =	vld [tilespmem:s22+$0x30]  }
0x2bb: {  	v50 =	vld [tilespmem:s22+$0x1430];
	_ =	sdelay $0x4  }
0x2bc: {  	v51 =	vpop (erf)  }
0x2bd: {  	[tilespmem:s22+$0x7720] =	vst v51  }
0x2be: {  	v0 =	vld.idx.msk [tilespmem:v49+s25+$0x0], $0xffff  }
0x2bf: {  	v1 =	vld.idx.msk [tilespmem:v50+s26+$0x0], $0xffff;
	_ =	sdelay $0x4  }
0x2c0: {  	v0 =	vadd.f32 v1, v0;
	_ =	sdelay $0x1  }
0x2c1: {  	v1 =	vmul.f32 $2.000000030e-01, v0  }
0x2c2: {  	vm11 =	vge.f32 v0, $0.0e+00  }
0x2c3: {  	v0 =	vsel vm11, v0, v1  }
0x2c4: {  	v0 =	vmul.f32 $1.442695020e+00, v0;
	_ =	sdelay $0x1  }
0x2c5: {  	(erf) = vpow2.f32 v0;
	_ =	sdelay $0x2  }
0x2c6: {  	v52 =	vld [tilespmem:s22+$0x40]  }
0x2c7: {  	v53 =	vld [tilespmem:s22+$0x1440];
	_ =	sdelay $0x4  }
0x2c8: {  	v54 =	vpop (erf)  }
0x2c9: {  	[tilespmem:s22+$0x7730] =	vst v54  }
0x2ca: {  	v0 =	vld.idx.msk [tilespmem:v52+s25+$0x0], $0xffff  }
0x2cb: {  	v1 =	vld.idx.msk [tilespmem:v53+s26+$0x0], $0xffff;
	_ =	sdelay $0x4  }
0x2cc: {  	v0 =	vadd.f32 v1, v0;
	_ =	sdelay $0x1  }
0x2cd: {  	v1 =	vmul.f32 $2.000000030e-01, v0  }
0x2ce: {  	vm12 =	vge.f32 v0, $0.0e+00  }
0x2cf: {  	v0 =	vsel vm12, v0, v1  }
0x2d0: {  	v0 =	vmul.f32 $1.442695020e+00, v0;
	_ =	sdelay $0x1  }
0x2d1: {  	(erf) = vpow2.f32 v0;
	_ =	sdelay $0x2  }
0x2d2: {  	v55 =	vld [tilespmem:s22+$0x50]  }
0x2d3: {  	v56 =	vld [tilespmem:s22+$0x1450];
	_ =	sdelay $0x4  }
0x2d4: {  	v57 =	vpop (erf)  }
0x2d5: {  	[tilespmem:s22+$0x7740] =	vst v57  }
0x2d6: {  	v0 =	vld.idx.msk [tilespmem:v55+s25+$0x0], $0xffff  }
0x2d7: {  	v1 =	vld.idx.msk [tilespmem:v56+s26+$0x0], $0xffff;
	_ =	sdelay $0x4  }
0x2d8: {  	v0 =	vadd.f32 v1, v0;
	_ =	sdelay $0x1  }
0x2d9: {  	v1 =	vmul.f32 $2.000000030e-01, v0  }
0x2da: {  	vm13 =	vge.f32 v0, $0.0e+00  }
0x2db: {  	v0 =	vsel vm13, v0, v1  }
0x2dc: {  	v0 =	vmul.f32 $1.442695020e+00, v0;
	_ =	sdelay $0x1  }
0x2dd: {  	(erf) = vpow2.f32 v0;
	_ =	sdelay $0x2  }
0x2de: {  	v58 =	vld [tilespmem:s22+$0x60]  }
0x2df: {  	v59 =	vld [tilespmem:s22+$0x1460];
	_ =	sdelay $0x4  }
0x2e0: {  	v60 =	vpop (erf)  }
0x2e1: {  	[tilespmem:s22+$0x7750] =	vst v60  }
0x2e2: {  	v0 =	vld.idx.msk [tilespmem:v58+s25+$0x0], $0xffff  }
0x2e3: {  	v1 =	vld.idx.msk [tilespmem:v59+s26+$0x0], $0xffff;
	_ =	sdelay $0x4  }
0x2e4: {  	v0 =	vadd.f32 v1, v0;
	_ =	sdelay $0x1  }
0x2e5: {  	v1 =	vmul.f32 $2.000000030e-01, v0  }
0x2e6: {  	vm14 =	vge.f32 v0, $0.0e+00  }
0x2e7: {  	v0 =	vsel vm14, v0, v1  }
0x2e8: {  	v0 =	vmul.f32 $1.442695020e+00, v0;
	_ =	sdelay $0x1  }
0x2e9: {  	(erf) = vpow2.f32 v0;
	_ =	sdelay $0x2  }
0x2ea: {  	v61 =	vld [tilespmem:s22+$0x70]  }
0x2eb: {  	v62 =	vld [tilespmem:s22+$0x1470];
	_ =	sdelay $0x4  }
0x2ec: {  	v63 =	vpop (erf)  }
0x2ed: {  	[tilespmem:s22+$0x7760] =	vst v63  }
0x2ee: {  	v0 =	vld.idx.msk [tilespmem:v61+s25+$0x0], $0xffff  }
0x2ef: {  	v1 =	vld.idx.msk [tilespmem:v62+s26+$0x0], $0xffff;
	_ =	sdelay $0x4  }
0x2f0: {  	v0 =	vadd.f32 v1, v0;
	_ =	sdelay $0x1  }
0x2f1: {  	v1 =	vmul.f32 $2.000000030e-01, v0  }
0x2f2: {  	vm15 =	vge.f32 v0, $0.0e+00  }
0x2f3: {  	v0 =	vsel vm15, v0, v1  }
0x2f4: {  	v0 =	vmul.f32 $1.442695020e+00, v0;
	_ =	sdelay $0x1  }
0x2f5: {  	s5 =	simm.s32 $0x400;
	s7 =	simm.s32 $0x200;
	s1 =	simm.s32 $0x200;
	(erf) = vpow2.f32 v0  }
.LBB2_10:
0x2f6: {  	p1 =	sne.s32 s5, $0x4E00  }
0x2f7: {  	s8 =	sshra.s32 s7, $0x2;
	s7 =	smov.u32 s5;
	s5 =	sadd.s32 $0x200, s5  }
0x2f8: {  	v0 =	vld [tilespmem:s8+$0x0]  }
0x2f9: {  	v1 =	vld [tilespmem:s8+$0x1400];
	_ =	sdelay $0x4  }
0x2fa: {  	v2 =	vpop (erf)  }
0x2fb: {  	[tilespmem:s22+$0x7770] =	vst v2;
	s22 =	smov.u32 s8  }
0x2fc: {  	v0 =	vld.idx.msk [tilespmem:v0+s25+$0x0], $0xffff  }
0x2fd: {  	v1 =	vld.idx.msk [tilespmem:v1+s26+$0x0], $0xffff;
	_ =	sdelay $0x5  }
0x2fe: {  	v0 =	vadd.f32 v1, v0;
	_ =	sdelay $0x1  }
0x2ff: {  	vm0 =	vge.f32 v0, $0.0e+00;
	v1 =	vmul.f32 $2.000000030e-01, v0;
	_ =	sdelay $0x1  }
0x300: {  	v0 =	vsel vm0, v0, v1  }
0x301: {  	v0 =	vmul.f32 $1.442695020e+00, v0;
	_ =	sdelay $0x1  }
0x302: {  	(erf) = vpow2.f32 v0;
	_ =	sdelay $0x1  }
0x303: {  	v0 =	vld [tilespmem:s22+$0x1410]  }
0x304: {  	v1 =	vld [tilespmem:s22+$0x10];
	_ =	sdelay $0x5  }
0x305: {  	v2 =	vpop (erf)  }
0x306: {  	[tilespmem:s22+$0x7700] =	vst v2  }
0x307: {  	v1 =	vld.idx.msk [tilespmem:v1+s25+$0x0], $0xffff  }
0x308: {  	v0 =	vld.idx.msk [tilespmem:v0+s26+$0x0], $0xffff;
	_ =	sdelay $0x5  }
0x309: {  	v0 =	vadd.f32 v0, v1;
	_ =	sdelay $0x1  }
0x30a: {  	vm0 =	vge.f32 v0, $0.0e+00;
	v1 =	vmul.f32 $2.000000030e-01, v0;
	_ =	sdelay $0x1  }
0x30b: {  	v0 =	vsel vm0, v0, v1  }
0x30c: {  	v0 =	vmul.f32 $1.442695020e+00, v0;
	_ =	sdelay $0x1  }
0x30d: {  	(erf) = vpow2.f32 v0;
	_ =	sdelay $0x1  }
0x30e: {  	v0 =	vld [tilespmem:s22+$0x1420]  }
0x30f: {  	v1 =	vld [tilespmem:s22+$0x20];
	_ =	sdelay $0x5  }
0x310: {  	v2 =	vpop (erf)  }
0x311: {  	[tilespmem:s22+$0x7710] =	vst v2  }
0x312: {  	v1 =	vld.idx.msk [tilespmem:v1+s25+$0x0], $0xffff  }
0x313: {  	v0 =	vld.idx.msk [tilespmem:v0+s26+$0x0], $0xffff;
	_ =	sdelay $0x5  }
0x314: {  	v0 =	vadd.f32 v0, v1;
	_ =	sdelay $0x1  }
0x315: {  	vm0 =	vge.f32 v0, $0.0e+00;
	v1 =	vmul.f32 $2.000000030e-01, v0;
	_ =	sdelay $0x1  }
0x316: {  	v0 =	vsel vm0, v0, v1  }
0x317: {  	v0 =	vmul.f32 $1.442695020e+00, v0;
	_ =	sdelay $0x1  }
0x318: {  	(erf) = vpow2.f32 v0;
	_ =	sdelay $0x1  }
0x319: {  	v0 =	vld [tilespmem:s22+$0x1430]  }
0x31a: {  	v1 =	vld [tilespmem:s22+$0x30];
	_ =	sdelay $0x5  }
0x31b: {  	v2 =	vpop (erf)  }
0x31c: {  	[tilespmem:s22+$0x7720] =	vst v2  }
0x31d: {  	v1 =	vld.idx.msk [tilespmem:v1+s25+$0x0], $0xffff  }
0x31e: {  	v0 =	vld.idx.msk [tilespmem:v0+s26+$0x0], $0xffff;
	_ =	sdelay $0x5  }
0x31f: {  	v0 =	vadd.f32 v0, v1;
	_ =	sdelay $0x1  }
0x320: {  	vm0 =	vge.f32 v0, $0.0e+00;
	v1 =	vmul.f32 $2.000000030e-01, v0;
	_ =	sdelay $0x1  }
0x321: {  	v0 =	vsel vm0, v0, v1  }
0x322: {  	v0 =	vmul.f32 $1.442695020e+00, v0;
	_ =	sdelay $0x1  }
0x323: {  	(erf) = vpow2.f32 v0;
	_ =	sdelay $0x1  }
0x324: {  	v0 =	vld [tilespmem:s22+$0x1440]  }
0x325: {  	v1 =	vld [tilespmem:s22+$0x40];
	_ =	sdelay $0x5  }
0x326: {  	v2 =	vpop (erf)  }
0x327: {  	[tilespmem:s22+$0x7730] =	vst v2  }
0x328: {  	v1 =	vld.idx.msk [tilespmem:v1+s25+$0x0], $0xffff  }
0x329: {  	v0 =	vld.idx.msk [tilespmem:v0+s26+$0x0], $0xffff;
	_ =	sdelay $0x5  }
0x32a: {  	v0 =	vadd.f32 v0, v1;
	_ =	sdelay $0x1  }
0x32b: {  	vm0 =	vge.f32 v0, $0.0e+00;
	v1 =	vmul.f32 $2.000000030e-01, v0;
	_ =	sdelay $0x1  }
0x32c: {  	v0 =	vsel vm0, v0, v1  }
0x32d: {  	v0 =	vmul.f32 $1.442695020e+00, v0;
	_ =	sdelay $0x1  }
0x32e: {  	(erf) = vpow2.f32 v0;
	_ =	sdelay $0x1  }
0x32f: {  	v0 =	vld [tilespmem:s22+$0x1450]  }
0x330: {  	v1 =	vld [tilespmem:s22+$0x50];
	_ =	sdelay $0x5  }
0x331: {  	v2 =	vpop (erf)  }
0x332: {  	[tilespmem:s22+$0x7740] =	vst v2  }
0x333: {  	v1 =	vld.idx.msk [tilespmem:v1+s25+$0x0], $0xffff  }
0x334: {  	v0 =	vld.idx.msk [tilespmem:v0+s26+$0x0], $0xffff;
	_ =	sdelay $0x5  }
0x335: {  	v0 =	vadd.f32 v0, v1;
	_ =	sdelay $0x1  }
0x336: {  	vm0 =	vge.f32 v0, $0.0e+00;
	v1 =	vmul.f32 $2.000000030e-01, v0;
	_ =	sdelay $0x1  }
0x337: {  	v0 =	vsel vm0, v0, v1  }
0x338: {  	v0 =	vmul.f32 $1.442695020e+00, v0;
	_ =	sdelay $0x1  }
0x339: {  	(erf) = vpow2.f32 v0;
	_ =	sdelay $0x1  }
0x33a: {  	v0 =	vld [tilespmem:s22+$0x1460]  }
0x33b: {  	v1 =	vld [tilespmem:s22+$0x60];
	_ =	sdelay $0x5  }
0x33c: {  	v2 =	vpop (erf)  }
0x33d: {  	[tilespmem:s22+$0x7750] =	vst v2  }
0x33e: {  	v1 =	vld.idx.msk [tilespmem:v1+s25+$0x0], $0xffff  }
0x33f: {  	v0 =	vld.idx.msk [tilespmem:v0+s26+$0x0], $0xffff;
	_ =	sdelay $0x5  }
0x340: {  	v0 =	vadd.f32 v0, v1;
	_ =	sdelay $0x1  }
0x341: {  	vm0 =	vge.f32 v0, $0.0e+00;
	v1 =	vmul.f32 $2.000000030e-01, v0;
	_ =	sdelay $0x1  }
0x342: {  	v0 =	vsel vm0, v0, v1  }
0x343: {  	v0 =	vmul.f32 $1.442695020e+00, v0;
	_ =	sdelay $0x1  }
0x344: {  	(erf) = vpow2.f32 v0;
	_ =	sdelay $0x1  }
0x345: {  	v0 =	vld [tilespmem:s22+$0x1470]  }
0x346: {  	v1 =	vld [tilespmem:s22+$0x70];
	_ =	sdelay $0x5  }
0x347: {  	v2 =	vpop (erf)  }
0x348: {  	[tilespmem:s22+$0x7760] =	vst v2  }
0x349: {  	v1 =	vld.idx.msk [tilespmem:v1+s25+$0x0], $0xffff  }
0x34a: {  	v0 =	vld.idx.msk [tilespmem:v0+s26+$0x0], $0xffff;
	_ =	sdelay $0x5  }
0x34b: {  	v0 =	vadd.f32 v0, v1;
	_ =	sdelay $0x1  }
0x34c: {  	vm0 =	vge.f32 v0, $0.0e+00;
	v1 =	vmul.f32 $2.000000030e-01, v0  }
.Ltmp4:
0x34d: {  	(pc) =	sbr.rel @p1 .LBB2_10-.Ltmp4, $3  }
0x34e: {  	v0 =	vsel vm0, v0, v1  }
0x34f: {  	v0 =	vmul.f32 $1.442695020e+00, v0;
	_ =	sdelay $0x1  }
0x350: {  	(erf) = vpow2.f32 v0  }
0x351: {  	_ = 	snop  }
0x352: {  	s5 =	sshra.s32 s7, $0x2  }
0x353: {  	v0 =	vld [tilespmem:s5+$0x0]  }
0x354: {  	v1 =	vld [tilespmem:s5+$0x1400];
	_ =	sdelay $0x4  }
0x355: {  	v2 =	vpop (erf)  }
0x356: {  	[tilespmem:s22+$0x7770] =	vst v2  }
0x357: {  	v0 =	vld.idx.msk [tilespmem:v0+s25+$0x0], $0xffff  }
0x358: {  	v1 =	vld.idx.msk [tilespmem:v1+s26+$0x0], $0xffff;
	_ =	sdelay $0x4  }
0x359: {  	v0 =	vadd.f32 v1, v0;
	_ =	sdelay $0x1  }
0x35a: {  	v1 =	vmul.f32 $2.000000030e-01, v0  }
0x35b: {  	vm0 =	vge.f32 v0, $0.0e+00  }
0x35c: {  	v0 =	vsel vm0, v0, v1  }
0x35d: {  	v0 =	vmul.f32 $1.442695020e+00, v0;
	_ =	sdelay $0x1  }
0x35e: {  	(erf) = vpow2.f32 v0;
	_ =	sdelay $0x2  }
0x35f: {  	v43 =	vld [tilespmem:s5+$0x10]  }
0x360: {  	v44 =	vld [tilespmem:s5+$0x1410];
	_ =	sdelay $0x4  }
0x361: {  	v45 =	vpop (erf)  }
0x362: {  	[tilespmem:s5+$0x7700] =	vst v45  }
0x363: {  	v0 =	vld.idx.msk [tilespmem:v43+s25+$0x0], $0xffff  }
0x364: {  	v1 =	vld.idx.msk [tilespmem:v44+s26+$0x0], $0xffff;
	_ =	sdelay $0x4  }
0x365: {  	v0 =	vadd.f32 v1, v0;
	_ =	sdelay $0x1  }
0x366: {  	v1 =	vmul.f32 $2.000000030e-01, v0  }
0x367: {  	vm9 =	vge.f32 v0, $0.0e+00  }
0x368: {  	v0 =	vsel vm9, v0, v1  }
0x369: {  	v0 =	vmul.f32 $1.442695020e+00, v0;
	_ =	sdelay $0x1  }
0x36a: {  	(erf) = vpow2.f32 v0;
	_ =	sdelay $0x2  }
0x36b: {  	v46 =	vld [tilespmem:s5+$0x20]  }
0x36c: {  	v47 =	vld [tilespmem:s5+$0x1420];
	_ =	sdelay $0x4  }
0x36d: {  	v48 =	vpop (erf)  }
0x36e: {  	[tilespmem:s5+$0x7710] =	vst v48  }
0x36f: {  	v0 =	vld.idx.msk [tilespmem:v46+s25+$0x0], $0xffff  }
0x370: {  	v1 =	vld.idx.msk [tilespmem:v47+s26+$0x0], $0xffff;
	_ =	sdelay $0x4  }
0x371: {  	v0 =	vadd.f32 v1, v0;
	_ =	sdelay $0x1  }
0x372: {  	v1 =	vmul.f32 $2.000000030e-01, v0  }
0x373: {  	vm10 =	vge.f32 v0, $0.0e+00  }
0x374: {  	v0 =	vsel vm10, v0, v1  }
0x375: {  	v0 =	vmul.f32 $1.442695020e+00, v0;
	_ =	sdelay $0x1  }
0x376: {  	(erf) = vpow2.f32 v0;
	_ =	sdelay $0x2  }
0x377: {  	v49 =	vld [tilespmem:s5+$0x30]  }
0x378: {  	v50 =	vld [tilespmem:s5+$0x1430];
	_ =	sdelay $0x4  }
0x379: {  	v51 =	vpop (erf)  }
0x37a: {  	[tilespmem:s5+$0x7720] =	vst v51  }
0x37b: {  	v0 =	vld.idx.msk [tilespmem:v49+s25+$0x0], $0xffff  }
0x37c: {  	v1 =	vld.idx.msk [tilespmem:v50+s26+$0x0], $0xffff;
	_ =	sdelay $0x4  }
0x37d: {  	v0 =	vadd.f32 v1, v0;
	_ =	sdelay $0x1  }
0x37e: {  	v1 =	vmul.f32 $2.000000030e-01, v0  }
0x37f: {  	vm11 =	vge.f32 v0, $0.0e+00  }
0x380: {  	v0 =	vsel vm11, v0, v1  }
0x381: {  	v0 =	vmul.f32 $1.442695020e+00, v0;
	_ =	sdelay $0x1  }
0x382: {  	(erf) = vpow2.f32 v0;
	_ =	sdelay $0x2  }
0x383: {  	v52 =	vld [tilespmem:s5+$0x40]  }
0x384: {  	v53 =	vld [tilespmem:s5+$0x1440];
	_ =	sdelay $0x4  }
0x385: {  	v54 =	vpop (erf)  }
0x386: {  	[tilespmem:s5+$0x7730] =	vst v54  }
0x387: {  	v0 =	vld.idx.msk [tilespmem:v52+s25+$0x0], $0xffff  }
0x388: {  	v1 =	vld.idx.msk [tilespmem:v53+s26+$0x0], $0xffff;
	_ =	sdelay $0x4  }
0x389: {  	v0 =	vadd.f32 v1, v0;
	_ =	sdelay $0x1  }
0x38a: {  	v1 =	vmul.f32 $2.000000030e-01, v0  }
0x38b: {  	vm12 =	vge.f32 v0, $0.0e+00  }
0x38c: {  	v0 =	vsel vm12, v0, v1  }
0x38d: {  	v0 =	vmul.f32 $1.442695020e+00, v0;
	_ =	sdelay $0x1  }
0x38e: {  	(erf) = vpow2.f32 v0;
	_ =	sdelay $0x2  }
0x38f: {  	v55 =	vld [tilespmem:s5+$0x50]  }
0x390: {  	v56 =	vld [tilespmem:s5+$0x1450];
	_ =	sdelay $0x4  }
0x391: {  	v57 =	vpop (erf)  }
0x392: {  	[tilespmem:s5+$0x7740] =	vst v57  }
0x393: {  	v0 =	vld.idx.msk [tilespmem:v55+s25+$0x0], $0xffff  }
0x394: {  	v1 =	vld.idx.msk [tilespmem:v56+s26+$0x0], $0xffff;
	_ =	sdelay $0x4  }
0x395: {  	v0 =	vadd.f32 v1, v0;
	_ =	sdelay $0x1  }
0x396: {  	v1 =	vmul.f32 $2.000000030e-01, v0  }
0x397: {  	vm13 =	vge.f32 v0, $0.0e+00  }
0x398: {  	v0 =	vsel vm13, v0, v1  }
0x399: {  	v0 =	vmul.f32 $1.442695020e+00, v0;
	_ =	sdelay $0x1  }
0x39a: {  	(erf) = vpow2.f32 v0;
	_ =	sdelay $0x2  }
0x39b: {  	v58 =	vld [tilespmem:s5+$0x60]  }
0x39c: {  	v59 =	vld [tilespmem:s5+$0x1460];
	_ =	sdelay $0x4  }
0x39d: {  	v60 =	vpop (erf)  }
0x39e: {  	[tilespmem:s5+$0x7750] =	vst v60  }
0x39f: {  	v0 =	vld.idx.msk [tilespmem:v58+s25+$0x0], $0xffff  }
0x3a0: {  	v1 =	vld.idx.msk [tilespmem:v59+s26+$0x0], $0xffff;
	_ =	sdelay $0x4  }
0x3a1: {  	v0 =	vadd.f32 v1, v0;
	_ =	sdelay $0x1  }
0x3a2: {  	v1 =	vmul.f32 $2.000000030e-01, v0  }
0x3a3: {  	vm14 =	vge.f32 v0, $0.0e+00  }
0x3a4: {  	v0 =	vsel vm14, v0, v1  }
0x3a5: {  	v0 =	vmul.f32 $1.442695020e+00, v0;
	_ =	sdelay $0x1  }
0x3a6: {  	(erf) = vpow2.f32 v0;
	_ =	sdelay $0x2  }
0x3a7: {  	v61 =	vld [tilespmem:s5+$0x70]  }
0x3a8: {  	v62 =	vld [tilespmem:s5+$0x1470];
	_ =	sdelay $0x4  }
0x3a9: {  	v63 =	vpop (erf)  }
0x3aa: {  	[tilespmem:s5+$0x7760] =	vst v63  }
0x3ab: {  	v0 =	vld.idx.msk [tilespmem:v61+s25+$0x0], $0xffff  }
0x3ac: {  	v1 =	vld.idx.msk [tilespmem:v62+s26+$0x0], $0xffff;
	_ =	sdelay $0x4  }
0x3ad: {  	v0 =	vadd.f32 v1, v0;
	_ =	sdelay $0x1  }
0x3ae: {  	v1 =	vmul.f32 $2.000000030e-01, v0  }
0x3af: {  	vm15 =	vge.f32 v0, $0.0e+00  }
0x3b0: {  	v0 =	vsel vm15, v0, v1  }
0x3b1: {  	v0 =	vmul.f32 $1.442695020e+00, v0;
	_ =	sdelay $0x1  }
0x3b2: {  	(erf) = vpow2.f32 v0;
	_ =	sdelay $0x8  }
0x3b3: {  	v0 =	vpop (erf)  }
0x3b4: {  	s8 =	simm.s32 $0x7700;
	s22 =	simm.s32 $0x1400;
	[tilespmem:s5+$0x7770] =	vst v0  }
0x3b5: {  	[spmem:s3] =	stream.indirect.scatter.add.f32 [tilespmem:s8], [sflag:$0x1], $0x1, s22, s28, $0xb8;
	[tilespmem:$0x9268] =	vst v63  }
0x3b6: {  	_ =	swait.ge [sflag:s21], $0x80  }
.LBB2_12:
0x3b7: {  	s5 =	sshra.s32 s1, $0x2  }
0x3b8: {  	[sflag:s21] =	ssyncset.done $0x0;
	p1 =	sne.s32 s1, $0x4E00;
	s7 =	sadd.s32 $0x7700, s5  }
.Ltmp5:
0x3b9: {  	s5 =	sadd.s32 $0x1400, s5;
	[sflag:s21] =	ssyncadd.s32 $0xFFFFFF80;
	(pc) =	sbr.rel @p1 .LBB2_12-.Ltmp5, $3  }
0x3ba: {  	[spmem:s3] =	stream.indirect.scatter.add.f32 [tilespmem:s7], [sflag:$0x1], $0x1, s5, s28, $0xb8;
	[tilespmem:$0x9268] =	vst v63  }
0x3bb: {  	s1 =	sadd.s32 $0x200, s1;
	_ =	sdelay $0x1  }
0x3bc: {  	_ =	swait.ge [sflag:s21], $0x80  }
0x3bd: {  	[sflag:s21] =	ssyncset.done $0x0  }
0x3be: {  	[sflag:s21] =	ssyncadd.s32 $0xFFFFFF80  }
0x3bf: {  	[hbm4b:s16+s4] =	stream.linear.scatter [tilespmem:s29], [sflag:$0x1], $0x1400, $0x38;
	[tilespmem:$0x9268] =	vst v63  }
0x3c0: {  	_ =	swait.ge [sflag:s21], $0x1400  }
0x3c1: {  	[sflag:s21] =	ssyncset.done $0x0  }
0x3c2: {  	[sflag:s21] =	ssyncadd.s32 $0xFFFFEC00  }
0x3c3: {  	s1 =	simm.s32 @!p0 $0x1C01;
	s5 =	simm.s32 @!p0 $0x1;
	[bflag:$0x0] =	sbarrier.arrive $0xFFFF  }
0x3c4: {  	[hbm:s17], [sflag:s1] =	dma.local @!p0 [spmem:s23], $0x4F0  }
0x3c5: {  	_ =	swait.ge @!p0 [sflag:s5], $0x4F0  }
0x3c6: {  	[sflag:s5] =	ssyncset.done @!p0 $0x0  }
0x3c7: {  	[sflag:s5] =	ssyncadd.s32 @!p0 $0xFFFFFB10  }
0x3c8: {  	[hbm:s18], [sflag:s1] =	dma.local @!p0 [spmem:s24], $0x4F0  }
0x3c9: {  	s30 =	sadd.s32 $0x1, s30;
	_ =	swait.ge @!p0 [sflag:s5], $0x4F0  }
0x3ca: {  	p1 =	sne.s32 s30, s20;
	[sflag:s5] =	ssyncset.done @!p0 $0x0  }
.Ltmp6:
0x3cb: {  	[sflag:s5] =	ssyncadd.s32 @!p0 $0xFFFFFB10;
	(pc) =	sbr.rel @p1 .LBB2_1-.Ltmp6, $4  }
0x3cc: {  	[hbm:s19], [sflag:s1] =	dma.local @!p0 [spmem:s31], $0x4F0  }
0x3cd: {  	_ =	swait.ge @!p0 [sflag:s5], $0x4F0  }
0x3ce: {  	[sflag:s5] =	ssyncset.done @!p0 $0x0  }
0x3cf: {  	[sflag:s5] =	ssyncadd.s32 @!p0 $0xFFFFFB10  }
0x3d0: {  	_ =	sfence.sel $0x180000  }
0x3d1: {  	[bflag:$0x0] =	sbarrier.arrive $0xFFFF  }
0x3d2: {  	_ =	strace $0x90000047  }
0x3d3: {  	[bflag:$0x2] =	sbarrier.arrive $0xFFFF  }
0x3d4: {  	s0 =	rddreg [dreg:$0x4]  }
0x3d5: {  	s0 =	sadd.s32 @!p0 $0x100000, s0  }
0x3d6: {  	[sflag:s0] =	ssyncadd.tile.s32 @!p0 $0x1;
	_ =	shalt  }
.Lfunc_end2:
_tile_overlayer_lowered:
.L_overlay_start_2:
0x3d7: {  	(tag) =	ssettag $0x2  }
0x3d8: {  	s0 =	rddreg [dreg:$0x0];
	s2 =	stileid.u32  }
0x3d9: {  	s1 =	rddreg [dreg:$0x1];
	p0 =	sne.s32 s2, $0x0  }
0x3da: {  	s3 =	rddreg [dreg:$0x2];
	[bflag:$0x3] =	sbarrier.arrive $0xFFFF;
	s2 =	simm.s32 @!p0 $0x1C01  }
0x3db: {  	[timem:s3], [sflag:s2] =	dma.local @!p0 [hbm:s0], s1  }
0x3dc: {  	s0 =	simm.s32 @!p0 $0x1  }
0x3dd: {  	_ =	swait.ge @!p0 [sflag:s0], s1  }
0x3de: {  	s1 =	ssub.s32 @!p0 $0x0, s1;
	[sflag:s0] =	ssyncset.done @!p0 $0x0  }
0x3df: {  	[sflag:s0] =	ssyncadd.s32 @!p0 s1  }
0x3e0: {  	[bflag:$0x3] =	sbarrier.arrive $0xFFFF  }
0x3e1: {  	_ =	shalt  }

// kernel: gat_edge_b.3.cloned.1.call-start
scs
__scs_entry_jumppad:
0x0: {  	(pc) =	sbr.rel $0x88, $3  }
0x1: {  	(tag) =	ssettag $0x0;
	lr =	simm.s32 $0x1  }
0x2: {  	[smem:$0x3F97] =	sst lr;
	_ =	strace $0xD0000000  }
0x3: {  	_ = 	snop  }
0x4: {  	_ = 	snop  }
0x5: {  	_ = 	snop  }
0x6: {  	_ = 	snop  }
0x7: {  	_ = 	snop  }
__scs_overlays_trampoline_lowered:
0x8: {  	[smem:$0x3FA6] =	sst s0  }
0x9: {  	[smem:$0x3FA7] =	sst s1  }
0xa: {  	[smem:$0x3FA8] =	sst s2  }
0xb: {  	[smem:$0x3FA9] =	sst s3  }
0xc: {  	[smem:$0x3FAA] =	sst s4  }
0xd: {  	[smem:$0x3FAB] =	sst s5  }
0xe: {  	[smem:$0x3FAC] =	sst s6  }
0xf: {  	[smem:$0x3FAD] =	sst s7  }
0x10: {  	[smem:$0x3FAE] =	sst s8  }
0x11: {  	[smem:$0x3FAF] =	sst s9;
	s0 =	simm.s32 @!p0 $0x0  }
0x12: {  	s1 =	sld [smem:$0x3F95];
	s0 =	simm.s32 @p0 $0x1  }
0x13: {  	[smem:$0x3FB0] =	sst s0;
	s0 =	simm.s32 @!p1 $0x0  }
0x14: {  	s2 =	sld [smem:$0x3F94];
	s0 =	simm.s32 @p1 $0x1  }
0x15: {  	[smem:$0x3FB1] =	sst s0;
	s0 =	simm.s32 @!p2 $0x0  }
0x16: {  	s3 =	sld [smem:$0x3FDB];
	s0 =	simm.s32 @p2 $0x1  }
0x17: {  	s4 =	simm.s32 $0x1BF5;
	[smem:$0x3FB3] =	sst s0  }
0x18: {  	s0 =	sld [smem:$0x3F96];
	_ =	swait.ge [sflag:s4], $0x0  }
0x19: {  	s7 =	sld [smem:$0x3F97]  }
0x1a: {  	s8 =	sadd.s32 $0xFFFFE003, lr  }
0x1b: {  	s9 =	sadd.s32 $0xFFFFFEF7, lr;
	s5 =	simm.s32 $0xFFFFFFFF;
	p2 =	slt.u32 s8, $0xFFFFF086  }
0x1c: {  	p1 =	slt.u32 s9, $0xF7A;
	s5 =	simm.s32 @!p2 $0x0  }
0x1d: {  	s5 =	simm.s32 @p1 $0x1;
	p0 =	seq.s32 s7, s2  }
0x1e: {  	s7 =	smul.u32 @!p0 $0xF7A, s2;
	p2 =	seq.s32 @!p0 s5, $0x0  }
0x1f: {  	s9 =	smul.u32 $0xF7A, s1;
	s8 =	simm.s32 @!p0 $0x1BF5;
	p2 =	por !p2, p0  }
0x20: {  	[sflag:s8] =	ssyncset.s32 @!p0 $0xFFFFF086;
	s6 =	sadd.s32 @!p0 s3, s7;
	s7 =	simm.s32 @!p0 $0x108  }
0x21: {  	s3 =	sadd.s32 s3, s9;
	s6 =	sadd.s32 @!p0 $0x88, s6;
	s7 =	simm.s32 @p2 $0x1082  }
0x22: {  	[simem:s7], [sflag:s8] =	dma.local @!p0 [hbm:s6], $0xF7A  }
0x23: {  	s9 =	sor.u32 $0xD0000000, s2;
	s6 =	simm.s32 $0x108;
	_ =	swait.ge @!p0 [sflag:s8], $0x0  }
0x24: {  	s3 =	sadd.s32 $0x88, s3;
	s6 =	simm.s32 @!p1 $0x1082;
	[sflag:s4] =	ssyncset.s32 $0xFFFFF086  }
0x25: {  	[simem:s6], [sflag:s4] =	dma.local [hbm:s3], $0xF7A  }
0x26: {  	[smem:$0x3F97] =	sst s1;
	(tag) =	ssettag s2;
	_ =	strace s9  }
0x27: {  	s1 =	sld [smem:$0x3FA7]  }
0x28: {  	s2 =	sld [smem:$0x3FA8]  }
0x29: {  	s4 =	sld [smem:$0x3FAA]  }
0x2a: {  	p0 =	seq.s32 s5, $0x0;
	s5 =	sld [smem:$0x3FAB]  }
0x2b: {  	s6 =	sld [smem:$0x3FAC]  }
0x2c: {  	s7 =	sld [smem:$0x3FAD]  }
0x2d: {  	s3 =	simm.s32 $0x108;
	s8 =	sld [smem:$0x3FAE]  }
0x2e: {  	s3 =	simm.s32 @!p0 $0x1082;
	s9 =	sld [smem:$0x3FAF]  }
0x2f: {  	lr =	sadd.s32 s0, s3;
	s0 =	sld [smem:$0x3FA6]  }
0x30: {  	s3 =	sld [smem:$0x3FA9]  }
0x31: {  	[smem:$0x3FB2] =	sst s10  }
0x32: {  	s10 =	sld [smem:$0x3FB0];
	_ =	sdelay $0x3  }
0x33: {  	p0 =	seq.s32 s10, $0x1;
	s10 =	sld [smem:$0x3FB2];
	_ =	sdelay $0x3  }
0x34: {  	[smem:$0x3FB2] =	sst s10  }
0x35: {  	s10 =	sld [smem:$0x3FB1];
	_ =	sdelay $0x3  }
0x36: {  	p1 =	seq.s32 s10, $0x1;
	s10 =	sld [smem:$0x3FB2];
	_ =	sdelay $0x3  }
0x37: {  	[smem:$0x3FB2] =	sst s10  }
0x38: {  	s10 =	sld [smem:$0x3FB3]  }
0x39: {  	_ = 	snop;
	(pc) =	sbr.ind lr, $3  }
0x3a: {  	_ = 	snop  }
0x3b: {  	_ = 	snop  }
0x3c: {  	p2 =	seq.s32 s10, $0x1;
	s10 =	sld [smem:$0x3FB2]  }
0x3d: {  	_ =	shalt  }
0x3e: {  	_ =	shalt  }
0x3f: {  	_ =	shalt  }
0x40: {  	_ =	shalt  }
0x41: {  	_ =	shalt  }
0x42: {  	_ =	shalt  }
0x43: {  	_ =	shalt  }
0x44: {  	_ =	shalt  }
0x45: {  	_ =	shalt  }
0x46: {  	_ =	shalt  }
0x47: {  	_ =	shalt  }
0x48: {  	_ =	shalt  }
0x49: {  	_ =	shalt  }
0x4a: {  	_ =	shalt  }
0x4b: {  	_ =	shalt  }
0x4c: {  	_ =	shalt  }
0x4d: {  	_ =	shalt  }
0x4e: {  	_ =	shalt  }
0x4f: {  	_ =	shalt  }
0x50: {  	_ =	shalt  }
0x51: {  	_ =	shalt  }
0x52: {  	_ =	shalt  }
0x53: {  	_ =	shalt  }
0x54: {  	_ =	shalt  }
0x55: {  	_ =	shalt  }
0x56: {  	_ =	shalt  }
0x57: {  	_ =	shalt  }
0x58: {  	_ =	shalt  }
0x59: {  	_ =	shalt  }
0x5a: {  	_ =	shalt  }
0x5b: {  	_ =	shalt  }
0x5c: {  	_ =	shalt  }
0x5d: {  	_ =	shalt  }
0x5e: {  	_ =	shalt  }
0x5f: {  	_ =	shalt  }
0x60: {  	_ =	shalt  }
0x61: {  	_ =	shalt  }
0x62: {  	_ =	shalt  }
0x63: {  	_ =	shalt  }
0x64: {  	_ =	shalt  }
0x65: {  	_ =	shalt  }
0x66: {  	_ =	shalt  }
0x67: {  	_ =	shalt  }
0x68: {  	_ =	shalt  }
0x69: {  	_ =	shalt  }
0x6a: {  	_ =	shalt  }
0x6b: {  	_ =	shalt  }
0x6c: {  	_ =	shalt  }
0x6d: {  	_ =	shalt  }
0x6e: {  	_ =	shalt  }
0x6f: {  	_ =	shalt  }
0x70: {  	_ =	shalt  }
0x71: {  	_ =	shalt  }
0x72: {  	_ =	shalt  }
0x73: {  	_ =	shalt  }
0x74: {  	_ =	shalt  }
0x75: {  	_ =	shalt  }
0x76: {  	_ =	shalt  }
0x77: {  	_ =	shalt  }
0x78: {  	_ =	shalt  }
0x79: {  	_ =	shalt  }
0x7a: {  	_ =	shalt  }
0x7b: {  	_ =	shalt  }
0x7c: {  	_ =	shalt  }
0x7d: {  	_ =	shalt  }
0x7e: {  	_ =	shalt  }
0x7f: {  	_ =	shalt  }
0x80: {  	_ =	shalt  }
0x81: {  	_ =	shalt  }
0x82: {  	_ =	shalt  }
0x83: {  	_ =	shalt  }
0x84: {  	_ =	shalt  }
0x85: {  	_ =	shalt  }
0x86: {  	_ =	shalt  }
0x87: {  	_ =	shalt  }
.Lfunc_end0:
.L_simem_size_0:
called_computation.1_lowered:
.L_overlay_start_0:
0x88: {  	s2 =	sld [smem:$0x3FD9]  }
0x89: {  	s3 =	sld [smem:$0x3FFE];
	_ =	sdelay $0x1  }
0x8a: {  	s1 =	srdreg.scid  }
0x8b: {  	s0 =	sand.u32 $0x1, s1  }
0x8c: {  	s16 =	sshll.u32 s0, $0xA;
	s2 =	sadd.s32 s3, s2  }
0x8d: {  	s2 =	sadd.s32 s2, s16  }
0x8e: {  	[smem:$0x3FBE] =	sst s2  }
0x8f: {  	_ = 	snop  }
0x90: {  	(tm) =	ssettm $0x1  }
0x91: {  	s17 =	sld [smem:$0x3FFB];
	_ =	sdelay $0x3  }
0x92: {  	_ =	strace s17  }
0x93: {  	s2 =	sld [smem:$0x3FFC];
	_ =	sdelay $0x3  }
0x94: {  	_ =	strace s2  }
0x95: {  	s2 =	sld [smem:$0x3FFD];
	_ =	sdelay $0x3  }
0x96: {  	_ =	strace s2  }
0x97: {  	_ =	strace $0x8FFFFFFF  }
0x98: {  	s18 =	sld [smem:$0x3FDB];
	_ =	sdelay $0x1  }
0x99: {  	s19 =	simm.s32 $_scs_section_size  }
0x9a: {  	s4 =	simm.s32 $_size__tile_overlayer_lowered;
	s5 =	simm.s32 $_tile_overlayer_lowered  }
0x9b: {  	s22 =	simm.s32 $0x1BFF;
	s21 =	sshll.u32 s5, $0x1;
	s2 =	sadd.s32 s19, s18  }
0x9c: {  	s6 =	simm.s32 $0x0;
	s20 =	sshll.u32 s4, $0x1;
	s4 =	sadd.s32 s21, s2  }
0x9d: {  	[timem:s6], [sflag:s22] =	dma.local [hbm:s4], s20  }
0x9e: {  	_ =	swait.ge [sflag:s22], s20  }
0x9f: {  	s3 =	ssub.s32 $0x0, s20;
	[sflag:s22] =	ssyncset.done $0x0  }
0xa0: {  	[sflag:s22] =	ssyncadd.s32 s3;
	_ =	sdelay $0x1  }
0xa1: {  	s23 =	simm.s32 $0x1B8B  }
0xa2: {  	_ =	swait.ge [sflag:s23], $0x1  }
0xa3: {  	[sflag:s23] =	ssyncset.done $0x0  }
0xa4: {  	s25 =	simm.s32 $0x1B8E;
	s24 =	sld [smem:$0x3FFE];
	[sflag:s23] =	ssyncadd.s32 $0xFFFFFFFF  }
0xa5: {  	s26 =	simm.s32 $execute0_lowered;
	[smem:$0x3FD2] =	sst s25  }
0xa6: {  	s4 =	sshll.u32 s26, $0x1;
	_ =	strace $0x80000049;
	[dreg:$0x1] =	wrdreg $0xFFFFFFFF  }
0xa7: {  	s28 =	simm.s32 $_size_execute0_lowered;
	s2 =	sadd.s32 s2, s4;
	[dreg:$0x0] =	wrdreg $0x0  }
0xa8: {  	s4 =	sshll.u32 s28, $0x1;
	[dreg:$0x2] =	wrdreg s2  }
0xa9: {  	[dreg:$0x3] =	wrdreg s4  }
0xaa: {  	[dreg:$0x4] =	wrdreg $0xC0  }
0xab: {  	_ =	task [dreg:s6], $0x5FFFF  }
0xac: {  	[dreg:$0x1] =	wrdreg $0xFFFFFFFF  }
0xad: {  	[dreg:$0x0] =	wrdreg $0x60  }
0xae: {  	[dreg:$0x2] =	wrdreg s24  }
0xaf: {  	[dreg:$0x3] =	wrdreg $0x9  }
0xb0: {  	_ =	task.clear_ibuf [dreg:s6], $0x4FFFF;
	_ =	strace $0x90000049  }
0xb1: {  	s29 =	simm.s32 $0x9;
	_ =	strace $0x8000004B  }
0xb2: {  	_ =	swait.ge [sflag:s29], $0x1  }
0xb3: {  	[sflag:s29] =	ssyncadd.s32 $0xFFFFFFFF  }
0xb4: {  	_ =	strace $0x9000004B  }
0xb5: {  	_ =	sfence  }
0xb6: {  	s30 =	sld [smem:$0x0];
	_ =	sdelay $0x2  }
0xb7: {  	s31 =	sshll.u32 s1, $0xD;
	s1 =	sshrl.u32 s1, $0x2  }
0xb8: {  	s3 =	sand.u32 $0x4000, s31;
	s1 =	sadd.s32 s1, s30  }
0xb9: {  	s0 =	sor.u32 s3, s0;
	s1 =	sshll.u32 s1, $0x11  }
0xba: {  	s0 =	sor.u32 s1, s0  }
0xbb: {  	s0 =	sadd.s32 $0x8F2B, s0  }
0xbc: {  	[sflag:s0] =	ssyncadd.remote.s32 $0x1  }
0xbd: {  	_ =	sfence.sel $0xFFFF  }
0xbe: {  	[dreg:$0x0] =	wrdreg $0xFFFFFFFF;
	(pc) =	sbr.abs _section_cstart, $3  }
0xbf: {  	[dreg:$0x1] =	wrdreg $0xFFFFFFFF  }
0xc0: {  	_ =	task.clear_ibuf [dreg:s6], $0x2FFFF;
	_ =	strace $0x9FFFFFFF  }
0xc1: {  	(tm) =	ssettm $0x7FFFFFFF  }
tec
execute0_lowered:
.L_overlay_start_1:
0x0: {  	(tag) =	ssettag $0x1  }
0x1: {  	s0 =	srdreg.scid;
	s15 =	rddreg [dreg:$0x0]  }
0x2: {  	s1 =	stileid.u32;
	s2 =	simm.s32 $0x0;
	s20 =	simm.s32 $0x1400  }
0x3: {  	s21 =	simm.s32 $0x2800;
	s22 =	simm.s32 $0x4F80;
	s23 =	simm.s32 $0x7700  }
0x4: {  	s24 =	simm.s32 $0x9E80;
	s13 =	sand.u32 $0x1, s0;
	s0 =	rddreg [dreg:$0x1]  }
0x5: {  	s25 =	simm.s32 $0xB280;
	s26 =	simm.s32 $0x0;
	[smem:$0x7FF] =	sst s2  }
0x6: {  	s31 =	sshll.u32 s1, $0x6;
	s7 =	sadd.s32 $0x21E0, s15;
	s9 =	sadd.s32 $0x1E0F0, s15  }
0x7: {  	s10 =	sadd.s32 $0x1EFC0, s15;
	s11 =	sadd.s32 $0x30B0, s15;
	s14 =	sadd.s32 $0x1F4B0, s15  }
0x8: {  	s3 =	sshll.u32 s13, $0x4;
	_ =	strace $0x8000004A;
	s5 =	ssub.s32 $0x2, s13  }
0x9: {  	s17 =	sadd.s32 s31, s15;
	s19 =	sshll.u32 s13, $0xA;
	s3 =	sor.u32 s1, s3  }
0xa: {  	s13 =	sadd.s32 $0x1E5E0, s15;
	s6 =	sshrl.u32 s5, $0x1;
	s4 =	smul.u32 $0x1400, s3  }
0xb: {  	s17 =	sadd.s32 s19, s17;
	s19 =	simm.s32 $0x1;
	s3 =	sadd.s32 $0x1DC00, s15  }
0xc: {  	s18 =	ssub.s32 s5, s6;
	s6 =	sadd.s32 $0x1EAD0, s15;
	s4 =	sshrl.u32 s4, $0x3  }
0xd: {  	s17 =	sadd.s32 $0x1FA00, s17;
	s18 =	smax.u32 s18, $0x1;
	s16 =	sadd.s32 s4, s15  }
0xe: {  	s15 =	sadd.s32 $0x3F80, s15;
	s4 =	sadd.s32 $0x4600, s16;
	s5 =	sadd.s32 $0x9600, s16  }
0xf: {  	s8 =	sadd.s32 $0xEC00, s16;
	s12 =	sadd.s32 $0x13C00, s16;
	s16 =	sadd.s32 $0x18C00, s16  }
.LBB2_1:
0x10: {  	[tilespmem:s2], [sflag:$0x1] =	stream.linear.gather [hbm4b:s4+s2], $0x1400, $0x38;
	[tilespmem:$0xB480] =	vst v63  }
0x11: {  	_ =	swait.ge [sflag:s19], $0x1400  }
0x12: {  	[sflag:s19] =	ssyncset.done $0x0  }
0x13: {  	[sflag:s19] =	ssyncadd.s32 $0xFFFFEC00  }
0x14: {  	[tilespmem:s20], [sflag:$0x1] =	stream.linear.gather [hbm4b:s5+s2], $0x1400, $0x38;
	[tilespmem:$0xB480] =	vst v63  }
0x15: {  	_ =	swait.ge [sflag:s19], $0x1400  }
0x16: {  	[sflag:s19] =	ssyncset.done $0x0  }
0x17: {  	[sflag:s19] =	ssyncadd.s32 $0xFFFFEC00  }
0x18: {  	[tilespmem:s21], [sflag:$0x1] =	stream.linear.gather [hbm4b:s3+s2], $0x2780, $0x38;
	[tilespmem:$0xB480] =	vst v63  }
0x19: {  	_ =	swait.ge [sflag:s19], $0x2780  }
0x1a: {  	[sflag:s19] =	ssyncset.done $0x0  }
0x1b: {  	[sflag:s19] =	ssyncadd.s32 $0xFFFFD880  }
0x1c: {  	[tilespmem:s22], [sflag:$0x1] =	stream.linear.gather [hbm4b:s6+s2], $0x2780, $0x38;
	[tilespmem:$0xB480] =	vst v63  }
0x1d: {  	_ =	swait.ge [sflag:s19], $0x2780  }
0x1e: {  	[sflag:s19] =	ssyncset.done $0x0  }
0x1f: {  	[sflag:s19] =	ssyncadd.s32 $0xFFFFD880  }
0x20: {  	[tilespmem:s23], [sflag:$0x1] =	stream.linear.gather [hbm4b:s7+s2], $0x2780, $0x38;
	[tilespmem:$0xB480] =	vst v63  }
0x21: {  	_ =	swait.ge [sflag:s19], $0x2780  }
0x22: {  	[sflag:s19] =	ssyncset.done $0x0  }
0x23: {  	[sflag:s19] =	ssyncadd.s32 $0xFFFFD880  }
0x24: {  	[tilespmem:s24], [sflag:$0x1] =	stream.linear.gather [hbm4b:s8+s2], $0x1400, $0x38;
	[tilespmem:$0xB480] =	vst v63  }
0x25: {  	_ =	swait.ge [sflag:s19], $0x1400  }
0x26: {  	[sflag:s19] =	ssyncset.done $0x0  }
0x27: {  	s28 =	simm.s32 $0x0;
	[sflag:s19] =	ssyncadd.s32 $0xFFFFEC00  }
0x28: {  	v0 =	vld [tilespmem:s28+$0x70]  }
0x29: {  	v1 =	vld [tilespmem:s28+$0x60]  }
0x2a: {  	v2 =	vld [tilespmem:s28+$0x50]  }
0x2b: {  	v3 =	vld [tilespmem:s28+$0x40]  }
0x2c: {  	v5 =	vld [tilespmem:s28+$0x20]  }
0x2d: {  	v6 =	vld [tilespmem:s28+$0x10]  }
0x2e: {  	v7 =	vld [tilespmem:s28+$0x0]  }
0x2f: {  	v8 =	vld [tilespmem:s28+$0x1470]  }
0x30: {  	v9 =	vld [tilespmem:s28+$0x1460]  }
0x31: {  	v4 =	vimm.f32 $0.0e+00;
	s29 =	simm.s32 $0x200;
	v10 =	vld [tilespmem:s28+$0x1400]  }
.LBB2_2:
0x32: {  	p0 =	sne.s32 s29, $0x4E00;
	v11 =	vld [tilespmem:s28+$0x1450]  }
0x33: {  	v12 =	vld [tilespmem:s28+$0x1410]  }
0x34: {  	v13 =	vld [tilespmem:s28+$0x1440]  }
0x35: {  	v14 =	vld [tilespmem:s28+$0x1420]  }
0x36: {  	v15 =	vld [tilespmem:s28+$0x1430]  }
0x37: {  	v16 =	vld.idx.msk [tilespmem:v8+s21+$0x0], $0xffff  }
0x38: {  	v17 =	vld.idx.msk [tilespmem:v9+s21+$0x0], $0xffff  }
0x39: {  	v18 =	vld.idx.msk [tilespmem:v10+s21+$0x0], $0xffff  }
0x3a: {  	v10 =	vld.idx.msk [tilespmem:v10+s22+$0x0], $0xffff  }
0x3b: {  	v19 =	vld.idx.msk [tilespmem:v12+s21+$0x0], $0xffff  }
0x3c: {  	v12 =	vld.idx.msk [tilespmem:v12+s22+$0x0], $0xffff  }
0x3d: {  	v20 =	vld.idx.msk [tilespmem:v14+s21+$0x0], $0xffff  }
0x3e: {  	v14 =	vld.idx.msk [tilespmem:v14+s22+$0x0], $0xffff  }
0x3f: {  	v21 =	vld.idx.msk [tilespmem:v15+s21+$0x0], $0xffff  }
0x40: {  	v10 =	vadd.f32 v10, v18;
	v15 =	vld.idx.msk [tilespmem:v15+s22+$0x0], $0xffff  }
0x41: {  	v18 =	vld.idx.msk [tilespmem:v13+s21+$0x0], $0xffff  }
0x42: {  	v10 =	vmax.f32 v10, $9.999999710e-10;
	v12 =	vadd.f32 v12, v19;
	v13 =	vld.idx.msk [tilespmem:v13+s22+$0x0], $0xffff  }
0x43: {  	v19 =	vld.idx.msk [tilespmem:v11+s21+$0x0], $0xffff;
	(erf) = vrcp.f32 v10  }
0x44: {  	v10 =	vmax.f32 v12, $9.999999710e-10;
	v12 =	vadd.f32 v14, v20;
	v11 =	vld.idx.msk [tilespmem:v11+s22+$0x0], $0xffff  }
0x45: {  	v9 =	vld.idx.msk [tilespmem:v9+s22+$0x0], $0xffff;
	(erf) = vrcp.f32 v10  }
0x46: {  	v10 =	vmax.f32 v12, $9.999999710e-10;
	v12 =	vadd.f32 v15, v21;
	v8 =	vld.idx.msk [tilespmem:v8+s22+$0x0], $0xffff  }
0x47: {  	v14 =	vld [tilespmem:s28+$0x30];
	(erf) = vrcp.f32 v10  }
0x48: {  	v12 =	vmax.f32 v12, $9.999999710e-10;
	v13 =	vadd.f32 v13, v18;
	v10 =	vld [tilespmem:s28+$0x9E80]  }
0x49: {  	v7 =	vld.idx.msk [tilespmem:v7+s23+$0x0], $0xffff;
	(erf) = vrcp.f32 v12  }
0x4a: {  	v13 =	vmax.f32 v13, $9.999999710e-10;
	v11 =	vadd.f32 v11, v19;
	v12 =	vld [tilespmem:s28+$0x9E90]  }
0x4b: {  	v9 =	vadd.f32 v9, v17;
	v6 =	vld.idx.msk [tilespmem:v6+s23+$0x0], $0xffff;
	(erf) = vrcp.f32 v13  }
0x4c: {  	v11 =	vmax.f32 v11, $9.999999710e-10;
	v8 =	vadd.f32 v8, v16;
	v13 =	vld [tilespmem:s28+$0x9EA0];
	v15 =	vpop (erf)  }
0x4d: {  	v9 =	vmax.f32 v9, $9.999999710e-10;
	v10 =	vmul.f32 v15, v10;
	v5 =	vld.idx.msk [tilespmem:v5+s23+$0x0], $0xffff;
	(erf) = vrcp.f32 v11  }
0x4e: {  	v11 =	vld [tilespmem:s28+$0x9EB0];
	v15 =	vpop (erf);
	(erf) = vrcp.f32 v9  }
0x4f: {  	v8 =	vmax.f32 v8, $9.999999710e-10;
	v7 =	vmul.f32 v10, v7;
	v15 =	vmul.f32 v15, v12;
	v10 =	vld.idx.msk [tilespmem:v14+s23+$0x0], $0xffff  }
0x50: {  	v12 =	vld [tilespmem:s28+$0x9EC0];
	v14 =	vpop (erf);
	(erf) = vrcp.f32 v8  }
0x51: {  	v4 =	vadd.f32 v7, v4;
	v6 =	vmul.f32 v15, v6;
	v7 =	vmul.f32 v14, v13;
	v3 =	vld.idx.msk [tilespmem:v3+s23+$0x0], $0xffff  }
0x52: {  	v8 =	vld [tilespmem:s28+$0x9ED0];
	v9 =	vpop (erf)  }
0x53: {  	v4 =	vadd.f32 v6, v4;
	v5 =	vmul.f32 v7, v5;
	v6 =	vmul.f32 v9, v11;
	v2 =	vld.idx.msk [tilespmem:v2+s23+$0x0], $0xffff  }
0x54: {  	v7 =	vld [tilespmem:s28+$0x9EE0];
	v9 =	vpop (erf)  }
0x55: {  	v4 =	vadd.f32 v5, v4;
	v5 =	vmul.f32 v6, v10;
	v11 =	vmul.f32 v9, v12;
	v9 =	vld.idx.msk [tilespmem:v1+s23+$0x0], $0xffff  }
0x56: {  	v10 =	vld [tilespmem:s28+$0x9EF0];
	v1 =	vpop (erf)  }
0x57: {  	s28 =	sshra.s32 s29, $0x2;
	v4 =	vadd.f32 v5, v4;
	v3 =	vmul.f32 v11, v3;
	v5 =	vmul.f32 v1, v8;
	v8 =	vld.idx.msk [tilespmem:v0+s23+$0x0], $0xffff;
	v6 =	vpop (erf)  }
0x58: {  	v0 =	vld [tilespmem:s28+$0x70]  }
0x59: {  	v1 =	vld [tilespmem:s28+$0x60];
	v4 =	vadd.f32 v3, v4;
	v5 =	vmul.f32 v5, v2;
	v6 =	vmul.f32 v6, v7;
	v7 =	vpop (erf)  }
0x5a: {  	v2 =	vld [tilespmem:s28+$0x50]  }
0x5b: {  	v3 =	vld [tilespmem:s28+$0x40];
	v4 =	vadd.f32 v5, v4;
	v9 =	vmul.f32 v6, v9;
	v7 =	vmul.f32 v7, v10  }
0x5c: {  	v5 =	vld [tilespmem:s28+$0x20]  }
.Ltmp0:
0x5d: {  	v6 =	vld [tilespmem:s28+$0x10];
	v4 =	vadd.f32 v9, v4;
	v9 =	vmul.f32 v7, v8;
	(pc) =	sbr.rel @p0 .LBB2_2-.Ltmp0, $4  }
0x5e: {  	v7 =	vld [tilespmem:s28+$0x0]  }
0x5f: {  	v8 =	vld [tilespmem:s28+$0x1470];
	v4 =	vadd.f32 v9, v4  }
0x60: {  	v9 =	vld [tilespmem:s28+$0x1460]  }
0x61: {  	s29 =	sadd.s32 $0x200, s29;
	v10 =	vld [tilespmem:s28+$0x1400]  }
0x62: {  	_ = 	snop  }
0x63: {  	v11 =	vld [tilespmem:s28+$0x1450]  }
0x64: {  	v12 =	vld [tilespmem:s28+$0x1410]  }
0x65: {  	v13 =	vld [tilespmem:s28+$0x1440]  }
0x66: {  	v14 =	vld [tilespmem:s28+$0x1420]  }
0x67: {  	v15 =	vld [tilespmem:s28+$0x1430]  }
0x68: {  	v57 =	vld [tilespmem:s28+$0x30]  }
0x69: {  	v58 =	vld [tilespmem:s28+$0x9E90]  }
0x6a: {  	v18 =	vld.idx.msk [tilespmem:v10+s21+$0x0], $0xffff  }
0x6b: {  	v10 =	vld.idx.msk [tilespmem:v10+s22+$0x0], $0xffff  }
0x6c: {  	v19 =	vld.idx.msk [tilespmem:v12+s21+$0x0], $0xffff  }
0x6d: {  	v12 =	vld.idx.msk [tilespmem:v12+s22+$0x0], $0xffff  }
0x6e: {  	v17 =	vld.idx.msk [tilespmem:v9+s21+$0x0], $0xffff  }
0x6f: {  	v20 =	vld.idx.msk [tilespmem:v14+s21+$0x0], $0xffff  }
0x70: {  	v14 =	vld.idx.msk [tilespmem:v14+s22+$0x0], $0xffff  }
0x71: {  	v21 =	vld.idx.msk [tilespmem:v15+s21+$0x0], $0xffff;
	v10 =	vadd.f32 v10, v18  }
0x72: {  	v15 =	vld.idx.msk [tilespmem:v15+s22+$0x0], $0xffff;
	v12 =	vadd.f32 v12, v19  }
0x73: {  	v53 =	vld.idx.msk [tilespmem:v13+s21+$0x0], $0xffff;
	v10 =	vmax.f32 v10, $9.999999710e-10  }
0x74: {  	v13 =	vld.idx.msk [tilespmem:v13+s22+$0x0], $0xffff;
	(erf) = vrcp.f32 v10;
	v10 =	vmax.f32 v12, $9.999999710e-10  }
0x75: {  	v54 =	vld.idx.msk [tilespmem:v11+s21+$0x0], $0xffff;
	v55 =	vadd.f32 v14, v20;
	(erf) = vrcp.f32 v10  }
0x76: {  	v11 =	vld.idx.msk [tilespmem:v11+s22+$0x0], $0xffff  }
0x77: {  	v9 =	vld.idx.msk [tilespmem:v9+s22+$0x0], $0xffff;
	v56 =	vadd.f32 v15, v21;
	v10 =	vmax.f32 v55, $9.999999710e-10  }
0x78: {  	v16 =	vld.idx.msk [tilespmem:v8+s21+$0x0], $0xffff;
	(erf) = vrcp.f32 v10  }
0x79: {  	v13 =	vadd.f32 v13, v53;
	v12 =	vmax.f32 v56, $9.999999710e-10;
	v10 =	vld [tilespmem:s28+$0x9E80]  }
0x7a: {  	v8 =	vld.idx.msk [tilespmem:v8+s22+$0x0], $0xffff;
	(erf) = vrcp.f32 v12  }
0x7b: {  	v7 =	vld.idx.msk [tilespmem:v7+s23+$0x0], $0xffff;
	v11 =	vadd.f32 v11, v54;
	v13 =	vmax.f32 v13, $9.999999710e-10  }
0x7c: {  	v6 =	vld.idx.msk [tilespmem:v6+s23+$0x0], $0xffff;
	v9 =	vadd.f32 v9, v17;
	(erf) = vrcp.f32 v13  }
0x7d: {  	v59 =	vld [tilespmem:s28+$0x9EA0];
	v11 =	vmax.f32 v11, $9.999999710e-10;
	v60 =	vpop (erf)  }
0x7e: {  	v5 =	vld.idx.msk [tilespmem:v5+s23+$0x0], $0xffff;
	v9 =	vmax.f32 v9, $9.999999710e-10;
	(erf) = vrcp.f32 v11;
	v10 =	vmul.f32 v60, v10;
	v61 =	vpop (erf)  }
0x7f: {  	v8 =	vadd.f32 v8, v16;
	v11 =	vld [tilespmem:s28+$0x9EB0];
	(erf) = vrcp.f32 v9;
	v9 =	vmul.f32 v61, v58  }
0x80: {  	v62 =	vld [tilespmem:s28+$0x9EC0];
	v7 =	vmul.f32 v10, v7  }
0x81: {  	v8 =	vmax.f32 v8, $9.999999710e-10;
	v10 =	vld.idx.msk [tilespmem:v57+s23+$0x0], $0xffff;
	v63 =	vpop (erf)  }
0x82: {  	v4 =	vadd.f32 v7, v4;
	v7 =	vmul.f32 v63, v59;
	v6 =	vmul.f32 v9, v6  }
0x83: {  	(erf) = vrcp.f32 v8;
	v8 =	vld [tilespmem:s28+$0x9ED0];
	v9 =	vpop (erf)  }
0x84: {  	v3 =	vld.idx.msk [tilespmem:v3+s23+$0x0], $0xffff;
	v5 =	vmul.f32 v7, v5;
	v4 =	vadd.f32 v6, v4;
	v6 =	vmul.f32 v9, v11  }
0x85: {  	v2 =	vld.idx.msk [tilespmem:v2+s23+$0x0], $0xffff;
	v9 =	vpop (erf)  }
0x86: {  	v7 =	vld [tilespmem:s28+$0x9EE0];
	v4 =	vadd.f32 v5, v4;
	v5 =	vmul.f32 v6, v10;
	v6 =	vmul.f32 v9, v62  }
0x87: {  	v1 =	vld.idx.msk [tilespmem:v1+s23+$0x0], $0xffff;
	v10 =	vpop (erf)  }
0x88: {  	v9 =	vld [tilespmem:s28+$0x9EF0];
	v4 =	vadd.f32 v5, v4;
	v5 =	vmul.f32 v10, v8  }
0x89: {  	v3 =	vmul.f32 v6, v3  }
0x8a: {  	v0 =	vld.idx.msk [tilespmem:v0+s23+$0x0], $0xffff;
	v6 =	vpop (erf)  }
0x8b: {  	v3 =	vadd.f32 v3, v4;
	v2 =	vmul.f32 v5, v2;
	v4 =	vmul.f32 v6, v7  }
0x8c: {  	v5 =	vpop (erf)  }
0x8d: {  	v2 =	vadd.f32 v2, v3;
	v1 =	vmul.f32 v4, v1;
	v3 =	vmul.f32 v5, v9;
	_ =	sdelay $0x1  }
0x8e: {  	v1 =	vadd.f32 v1, v2;
	v0 =	vmul.f32 v3, v0;
	_ =	sdelay $0x1  }
0x8f: {  	v0 =	vadd.f32 v0, v1;
	_ =	sdelay $0x1  }
0x90: {  	s28 =	simm.s32 $0x0;
	[tilespmem:$0xB280] =	vst v0  }
0x91: {  	[tilespmem:s21], [sflag:$0x1] =	stream.linear.gather [hbm4b:s9+s28], $0x2780, $0x38;
	[tilespmem:$0xB480] =	vst v63  }
0x92: {  	_ =	swait.ge [sflag:s19], $0x2780  }
0x93: {  	[sflag:s19] =	ssyncset.done $0x0  }
0x94: {  	[sflag:s19] =	ssyncadd.s32 $0xFFFFD880  }
0x95: {  	[tilespmem:s22], [sflag:$0x1] =	stream.linear.gather [hbm4b:s10+s28], $0x2780, $0x38;
	[tilespmem:$0xB480] =	vst v63  }
0x96: {  	_ =	swait.ge [sflag:s19], $0x2780  }
0x97: {  	[sflag:s19] =	ssyncset.done $0x0  }
0x98: {  	[sflag:s19] =	ssyncadd.s32 $0xFFFFD880  }
0x99: {  	[tilespmem:s23], [sflag:$0x1] =	stream.linear.gather [hbm4b:s11+s28], $0x2780, $0x38;
	[tilespmem:$0xB480] =	vst v63  }
0x9a: {  	_ =	swait.ge [sflag:s19], $0x2780  }
0x9b: {  	[sflag:s19] =	ssyncset.done $0x0  }
0x9c: {  	[sflag:s19] =	ssyncadd.s32 $0xFFFFD880  }
0x9d: {  	[tilespmem:s24], [sflag:$0x1] =	stream.linear.gather [hbm4b:s12+s28], $0x1400, $0x38;
	[tilespmem:$0xB480] =	vst v63  }
0x9e: {  	_ =	swait.ge [sflag:s19], $0x1400  }
0x9f: {  	[sflag:s19] =	ssyncset.done $0x0  }
0xa0: {  	s28 =	simm.s32 $0x0;
	[sflag:s19] =	ssyncadd.s32 $0xFFFFEC00  }
0xa1: {  	v0 =	vld [tilespmem:s28+$0x70]  }
0xa2: {  	v1 =	vld [tilespmem:s28+$0x60]  }
0xa3: {  	v2 =	vld [tilespmem:s28+$0x50]  }
0xa4: {  	v3 =	vld [tilespmem:s28+$0x40]  }
0xa5: {  	v5 =	vld [tilespmem:s28+$0x20]  }
0xa6: {  	v6 =	vld [tilespmem:s28+$0x10]  }
0xa7: {  	v7 =	vld [tilespmem:s28+$0x0]  }
0xa8: {  	v8 =	vld [tilespmem:s28+$0x1470]  }
0xa9: {  	v9 =	vld [tilespmem:s28+$0x1460]  }
0xaa: {  	s29 =	simm.s32 $0x200;
	v4 =	vimm.f32 $0.0e+00;
	v10 =	vld [tilespmem:s28+$0x1400]  }
.LBB2_4:
0xab: {  	p0 =	sne.s32 s29, $0x4E00;
	v11 =	vld [tilespmem:s28+$0x1450]  }
0xac: {  	v12 =	vld [tilespmem:s28+$0x1410]  }
0xad: {  	v13 =	vld [tilespmem:s28+$0x1440]  }
0xae: {  	v14 =	vld [tilespmem:s28+$0x1420]  }
0xaf: {  	v15 =	vld [tilespmem:s28+$0x1430]  }
0xb0: {  	v16 =	vld.idx.msk [tilespmem:v8+s21+$0x0], $0xffff  }
0xb1: {  	v17 =	vld.idx.msk [tilespmem:v9+s21+$0x0], $0xffff  }
0xb2: {  	v18 =	vld.idx.msk [tilespmem:v10+s21+$0x0], $0xffff  }
0xb3: {  	v10 =	vld.idx.msk [tilespmem:v10+s22+$0x0], $0xffff  }
0xb4: {  	v19 =	vld.idx.msk [tilespmem:v12+s21+$0x0], $0xffff  }
0xb5: {  	v12 =	vld.idx.msk [tilespmem:v12+s22+$0x0], $0xffff  }
0xb6: {  	v20 =	vld.idx.msk [tilespmem:v14+s21+$0x0], $0xffff  }
0xb7: {  	v14 =	vld.idx.msk [tilespmem:v14+s22+$0x0], $0xffff  }
0xb8: {  	v21 =	vld.idx.msk [tilespmem:v15+s21+$0x0], $0xffff  }
0xb9: {  	v10 =	vadd.f32 v10, v18;
	v15 =	vld.idx.msk [tilespmem:v15+s22+$0x0], $0xffff  }
0xba: {  	v18 =	vld.idx.msk [tilespmem:v13+s21+$0x0], $0xffff  }
0xbb: {  	v10 =	vmax.f32 v10, $9.999999710e-10;
	v12 =	vadd.f32 v12, v19;
	v13 =	vld.idx.msk [tilespmem:v13+s22+$0x0], $0xffff  }
0xbc: {  	v19 =	vld.idx.msk [tilespmem:v11+s21+$0x0], $0xffff;
	(erf) = vrcp.f32 v10  }
0xbd: {  	v10 =	vmax.f32 v12, $9.999999710e-10;
	v12 =	vadd.f32 v14, v20;
	v11 =	vld.idx.msk [tilespmem:v11+s22+$0x0], $0xffff  }
0xbe: {  	v9 =	vld.idx.msk [tilespmem:v9+s22+$0x0], $0xffff;
	(erf) = vrcp.f32 v10  }
0xbf: {  	v10 =	vmax.f32 v12, $9.999999710e-10;
	v12 =	vadd.f32 v15, v21;
	v8 =	vld.idx.msk [tilespmem:v8+s22+$0x0], $0xffff  }
0xc0: {  	v14 =	vld [tilespmem:s28+$0x30];
	(erf) = vrcp.f32 v10  }
0xc1: {  	v12 =	vmax.f32 v12, $9.999999710e-10;
	v13 =	vadd.f32 v13, v18;
	v10 =	vld [tilespmem:s28+$0x9E80]  }
0xc2: {  	v7 =	vld.idx.msk [tilespmem:v7+s23+$0x0], $0xffff;
	(erf) = vrcp.f32 v12  }
0xc3: {  	v13 =	vmax.f32 v13, $9.999999710e-10;
	v11 =	vadd.f32 v11, v19;
	v12 =	vld [tilespmem:s28+$0x9E90]  }
0xc4: {  	v9 =	vadd.f32 v9, v17;
	v6 =	vld.idx.msk [tilespmem:v6+s23+$0x0], $0xffff;
	(erf) = vrcp.f32 v13  }
0xc5: {  	v11 =	vmax.f32 v11, $9.999999710e-10;
	v8 =	vadd.f32 v8, v16;
	v13 =	vld [tilespmem:s28+$0x9EA0];
	v15 =	vpop (erf)  }
0xc6: {  	v9 =	vmax.f32 v9, $9.999999710e-10;
	v10 =	vmul.f32 v15, v10;
	v5 =	vld.idx.msk [tilespmem:v5+s23+$0x0], $0xffff;
	(erf) = vrcp.f32 v11  }
0xc7: {  	v11 =	vld [tilespmem:s28+$0x9EB0];
	v15 =	vpop (erf);
	(erf) = vrcp.f32 v9  }
0xc8: {  	v8 =	vmax.f32 v8, $9.999999710e-10;
	v7 =	vmul.f32 v10, v7;
	v15 =	vmul.f32 v15, v12;
	v10 =	vld.idx.msk [tilespmem:v14+s23+$0x0], $0xffff  }
0xc9: {  	v12 =	vld [tilespmem:s28+$0x9EC0];
	v14 =	vpop (erf);
	(erf) = vrcp.f32 v8  }
0xca: {  	v4 =	vadd.f32 v7, v4;
	v6 =	vmul.f32 v15, v6;
	v7 =	vmul.f32 v14, v13;
	v3 =	vld.idx.msk [tilespmem:v3+s23+$0x0], $0xffff  }
0xcb: {  	v8 =	vld [tilespmem:s28+$0x9ED0];
	v9 =	vpop (erf)  }
0xcc: {  	v4 =	vadd.f32 v6, v4;
	v5 =	vmul.f32 v7, v5;
	v6 =	vmul.f32 v9, v11;
	v2 =	vld.idx.msk [tilespmem:v2+s23+$0x0], $0xffff  }
0xcd: {  	v7 =	vld [tilespmem:s28+$0x9EE0];
	v9 =	vpop (erf)  }
0xce: {  	v4 =	vadd.f32 v5, v4;
	v5 =	vmul.f32 v6, v10;
	v11 =	vmul.f32 v9, v12;
	v9 =	vld.idx.msk [tilespmem:v1+s23+$0x0], $0xffff  }
0xcf: {  	v10 =	vld [tilespmem:s28+$0x9EF0];
	v1 =	vpop (erf)  }
0xd0: {  	s28 =	sshra.s32 s29, $0x2;
	v4 =	vadd.f32 v5, v4;
	v3 =	vmul.f32 v11, v3;
	v5 =	vmul.f32 v1, v8;
	v8 =	vld.idx.msk [tilespmem:v0+s23+$0x0], $0xffff;
	v6 =	vpop (erf)  }
0xd1: {  	v0 =	vld [tilespmem:s28+$0x70]  }
0xd2: {  	v1 =	vld [tilespmem:s28+$0x60];
	v4 =	vadd.f32 v3, v4;
	v5 =	vmul.f32 v5, v2;
	v6 =	vmul.f32 v6, v7;
	v7 =	vpop (erf)  }
0xd3: {  	v2 =	vld [tilespmem:s28+$0x50]  }
0xd4: {  	v3 =	vld [tilespmem:s28+$0x40];
	v4 =	vadd.f32 v5, v4;
	v9 =	vmul.f32 v6, v9;
	v7 =	vmul.f32 v7, v10  }
0xd5: {  	v5 =	vld [tilespmem:s28+$0x20]  }
.Ltmp1:
0xd6: {  	v6 =	vld [tilespmem:s28+$0x10];
	v4 =	vadd.f32 v9, v4;
	v9 =	vmul.f32 v7, v8;
	(pc) =	sbr.rel @p0 .LBB2_4-.Ltmp1, $4  }
0xd7: {  	v7 =	vld [tilespmem:s28+$0x0]  }
0xd8: {  	v8 =	vld [tilespmem:s28+$0x1470];
	v4 =	vadd.f32 v9, v4  }
0xd9: {  	v9 =	vld [tilespmem:s28+$0x1460]  }
0xda: {  	s29 =	sadd.s32 $0x200, s29;
	v10 =	vld [tilespmem:s28+$0x1400]  }
0xdb: {  	_ = 	snop  }
0xdc: {  	v11 =	vld [tilespmem:s28+$0x1450]  }
0xdd: {  	v12 =	vld [tilespmem:s28+$0x1410]  }
0xde: {  	v13 =	vld [tilespmem:s28+$0x1440]  }
0xdf: {  	v14 =	vld [tilespmem:s28+$0x1420]  }
0xe0: {  	v15 =	vld [tilespmem:s28+$0x1430]  }
0xe1: {  	v57 =	vld [tilespmem:s28+$0x30]  }
0xe2: {  	v58 =	vld [tilespmem:s28+$0x9E90]  }
0xe3: {  	v18 =	vld.idx.msk [tilespmem:v10+s21+$0x0], $0xffff  }
0xe4: {  	v10 =	vld.idx.msk [tilespmem:v10+s22+$0x0], $0xffff  }
0xe5: {  	v19 =	vld.idx.msk [tilespmem:v12+s21+$0x0], $0xffff  }
0xe6: {  	v12 =	vld.idx.msk [tilespmem:v12+s22+$0x0], $0xffff  }
0xe7: {  	v17 =	vld.idx.msk [tilespmem:v9+s21+$0x0], $0xffff  }
0xe8: {  	v20 =	vld.idx.msk [tilespmem:v14+s21+$0x0], $0xffff  }
0xe9: {  	v14 =	vld.idx.msk [tilespmem:v14+s22+$0x0], $0xffff  }
0xea: {  	v21 =	vld.idx.msk [tilespmem:v15+s21+$0x0], $0xffff;
	v10 =	vadd.f32 v10, v18  }
0xeb: {  	v15 =	vld.idx.msk [tilespmem:v15+s22+$0x0], $0xffff;
	v12 =	vadd.f32 v12, v19  }
0xec: {  	v53 =	vld.idx.msk [tilespmem:v13+s21+$0x0], $0xffff;
	v10 =	vmax.f32 v10, $9.999999710e-10  }
0xed: {  	v13 =	vld.idx.msk [tilespmem:v13+s22+$0x0], $0xffff;
	(erf) = vrcp.f32 v10;
	v10 =	vmax.f32 v12, $9.999999710e-10  }
0xee: {  	v54 =	vld.idx.msk [tilespmem:v11+s21+$0x0], $0xffff;
	v55 =	vadd.f32 v14, v20;
	(erf) = vrcp.f32 v10  }
0xef: {  	v11 =	vld.idx.msk [tilespmem:v11+s22+$0x0], $0xffff  }
0xf0: {  	v9 =	vld.idx.msk [tilespmem:v9+s22+$0x0], $0xffff;
	v56 =	vadd.f32 v15, v21;
	v10 =	vmax.f32 v55, $9.999999710e-10  }
0xf1: {  	v16 =	vld.idx.msk [tilespmem:v8+s21+$0x0], $0xffff;
	(erf) = vrcp.f32 v10  }
0xf2: {  	v13 =	vadd.f32 v13, v53;
	v12 =	vmax.f32 v56, $9.999999710e-10;
	v10 =	vld [tilespmem:s28+$0x9E80]  }
0xf3: {  	v8 =	vld.idx.msk [tilespmem:v8+s22+$0x0], $0xffff;
	(erf) = vrcp.f32 v12  }
0xf4: {  	v7 =	vld.idx.msk [tilespmem:v7+s23+$0x0], $0xffff;
	v11 =	vadd.f32 v11, v54;
	v13 =	vmax.f32 v13, $9.999999710e-10  }
0xf5: {  	v6 =	vld.idx.msk [tilespmem:v6+s23+$0x0], $0xffff;
	v9 =	vadd.f32 v9, v17;
	(erf) = vrcp.f32 v13  }
0xf6: {  	v59 =	vld [tilespmem:s28+$0x9EA0];
	v11 =	vmax.f32 v11, $9.999999710e-10;
	v60 =	vpop (erf)  }
0xf7: {  	v5 =	vld.idx.msk [tilespmem:v5+s23+$0x0], $0xffff;
	v9 =	vmax.f32 v9, $9.999999710e-10;
	(erf) = vrcp.f32 v11;
	v10 =	vmul.f32 v60, v10;
	v61 =	vpop (erf)  }
0xf8: {  	v8 =	vadd.f32 v8, v16;
	v11 =	vld [tilespmem:s28+$0x9EB0];
	(erf) = vrcp.f32 v9;
	v9 =	vmul.f32 v61, v58  }
0xf9: {  	v62 =	vld [tilespmem:s28+$0x9EC0];
	v7 =	vmul.f32 v10, v7  }
0xfa: {  	v8 =	vmax.f32 v8, $9.999999710e-10;
	v10 =	vld.idx.msk [tilespmem:v57+s23+$0x0], $0xffff;
	v63 =	vpop (erf)  }
0xfb: {  	v4 =	vadd.f32 v7, v4;
	v7 =	vmul.f32 v63, v59;
	v6 =	vmul.f32 v9, v6  }
0xfc: {  	(erf) = vrcp.f32 v8;
	v8 =	vld [tilespmem:s28+$0x9ED0];
	v9 =	vpop (erf)  }
0xfd: {  	v3 =	vld.idx.msk [tilespmem:v3+s23+$0x0], $0xffff;
	v5 =	vmul.f32 v7, v5;
	v4 =	vadd.f32 v6, v4;
	v6 =	vmul.f32 v9, v11  }
0xfe: {  	v2 =	vld.idx.msk [tilespmem:v2+s23+$0x0], $0xffff;
	v9 =	vpop (erf)  }
0xff: {  	v7 =	vld [tilespmem:s28+$0x9EE0];
	v4 =	vadd.f32 v5, v4;
	v5 =	vmul.f32 v6, v10;
	v6 =	vmul.f32 v9, v62  }
0x100: {  	v1 =	vld.idx.msk [tilespmem:v1+s23+$0x0], $0xffff;
	v10 =	vpop (erf)  }
0x101: {  	v9 =	vld [tilespmem:s28+$0x9EF0];
	v4 =	vadd.f32 v5, v4;
	v5 =	vmul.f32 v10, v8  }
0x102: {  	v3 =	vmul.f32 v6, v3  }
0x103: {  	v0 =	vld.idx.msk [tilespmem:v0+s23+$0x0], $0xffff;
	v6 =	vpop (erf)  }
0x104: {  	v3 =	vadd.f32 v3, v4;
	v2 =	vmul.f32 v5, v2;
	v4 =	vmul.f32 v6, v7  }
0x105: {  	v5 =	vpop (erf)  }
0x106: {  	v2 =	vadd.f32 v2, v3;
	v1 =	vmul.f32 v4, v1;
	v3 =	vmul.f32 v5, v9;
	_ =	sdelay $0x1  }
0x107: {  	v1 =	vadd.f32 v1, v2;
	v0 =	vmul.f32 v3, v0;
	_ =	sdelay $0x1  }
0x108: {  	v0 =	vadd.f32 v0, v1;
	_ =	sdelay $0x1  }
0x109: {  	s28 =	simm.s32 $0x0;
	[tilespmem:$0xB300] =	vst v0  }
0x10a: {  	[tilespmem:s21], [sflag:$0x1] =	stream.linear.gather [hbm4b:s13+s28], $0x2780, $0x38;
	[tilespmem:$0xB480] =	vst v63  }
0x10b: {  	_ =	swait.ge [sflag:s19], $0x2780  }
0x10c: {  	[sflag:s19] =	ssyncset.done $0x0  }
0x10d: {  	[sflag:s19] =	ssyncadd.s32 $0xFFFFD880  }
0x10e: {  	[tilespmem:s22], [sflag:$0x1] =	stream.linear.gather [hbm4b:s14+s28], $0x2780, $0x38;
	[tilespmem:$0xB480] =	vst v63  }
0x10f: {  	_ =	swait.ge [sflag:s19], $0x2780  }
0x110: {  	[sflag:s19] =	ssyncset.done $0x0  }
0x111: {  	[sflag:s19] =	ssyncadd.s32 $0xFFFFD880  }
0x112: {  	[tilespmem:s23], [sflag:$0x1] =	stream.linear.gather [hbm4b:s15+s28], $0x2780, $0x38;
	[tilespmem:$0xB480] =	vst v63  }
0x113: {  	_ =	swait.ge [sflag:s19], $0x2780  }
0x114: {  	[sflag:s19] =	ssyncset.done $0x0  }
0x115: {  	[sflag:s19] =	ssyncadd.s32 $0xFFFFD880  }
0x116: {  	[tilespmem:s24], [sflag:$0x1] =	stream.linear.gather [hbm4b:s16+s28], $0x1400, $0x38;
	[tilespmem:$0xB480] =	vst v63  }
0x117: {  	_ =	swait.ge [sflag:s19], $0x1400  }
0x118: {  	[sflag:s19] =	ssyncset.done $0x0  }
0x119: {  	s28 =	simm.s32 $0x0;
	[sflag:s19] =	ssyncadd.s32 $0xFFFFEC00  }
0x11a: {  	v0 =	vld [tilespmem:s28+$0x70]  }
0x11b: {  	v1 =	vld [tilespmem:s28+$0x60]  }
0x11c: {  	v2 =	vld [tilespmem:s28+$0x50]  }
0x11d: {  	v3 =	vld [tilespmem:s28+$0x40]  }
0x11e: {  	v5 =	vld [tilespmem:s28+$0x20]  }
0x11f: {  	v6 =	vld [tilespmem:s28+$0x10]  }
0x120: {  	v7 =	vld [tilespmem:s28+$0x0]  }
0x121: {  	v8 =	vld [tilespmem:s28+$0x1470]  }
0x122: {  	v9 =	vld [tilespmem:s28+$0x1460]  }
0x123: {  	s29 =	simm.s32 $0x200;
	v4 =	vimm.f32 $0.0e+00;
	v10 =	vld [tilespmem:s28+$0x1400]  }
.LBB2_6:
0x124: {  	p0 =	sne.s32 s29, $0x4E00;
	v11 =	vld [tilespmem:s28+$0x1450]  }
0x125: {  	v12 =	vld [tilespmem:s28+$0x1410]  }
0x126: {  	v13 =	vld [tilespmem:s28+$0x1440]  }
0x127: {  	v14 =	vld [tilespmem:s28+$0x1420]  }
0x128: {  	v15 =	vld [tilespmem:s28+$0x1430]  }
0x129: {  	v16 =	vld.idx.msk [tilespmem:v8+s21+$0x0], $0xffff  }
0x12a: {  	v17 =	vld.idx.msk [tilespmem:v9+s21+$0x0], $0xffff  }
0x12b: {  	v18 =	vld.idx.msk [tilespmem:v10+s21+$0x0], $0xffff  }
0x12c: {  	v10 =	vld.idx.msk [tilespmem:v10+s22+$0x0], $0xffff  }
0x12d: {  	v19 =	vld.idx.msk [tilespmem:v12+s21+$0x0], $0xffff  }
0x12e: {  	v12 =	vld.idx.msk [tilespmem:v12+s22+$0x0], $0xffff  }
0x12f: {  	v20 =	vld.idx.msk [tilespmem:v14+s21+$0x0], $0xffff  }
0x130: {  	v14 =	vld.idx.msk [tilespmem:v14+s22+$0x0], $0xffff  }
0x131: {  	v21 =	vld.idx.msk [tilespmem:v15+s21+$0x0], $0xffff  }
0x132: {  	v10 =	vadd.f32 v10, v18;
	v15 =	vld.idx.msk [tilespmem:v15+s22+$0x0], $0xffff  }
0x133: {  	v18 =	vld.idx.msk [tilespmem:v13+s21+$0x0], $0xffff  }
0x134: {  	v10 =	vmax.f32 v10, $9.999999710e-10;
	v12 =	vadd.f32 v12, v19;
	v13 =	vld.idx.msk [tilespmem:v13+s22+$0x0], $0xffff  }
0x135: {  	v19 =	vld.idx.msk [tilespmem:v11+s21+$0x0], $0xffff;
	(erf) = vrcp.f32 v10  }
0x136: {  	v10 =	vmax.f32 v12, $9.999999710e-10;
	v12 =	vadd.f32 v14, v20;
	v11 =	vld.idx.msk [tilespmem:v11+s22+$0x0], $0xffff  }
0x137: {  	v9 =	vld.idx.msk [tilespmem:v9+s22+$0x0], $0xffff;
	(erf) = vrcp.f32 v10  }
0x138: {  	v10 =	vmax.f32 v12, $9.999999710e-10;
	v12 =	vadd.f32 v15, v21;
	v8 =	vld.idx.msk [tilespmem:v8+s22+$0x0], $0xffff  }
0x139: {  	v14 =	vld [tilespmem:s28+$0x30];
	(erf) = vrcp.f32 v10  }
0x13a: {  	v12 =	vmax.f32 v12, $9.999999710e-10;
	v13 =	vadd.f32 v13, v18;
	v10 =	vld [tilespmem:s28+$0x9E80]  }
0x13b: {  	v7 =	vld.idx.msk [tilespmem:v7+s23+$0x0], $0xffff;
	(erf) = vrcp.f32 v12  }
0x13c: {  	v13 =	vmax.f32 v13, $9.999999710e-10;
	v11 =	vadd.f32 v11, v19;
	v12 =	vld [tilespmem:s28+$0x9E90]  }
0x13d: {  	v9 =	vadd.f32 v9, v17;
	v6 =	vld.idx.msk [tilespmem:v6+s23+$0x0], $0xffff;
	(erf) = vrcp.f32 v13  }
0x13e: {  	v11 =	vmax.f32 v11, $9.999999710e-10;
	v8 =	vadd.f32 v8, v16;
	v13 =	vld [tilespmem:s28+$0x9EA0];
	v15 =	vpop (erf)  }
0x13f: {  	v9 =	vmax.f32 v9, $9.999999710e-10;
	v10 =	vmul.f32 v15, v10;
	v5 =	vld.idx.msk [tilespmem:v5+s23+$0x0], $0xffff;
	(erf) = vrcp.f32 v11  }
0x140: {  	v11 =	vld [tilespmem:s28+$0x9EB0];
	v15 =	vpop (erf);
	(erf) = vrcp.f32 v9  }
0x141: {  	v8 =	vmax.f32 v8, $9.999999710e-10;
	v7 =	vmul.f32 v10, v7;
	v15 =	vmul.f32 v15, v12;
	v10 =	vld.idx.msk [tilespmem:v14+s23+$0x0], $0xffff  }
0x142: {  	v12 =	vld [tilespmem:s28+$0x9EC0];
	v14 =	vpop (erf);
	(erf) = vrcp.f32 v8  }
0x143: {  	v4 =	vadd.f32 v7, v4;
	v6 =	vmul.f32 v15, v6;
	v7 =	vmul.f32 v14, v13;
	v3 =	vld.idx.msk [tilespmem:v3+s23+$0x0], $0xffff  }
0x144: {  	v8 =	vld [tilespmem:s28+$0x9ED0];
	v9 =	vpop (erf)  }
0x145: {  	v4 =	vadd.f32 v6, v4;
	v5 =	vmul.f32 v7, v5;
	v6 =	vmul.f32 v9, v11;
	v2 =	vld.idx.msk [tilespmem:v2+s23+$0x0], $0xffff  }
0x146: {  	v7 =	vld [tilespmem:s28+$0x9EE0];
	v9 =	vpop (erf)  }
0x147: {  	v4 =	vadd.f32 v5, v4;
	v5 =	vmul.f32 v6, v10;
	v11 =	vmul.f32 v9, v12;
	v9 =	vld.idx.msk [tilespmem:v1+s23+$0x0], $0xffff  }
0x148: {  	v10 =	vld [tilespmem:s28+$0x9EF0];
	v1 =	vpop (erf)  }
0x149: {  	s28 =	sshra.s32 s29, $0x2;
	v4 =	vadd.f32 v5, v4;
	v3 =	vmul.f32 v11, v3;
	v5 =	vmul.f32 v1, v8;
	v8 =	vld.idx.msk [tilespmem:v0+s23+$0x0], $0xffff;
	v6 =	vpop (erf)  }
0x14a: {  	v0 =	vld [tilespmem:s28+$0x70]  }
0x14b: {  	v1 =	vld [tilespmem:s28+$0x60];
	v4 =	vadd.f32 v3, v4;
	v5 =	vmul.f32 v5, v2;
	v6 =	vmul.f32 v6, v7;
	v7 =	vpop (erf)  }
0x14c: {  	v2 =	vld [tilespmem:s28+$0x50]  }
0x14d: {  	v3 =	vld [tilespmem:s28+$0x40];
	v4 =	vadd.f32 v5, v4;
	v9 =	vmul.f32 v6, v9;
	v7 =	vmul.f32 v7, v10  }
0x14e: {  	v5 =	vld [tilespmem:s28+$0x20]  }
.Ltmp2:
0x14f: {  	v6 =	vld [tilespmem:s28+$0x10];
	v4 =	vadd.f32 v9, v4;
	v9 =	vmul.f32 v7, v8;
	(pc) =	sbr.rel @p0 .LBB2_6-.Ltmp2, $4  }
0x150: {  	v7 =	vld [tilespmem:s28+$0x0]  }
0x151: {  	v8 =	vld [tilespmem:s28+$0x1470];
	v4 =	vadd.f32 v9, v4  }
0x152: {  	v9 =	vld [tilespmem:s28+$0x1460]  }
0x153: {  	s29 =	sadd.s32 $0x200, s29;
	v10 =	vld [tilespmem:s28+$0x1400]  }
0x154: {  	_ = 	snop  }
0x155: {  	v11 =	vld [tilespmem:s28+$0x1450]  }
0x156: {  	v12 =	vld [tilespmem:s28+$0x1410]  }
0x157: {  	v13 =	vld [tilespmem:s28+$0x1440]  }
0x158: {  	v14 =	vld [tilespmem:s28+$0x1420]  }
0x159: {  	v15 =	vld [tilespmem:s28+$0x1430]  }
0x15a: {  	v38 =	vld [tilespmem:s28+$0x30]  }
0x15b: {  	v39 =	vld [tilespmem:s28+$0x9E80]  }
0x15c: {  	v18 =	vld.idx.msk [tilespmem:v10+s21+$0x0], $0xffff  }
0x15d: {  	v29 =	vld.idx.msk [tilespmem:v10+s22+$0x0], $0xffff  }
0x15e: {  	v16 =	vld.idx.msk [tilespmem:v8+s21+$0x0], $0xffff  }
0x15f: {  	v19 =	vld.idx.msk [tilespmem:v12+s21+$0x0], $0xffff  }
0x160: {  	v12 =	vld.idx.msk [tilespmem:v12+s22+$0x0], $0xffff  }
0x161: {  	v20 =	vld.idx.msk [tilespmem:v14+s21+$0x0], $0xffff  }
0x162: {  	v14 =	vld.idx.msk [tilespmem:v14+s22+$0x0], $0xffff;
	v10 =	vadd.f32 v29, v18  }
0x163: {  	v21 =	vld.idx.msk [tilespmem:v15+s21+$0x0], $0xffff  }
0x164: {  	v15 =	vld.idx.msk [tilespmem:v15+s22+$0x0], $0xffff;
	v10 =	vmax.f32 v10, $9.999999710e-10  }
0x165: {  	v30 =	vld.idx.msk [tilespmem:v13+s21+$0x0], $0xffff;
	(erf) = vrcp.f32 v10;
	v12 =	vadd.f32 v12, v19  }
0x166: {  	v13 =	vld.idx.msk [tilespmem:v13+s22+$0x0], $0xffff  }
0x167: {  	v31 =	vld.idx.msk [tilespmem:v11+s21+$0x0], $0xffff;
	v33 =	vadd.f32 v14, v20;
	v32 =	vmax.f32 v12, $9.999999710e-10  }
0x168: {  	v11 =	vld.idx.msk [tilespmem:v11+s22+$0x0], $0xffff;
	(erf) = vrcp.f32 v32  }
0x169: {  	v17 =	vld.idx.msk [tilespmem:v9+s21+$0x0], $0xffff;
	v36 =	vadd.f32 v15, v21;
	v35 =	vmax.f32 v33, $9.999999710e-10  }
0x16a: {  	v34 =	vld.idx.msk [tilespmem:v9+s22+$0x0], $0xffff;
	(erf) = vrcp.f32 v35  }
0x16b: {  	v37 =	vld.idx.msk [tilespmem:v8+s22+$0x0], $0xffff;
	v13 =	vadd.f32 v13, v30;
	v12 =	vmax.f32 v36, $9.999999710e-10  }
0x16c: {  	v7 =	vld.idx.msk [tilespmem:v7+s23+$0x0], $0xffff;
	(erf) = vrcp.f32 v12  }
0x16d: {  	v40 =	vld [tilespmem:s28+$0x9E90];
	v11 =	vadd.f32 v11, v31;
	v13 =	vmax.f32 v13, $9.999999710e-10  }
0x16e: {  	v6 =	vld.idx.msk [tilespmem:v6+s23+$0x0], $0xffff;
	(erf) = vrcp.f32 v13;
	v42 =	vpop (erf)  }
0x16f: {  	v41 =	vld [tilespmem:s28+$0x9EA0];
	v9 =	vadd.f32 v34, v17;
	v11 =	vmax.f32 v11, $9.999999710e-10;
	v10 =	vmul.f32 v42, v39  }
0x170: {  	v5 =	vld.idx.msk [tilespmem:v5+s23+$0x0], $0xffff;
	v8 =	vadd.f32 v37, v16;
	(erf) = vrcp.f32 v11  }
0x171: {  	v43 =	vld [tilespmem:s28+$0x9EB0];
	v9 =	vmax.f32 v9, $9.999999710e-10;
	v7 =	vmul.f32 v10, v7;
	v44 =	vpop (erf)  }
0x172: {  	v47 =	vld [tilespmem:s28+$0x9EC0];
	v8 =	vmax.f32 v8, $9.999999710e-10;
	(erf) = vrcp.f32 v9;
	v45 =	vmul.f32 v44, v40  }
0x173: {  	v46 =	vld.idx.msk [tilespmem:v38+s23+$0x0], $0xffff;
	v48 =	vpop (erf);
	(erf) = vrcp.f32 v8  }
0x174: {  	v3 =	vld.idx.msk [tilespmem:v3+s23+$0x0], $0xffff;
	v4 =	vadd.f32 v7, v4;
	v49 =	vmul.f32 v48, v41;
	v6 =	vmul.f32 v45, v6  }
0x175: {  	v50 =	vld [tilespmem:s28+$0x9ED0];
	v51 =	vpop (erf)  }
0x176: {  	v2 =	vld.idx.msk [tilespmem:v2+s23+$0x0], $0xffff;
	v52 =	vmul.f32 v51, v43;
	v5 =	vmul.f32 v49, v5;
	v4 =	vadd.f32 v6, v4  }
0x177: {  	v53 =	vld [tilespmem:s28+$0x9EE0];
	v54 =	vpop (erf)  }
0x178: {  	v1 =	vld.idx.msk [tilespmem:v1+s23+$0x0], $0xffff;
	v56 =	vmul.f32 v54, v47;
	v55 =	vmul.f32 v52, v46;
	v4 =	vadd.f32 v5, v4  }
0x179: {  	v57 =	vld [tilespmem:s28+$0x9EF0];
	v58 =	vpop (erf)  }
0x17a: {  	v3 =	vmul.f32 v56, v3;
	v59 =	vmul.f32 v58, v50;
	v4 =	vadd.f32 v55, v4  }
0x17b: {  	v0 =	vld.idx.msk [tilespmem:v0+s23+$0x0], $0xffff;
	v60 =	vpop (erf)  }
0x17c: {  	v2 =	vmul.f32 v59, v2;
	v61 =	vmul.f32 v60, v53;
	v3 =	vadd.f32 v3, v4  }
0x17d: {  	v62 =	vpop (erf)  }
0x17e: {  	v63 =	vmul.f32 v62, v57;
	v1 =	vmul.f32 v61, v1;
	v2 =	vadd.f32 v2, v3;
	_ =	sdelay $0x1  }
0x17f: {  	v0 =	vmul.f32 v63, v0;
	v1 =	vadd.f32 v1, v2;
	_ =	sdelay $0x1  }
0x180: {  	s26 =	sadd.s32 $0x1, s26;
	v0 =	vadd.f32 v0, v1  }
0x181: {  	p0 =	sne.s32 s26, s18  }
.Ltmp3:
0x182: {  	[tilespmem:$0xB380] =	vst v0;
	(pc) =	sbr.rel @p0 .LBB2_1-.Ltmp3, $4  }
0x183: {  	[hbm4b:s17+s2] =	stream.linear.scatter [tilespmem:s25], [sflag:$0x1], $0x180, $0x38;
	[tilespmem:$0xB480] =	vst v63  }
0x184: {  	_ =	swait.ge [sflag:s19], $0x180  }
0x185: {  	[sflag:s19] =	ssyncset.done $0x0  }
0x186: {  	[sflag:s19] =	ssyncadd.s32 $0xFFFFFE80  }
0x187: {  	_ =	sfence.sel $0x180000  }
0x188: {  	[bflag:$0x0] =	sbarrier.arrive $0xFFFF  }
0x189: {  	p0 =	sne.s32 s1, $0x0;
	_ =	strace $0x9000004A  }
0x18a: {  	s0 =	sadd.s32 @!p0 $0x100000, s0;
	[bflag:$0x2] =	sbarrier.arrive $0xFFFF  }
0x18b: {  	[sflag:s0] =	ssyncadd.tile.s32 @!p0 $0x1;
	_ =	shalt  }
.Lfunc_end2:
_tile_overlayer_lowered:
.L_overlay_start_2:
0x18c: {  	(tag) =	ssettag $0x2  }
0x18d: {  	s0 =	rddreg [dreg:$0x0];
	s2 =	stileid.u32  }
0x18e: {  	s1 =	rddreg [dreg:$0x1];
	p0 =	sne.s32 s2, $0x0  }
0x18f: {  	s3 =	rddreg [dreg:$0x2];
	[bflag:$0x3] =	sbarrier.arrive $0xFFFF;
	s2 =	simm.s32 @!p0 $0x1C01  }
0x190: {  	[timem:s3], [sflag:s2] =	dma.local @!p0 [hbm:s0], s1  }
0x191: {  	s0 =	simm.s32 @!p0 $0x1  }
0x192: {  	_ =	swait.ge @!p0 [sflag:s0], s1  }
0x193: {  	s1 =	ssub.s32 @!p0 $0x0, s1;
	[sflag:s0] =	ssyncset.done @!p0 $0x0  }
0x194: {  	[sflag:s0] =	ssyncadd.s32 @!p0 s1  }
0x195: {  	[bflag:$0x3] =	sbarrier.arrive $0xFFFF  }
0x196: {  	_ =	shalt  }

</sc_bundles>
